<compile_context>
chip_gen: v7x
topology: tpu7x:2x2x1
jax: 0.10.2.dev20260603
libtpu: 0.0.44.dev20260713+nightly
codegen_flags: <defaults>
</compile_context>

<pallas_src>
import functools

import jax
import jax.numpy as jnp
from jax import lax
from jax.experimental import pallas as pl
from jax.experimental.pallas import tpu as pltpu
from jax.experimental.pallas import tpu_sc as plsc

N = 10000
E = 320000
DIN = 128
EDIM = 16
HID = 32
H1 = 4
OUT = 128

NC = 2
NS = 16
NW = NC * NS
B = 64
EP = ((E + NW * B * 2 - 1) // (NW * B * 2)) * (NW * B * 2)
NPAD = ((N + 1 + NS * 8 - 1) // (NS * 8)) * (NS * 8)
ACCW = 144
BM = 1000


def _blockdiag(a):
    h, c = a.shape
    out = jnp.zeros((h * c, h), jnp.float32)
    return out.at[jnp.arange(h * c), jnp.repeat(jnp.arange(h), c)].set(
        a.reshape(-1))



def _node1_body(x_ref, w1_ref, as_ref, ad_ref, h_ref, ts_ref, td_ref):
    h = jnp.dot(x_ref[...], w1_ref[...], preferred_element_type=jnp.float32)
    h_ref[...] = h
    s = jnp.dot(h, as_ref[...], preferred_element_type=jnp.float32)
    d = jnp.dot(h, ad_ref[...], preferred_element_type=jnp.float32)
    z = jnp.zeros((s.shape[0], 12), jnp.float32)
    ts_ref[...] = jnp.concatenate([s, z], axis=1)
    td_ref[...] = jnp.concatenate([d, z], axis=1)


def _node1_call(x, W1, As1, Ad1):
    nb = N // BM
    full = lambda shape: pl.BlockSpec(shape, lambda i: (0, 0))
    row = lambda w: pl.BlockSpec((BM, w), lambda i: (i, 0))
    return pl.pallas_call(
        _node1_body,
        grid=(nb,),
        in_specs=[row(DIN), full((DIN, H1 * HID)), full((H1 * HID, H1)),
                  full((H1 * HID, H1))],
        out_specs=[row(H1 * HID), row(16), row(16)],
        out_shape=[jax.ShapeDtypeStruct((N, H1 * HID), jnp.float32),
                   jax.ShapeDtypeStruct((N, 16), jnp.float32),
                   jax.ShapeDtypeStruct((N, 16), jnp.float32)],
    )(x, W1, As1, Ad1)


def _edge_body(ea_ref, we1_ref, ae1_ref, we2_ref, ae2_ref, et_ref):
    ve1 = jnp.dot(we1_ref[...], ae1_ref[...],
                  preferred_element_type=jnp.float32)
    ve2 = jnp.dot(we2_ref[...], ae2_ref[...],
                  preferred_element_type=jnp.float32)
    ea = ea_ref[...]
    e1 = jnp.dot(ea, ve1, preferred_element_type=jnp.float32)
    e2 = jnp.dot(ea, ve2, preferred_element_type=jnp.float32)
    bm = ea.shape[0]
    one = jnp.ones((bm, 1), jnp.float32)
    z6 = jnp.zeros((bm, 6), jnp.float32)
    et_ref[...] = jnp.concatenate([e1, e1, e2, one, z6], axis=1)


def _edge_call(eap, We1, Ae1, We2, Ae2):
    bm = NW * B
    nb = EP // bm
    full = lambda shape: pl.BlockSpec(shape, lambda i: (0, 0))
    return pl.pallas_call(
        _edge_body,
        grid=(nb,),
        in_specs=[pl.BlockSpec((bm, EDIM), lambda i: (i, 0)),
                  full((EDIM, H1 * HID)), full((H1 * HID, H1)),
                  full((EDIM, OUT)), full((OUT, 1))],
        out_specs=pl.BlockSpec((bm, 16), lambda i: (i, 0)),
        out_shape=jax.ShapeDtypeStruct((EP, 16), jnp.float32),
    )(eap, We1, Ae1, We2, Ae2)


def _lrelu(v):
    return jnp.where(v >= 0, v, 0.2 * v)


def _mid_body(a0_ref, a1_ref, h1_ref, ts_ref, td_ref, w2_ref, as2_ref,
              ad2_ref, b1_ref, h2_ref, ts2_ref, td2_ref, aux_ref):
    acc = a0_ref[...] + a1_ref[...]
    den1 = acc[:, 128:132]
    se1 = acc[:, 132:136]
    se2 = acc[:, 136:137]
    deg = acc[:, 137:138]
    mdeg = jnp.maximum(deg, 1.0)
    s1 = ts_ref[...][:, 0:4]
    d1 = td_ref[...][:, 0:4]
    exs1 = jnp.exp(_lrelu(s1 + d1 + se1 / mdeg))
    dent = den1 + exs1 + 1e-16
    h1 = h1_ref[...]
    cols = []
    for hh in range(H1):
        sl = slice(hh * HID, (hh + 1) * HID)
        cols.append((acc[:, sl] + exs1[:, hh:hh + 1] * h1[:, sl])
                    / dent[:, hh:hh + 1])
    out1 = jnp.concatenate(cols, axis=1) + b1_ref[...]
    h2in = jnp.maximum(out1, 0.0)
    h2 = jnp.dot(h2in, w2_ref[...], preferred_element_type=jnp.float32)
    h2_ref[...] = h2
    s2 = jnp.dot(h2, as2_ref[...], preferred_element_type=jnp.float32)
    d2 = jnp.dot(h2, ad2_ref[...], preferred_element_type=jnp.float32)
    exs2 = jnp.exp(_lrelu(s2 + d2 + se2 / mdeg))
    bm = acc.shape[0]
    z8 = jnp.zeros((bm, 8), jnp.float32)
    z7 = jnp.zeros((bm, 7), jnp.float32)
    ts2_ref[...] = jnp.concatenate([z8, s2, z7], axis=1)
    td2_ref[...] = jnp.concatenate([z8, d2, z7], axis=1)
    aux_ref[...] = jnp.concatenate([exs2, z8, z7], axis=1)


def _mid_call(acc0, acc1, h1, ts, td, W2, As2, Ad2, b1row):
    nb = N // BM
    full = lambda shape: pl.BlockSpec(shape, lambda i: (0, 0))
    row = lambda w: pl.BlockSpec((BM, w), lambda i: (i, 0))
    return pl.pallas_call(
        _mid_body,
        grid=(nb,),
        in_specs=[row(ACCW), row(ACCW), row(H1 * HID), row(16), row(16),
                  full((H1 * HID, OUT)), full((OUT, 1)), full((OUT, 1)),
                  full((1, H1 * HID))],
        out_specs=[row(OUT), row(16), row(16), row(16)],
        out_shape=[jax.ShapeDtypeStruct((N, OUT), jnp.float32),
                   jax.ShapeDtypeStruct((N, 16), jnp.float32),
                   jax.ShapeDtypeStruct((N, 16), jnp.float32),
                   jax.ShapeDtypeStruct((N, 16), jnp.float32)],
    )(acc0, acc1, h1, ts, td, W2, As2, Ad2, b1row)


def _final_body(a0_ref, a1_ref, h2_ref, aux_ref, b2_ref, out_ref):
    acc = a0_ref[...] + a1_ref[...]
    den2 = acc[:, 136:137]
    exs2 = aux_ref[...][:, 0:1]
    h2 = h2_ref[...]
    out_ref[...] = ((acc[:, 0:128] + exs2 * h2)
                    / (den2 + exs2 + 1e-16)) + b2_ref[...]


def _final_call(acc0, acc1, h2, aux, b2row):
    nb = N // BM
    full = lambda shape: pl.BlockSpec(shape, lambda i: (0, 0))
    row = lambda w: pl.BlockSpec((BM, w), lambda i: (i, 0))
    return pl.pallas_call(
        _final_body,
        grid=(nb,),
        in_specs=[row(ACCW), row(ACCW), row(OUT), row(16), full((1, OUT))],
        out_specs=row(OUT),
        out_shape=jax.ShapeDtypeStruct((N, OUT), jnp.float32),
    )(acc0, acc1, h2, aux, b2row)



def _make_sc_pass(layer):
    mesh = plsc.VectorSubcoreMesh(core_axis_name="c", subcore_axis_name="s")
    nblocks = EP // B
    bpt = nblocks // NW
    rps = NPAD // NS

    @functools.partial(
        pl.kernel,
        out_type=jax.ShapeDtypeStruct((NC, NPAD, ACCW), jnp.float32),
        mesh=mesh,
        compiler_params=pltpu.CompilerParams(use_tc_tiling_on_sc=False),
        scratch_types=[
            pltpu.VMEM((B,), jnp.int32), pltpu.VMEM((B,), jnp.int32),
            pltpu.VMEM((B,), jnp.int32), pltpu.VMEM((B,), jnp.int32),
            pltpu.VMEM((B, 16), jnp.float32), pltpu.VMEM((B, 16), jnp.float32),
            pltpu.VMEM((B, 16), jnp.float32), pltpu.VMEM((B, 16), jnp.float32),
            pltpu.VMEM((B, 16), jnp.float32), pltpu.VMEM((B, 16), jnp.float32),
            pltpu.VMEM((B, 128), jnp.float32),
            pltpu.VMEM((B, 128), jnp.float32),
            pltpu.VMEM((B, ACCW), jnp.float32),
            pltpu.VMEM_SHARED((NPAD, ACCW), jnp.float32),
            pltpu.SemaphoreType.DMA, pltpu.SemaphoreType.DMA,
            pltpu.SemaphoreType.DMA, pltpu.SemaphoreType.DMA,
            pltpu.SemaphoreType.DMA, pltpu.SemaphoreType.DMA,
        ],
    )
    def sc_pass(src_hbm, dst_hbm, et_hbm, tabs_hbm, tabd_hbm, h_hbm, zero_hbm,
                out_hbm, src0, src1, dst0, dst1, s0, s1, d0, d1, et0, et1,
                h0, h1b, msg_v, acc_sh, ss0, ss1, sd0, sd1, sh0, sh1):
        c = lax.axis_index("c")
        s = lax.axis_index("s")
        wid = s * NC + c
        src_v = [src0, src1]
        dst_v = [dst0, dst1]
        s_v = [s0, s1]
        d_v = [d0, d1]
        et_v = [et0, et1]
        h_v = [h0, h1b]
        sem_s = [ss0, ss1]
        sem_d = [sd0, sd1]
        sem_h = [sh0, sh1]

        pltpu.sync_copy(zero_hbm.at[pl.ds(s * rps, rps)],
                        acc_sh.at[pl.ds(s * rps, rps)])
        plsc.subcore_barrier()

        lanes = lax.iota(jnp.int32, 16)

        def fetch(b, bi):
            base = (bi * NW + wid) * B
            pltpu.sync_copy(src_hbm.at[pl.ds(base, B)], src_v[b])
            pltpu.sync_copy(dst_hbm.at[pl.ds(base, B)], dst_v[b])
            pltpu.sync_copy(et_hbm.at[pl.ds(base, B)], et_v[b])
            pltpu.make_async_copy(tabs_hbm.at[src_v[b]], s_v[b],
                                  sem_s[b]).start()
            pltpu.make_async_copy(tabd_hbm.at[dst_v[b]], d_v[b],
                                  sem_d[b]).start()
            pltpu.make_async_copy(h_hbm.at[src_v[b]], h_v[b],
                                  sem_h[b]).start()

        def finish(b):
            pltpu.make_async_copy(tabs_hbm.at[src_v[b]], s_v[b],
                                  sem_s[b]).wait()
            pltpu.make_async_copy(tabd_hbm.at[dst_v[b]], d_v[b],
                                  sem_d[b]).wait()
            pltpu.make_async_copy(h_hbm.at[src_v[b]], h_v[b],
                                  sem_h[b]).wait()

            def one_edge(i):
                arow = s_v[b][i] + d_v[b][i] + et_v[b][i]
                exrow = jnp.exp(_lrelu(arow))
                if layer == 1:
                    tail = jnp.where(lanes < 4, exrow, et_v[b][i])
                    bcs = [jnp.full((16,), exrow[h], jnp.float32)
                           for h in range(4)]
                else:
                    tail = jnp.where(lanes == 8, exrow,
                                     jnp.zeros((16,), jnp.float32))
                    bcs = [jnp.full((16,), exrow[8], jnp.float32)]
                msg_v[i, pl.ds(128, 16)] = tail
                for j in range(8):
                    bc = bcs[j // 2 if layer == 1 else 0]
                    msg_v[i, pl.ds(j * 16, 16)] = (
                        h_v[b][i, pl.ds(j * 16, 16)] * bc)

            @pl.loop(0, B, step=2)
            def _edge(i):
                one_edge(i)
                one_edge(i + 1)

            pltpu.sync_copy(msg_v, acc_sh.at[dst_v[b]], add=True)

        fetch(0, 0)

        @pl.loop(0, bpt // 2)
        def _pair(p):
            fetch(1, 2 * p + 1)
            finish(0)

            @pl.when(2 * p + 2 < bpt)
            def _():
                fetch(0, 2 * p + 2)

            finish(1)

        plsc.subcore_barrier()
        pltpu.sync_copy(acc_sh.at[pl.ds(s * rps, rps)],
                        out_hbm.at[c].at[pl.ds(s * rps, rps)])

    return sc_pass


_sc_pass1 = _make_sc_pass(1)
_sc_pass2 = _make_sc_pass(2)



def kernel(x, edge_index, edge_attr, W1, a_src1, a_dst1, We1, ae1, b1,
           W2, a_src2, a_dst2, We2, ae2, b2):
    src, dst = edge_index[0], edge_index[1]

    As1 = _blockdiag(a_src1)
    Ad1 = _blockdiag(a_dst1)
    Ae1 = _blockdiag(ae1)
    As2 = a_src2.reshape(OUT, 1)
    Ad2 = a_dst2.reshape(OUT, 1)
    Ae2 = ae2.reshape(OUT, 1)

    srcp = jnp.concatenate([src, jnp.zeros((EP - E,), jnp.int32)])
    dstp = jnp.concatenate([dst, jnp.full((EP - E,), N, jnp.int32)])
    eap = jnp.concatenate(
        [edge_attr, jnp.zeros((EP - E, EDIM), jnp.float32)], axis=0)

    et = _edge_call(eap, We1, Ae1, We2, Ae2)
    h1, ts1, td1 = _node1_call(x, W1, As1, Ad1)

    zeros_acc = jnp.zeros((NPAD, ACCW), jnp.float32)
    padn = lambda t: jnp.concatenate(
        [t, jnp.zeros((NPAD - N, t.shape[1]), t.dtype)], axis=0)

    acc1 = _sc_pass1(srcp, dstp, et, padn(ts1), padn(td1), padn(h1),
                     zeros_acc)
    h2, ts2, td2, aux = _mid_call(acc1[0, :N], acc1[1, :N], h1, ts1, td1,
                                  W2, As2, Ad2, b1.reshape(1, -1))

    acc2 = _sc_pass2(srcp, dstp, et, padn(ts2), padn(td2), padn(h2),
                     zeros_acc)
    out = _final_call(acc2[0, :N], acc2[1, :N], h2, aux, b2.reshape(1, -1))
    return out

# --- scband reference (transcript-rebuilt; emitter-appended) ---
"""Pipeline reference for scband-gate-75608604279028 (READ-ONLY COPY).

The authoritative reference and input builder live on the scoring server;
editing this copy changes nothing except your own understanding.
"""

import jax, jax.numpy as jnp
import numpy as np

N = 10000
E = 320000
DIN = 128
EDIM = 16
HID = 32
H1 = 4
OUT = 128


def setup_inputs(seed: int = 0) -> dict:
    key = jax.random.key(seed)
    ks = jax.random.split(key, 20)
    s = 0.1
    inp = {}
    inp['x'] = jax.random.normal(ks[0], (N, DIN), jnp.float32)
    inp['edge_index'] = jax.random.randint(ks[1], (2, E), 0, N, dtype=jnp.int32)
    inp['edge_attr'] = jax.random.normal(ks[2], (E, EDIM), jnp.float32)
    # layer 1: heads=4, concat=True, out per head = HID
    inp['W1'] = jax.random.normal(ks[3], (DIN, H1 * HID), jnp.float32) * s
    inp['a_src1'] = jax.random.normal(ks[4], (H1, HID), jnp.float32) * s
    inp['a_dst1'] = jax.random.normal(ks[5], (H1, HID), jnp.float32) * s
    inp['We1'] = jax.random.normal(ks[6], (EDIM, H1 * HID), jnp.float32) * s
    inp['ae1'] = jax.random.normal(ks[7], (H1, HID), jnp.float32) * s
    inp['b1'] = jnp.zeros((H1 * HID,), jnp.float32)
    # layer 2: heads=1, concat=False, out = OUT
    inp['W2'] = jax.random.normal(ks[8], (H1 * HID, OUT), jnp.float32) * s
    inp['a_src2'] = jax.random.normal(ks[9], (1, OUT), jnp.float32) * s
    inp['a_dst2'] = jax.random.normal(ks[10], (1, OUT), jnp.float32) * s
    inp['We2'] = jax.random.normal(ks[11], (EDIM, OUT), jnp.float32) * s
    inp['ae2'] = jax.random.normal(ks[12], (1, OUT), jnp.float32) * s
    inp['b2'] = jnp.zeros((OUT,), jnp.float32)
    return inp


def gat_conv(x, src, dst, edge_attr, W, a_s, a_d, We, a_e, b, H, C, concat):
    n = x.shape[0]
    # add self loops (PyG default), self-loop edge_attr = mean of incoming edge_attr
    ones = jnp.ones((src.shape[0],), jnp.float32)
    deg = jax.ops.segment_sum(ones, dst, num_segments=n)
    loop_attr = jax.ops.segment_sum(edge_attr, dst, num_segments=n) / jnp.maximum(deg, 1.0)[:, None]
    loop = jnp.arange(n, dtype=src.dtype)
    src = jnp.concatenate([src, loop])
    dst = jnp.concatenate([dst, loop])
    ea = jnp.concatenate([edge_attr, loop_attr], axis=0)
    h = (x @ W).reshape(n, H, C)
    he = (ea @ We).reshape(-1, H, C)
    alpha = (h * a_s).sum(-1)[src] + (h * a_d).sum(-1)[dst] + (he * a_e).sum(-1)
    alpha = jax.nn.leaky_relu(alpha, 0.2)
    m = jax.ops.segment_max(alpha, dst, num_segments=n)
    m = jnp.where(jnp.isfinite(m), m, 0.0)
    ex = jnp.exp(alpha - m[dst])
    den = jax.ops.segment_sum(ex, dst, num_segments=n)
    a = ex / (den[dst] + 1e-16)
    out = jax.ops.segment_sum(h[src] * a[..., None], dst, num_segments=n)
    if concat:
        out = out.reshape(n, H * C)
    else:
        out = out.mean(axis=1)
    return out + b


def reference(x, edge_index, edge_attr, W1, a_src1, a_dst1, We1, ae1, b1, W2, a_src2, a_dst2, We2, ae2, b2):
    src, dst = edge_index[0], edge_index[1]
    h = gat_conv(x, src, dst, edge_attr, W1, a_src1, a_dst1, We1, ae1, b1, H1, HID, True)
    h = jax.nn.relu(h)  # dropout p=0.0 -> identity
    out = gat_conv(h, src, dst, edge_attr, W2, a_src2, a_dst2, We2, ae2, b2, 1, OUT, False)
    return out

if __name__ == "__main__":
    import jax
    _d = setup_inputs()
    print(jax.jit(kernel)(*tuple(_d.values())))

</pallas_src>

<mosaic_0001>
#map = affine_map<(d0, d1) -> (0)>
#map1 = affine_map<(d0, d1) -> (0, 0)>
#map2 = affine_map<(d0, d1) -> (0, 0, 0)>
module attributes {stable_mosaic.version = 14 : i64} {
  func.func @sc_pass(%arg0: i32, %arg1: i32, %arg2: memref<323584xi32, #tpu.memory_space<hbm>>, %arg3: memref<323584xi32, #tpu.memory_space<hbm>>, %arg4: memref<323584x16xf32, #tpu.memory_space<hbm>>, %arg5: memref<10112x16xf32, #tpu.memory_space<hbm>>, %arg6: memref<10112x16xf32, #tpu.memory_space<hbm>>, %arg7: memref<10112x128xf32, #tpu.memory_space<hbm>>, %arg8: memref<10112x144xf32, #tpu.memory_space<hbm>>, %arg9: memref<2x10112x144xf32, #tpu.memory_space<hbm>>, %arg10: memref<64xi32, #tpu.memory_space<vmem>>, %arg11: memref<64xi32, #tpu.memory_space<vmem>>, %arg12: memref<64xi32, #tpu.memory_space<vmem>>, %arg13: memref<64xi32, #tpu.memory_space<vmem>>, %arg14: memref<64x16xf32, #tpu.memory_space<vmem>>, %arg15: memref<64x16xf32, #tpu.memory_space<vmem>>, %arg16: memref<64x16xf32, #tpu.memory_space<vmem>>, %arg17: memref<64x16xf32, #tpu.memory_space<vmem>>, %arg18: memref<64x16xf32, #tpu.memory_space<vmem>>, %arg19: memref<64x16xf32, #tpu.memory_space<vmem>>, %arg20: memref<64x128xf32, #tpu.memory_space<vmem>>, %arg21: memref<64x128xf32, #tpu.memory_space<vmem>>, %arg22: memref<64x144xf32, #tpu.memory_space<vmem>>, %arg23: memref<10112x144xf32, #tpu.memory_space<vmem_shared>>, %arg24: memref<!tpu.dma_semaphore, #tpu.memory_space<semaphore_mem>>, %arg25: memref<!tpu.dma_semaphore, #tpu.memory_space<semaphore_mem>>, %arg26: memref<!tpu.dma_semaphore, #tpu.memory_space<semaphore_mem>>, %arg27: memref<!tpu.dma_semaphore, #tpu.memory_space<semaphore_mem>>, %arg28: memref<!tpu.dma_semaphore, #tpu.memory_space<semaphore_mem>>, %arg29: memref<!tpu.dma_semaphore, #tpu.memory_space<semaphore_mem>>) attributes {dimension_semantics = [#tpu.dimension_semantics<core_parallel>, #tpu.dimension_semantics<subcore_parallel>], iteration_bounds = array<i64: 2, 16>, scalar_prefetch = 0 : i64, scratch_operands = 20 : i64, tpu.core_type = #tpu.core_type<sc_vector_subcore>, window_params = [{transform_indices = #map}, {transform_indices = #map}, {transform_indices = #map1}, {transform_indices = #map1}, {transform_indices = #map1}, {transform_indices = #map1}, {transform_indices = #map1}, {transform_indices = #map2}]} {
    %mul3A = arith.constant 2 : i32
    %mul3A_0 = arith.muli %arg1, %mul3A : i32
    %add3A = arith.addi %mul3A_0, %arg0 : i32
    %mul3A_1 = arith.constant 632 : i32
    %mul3A_2 = arith.muli %arg1, %mul3A_1 : i32
    %mul3A_3 = arith.constant 632 : i32
    %mul3A_4 = arith.muli %arg1, %mul3A_3 : i32
    "tpu.region"() ({
      %run_scoped3A = tpu.sem_alloc : memref<!tpu.dma_semaphore, #tpu.memory_space<semaphore_mem>>
      %dma_start3A_26 = arith.constant 0 : i32
      %dma_start3A_27 = tpu.memref_slice %arg23[%mul3A_4, %dma_start3A_26] : memref<10112x144xf32, #tpu.memory_space<vmem_shared>> -> memref<632x144xf32, #tpu.memory_space<vmem_shared>>
      %dma_start3A_28 = arith.constant 0 : i32
      %dma_start3A_29 = tpu.memref_slice %arg8[%mul3A_2, %dma_start3A_28] : memref<10112x144xf32, #tpu.memory_space<hbm>> -> memref<632x144xf32, #tpu.memory_space<hbm>>
      tpu.enqueue_dma source(%dma_start3A_29 : memref<632x144xf32, #tpu.memory_space<hbm>>) target(%dma_start3A_27 : memref<632x144xf32, #tpu.memory_space<vmem_shared>>) target_semaphore(%run_scoped3A : memref<!tpu.dma_semaphore, #tpu.memory_space<semaphore_mem>>)
      %dma_wait3A = arith.constant 0 : i32
      %dma_wait3A_30 = tpu.memref_slice %arg23[%mul3A_4, %dma_wait3A] : memref<10112x144xf32, #tpu.memory_space<vmem_shared>> -> memref<632x144xf32, #tpu.memory_space<vmem_shared>>
      %dma_wait3A_31 = arith.constant 0 : i32
      %dma_wait3A_32 = tpu.memref_slice %arg8[%mul3A_2, %dma_wait3A_31] : memref<10112x144xf32, #tpu.memory_space<hbm>> -> memref<632x144xf32, #tpu.memory_space<hbm>>
      tpu.wait_dma2 semaphore(%run_scoped3A : memref<!tpu.dma_semaphore, #tpu.memory_space<semaphore_mem>>) src(%dma_wait3A_32 : memref<632x144xf32, #tpu.memory_space<hbm>>) dst(%dma_wait3A_30 : memref<632x144xf32, #tpu.memory_space<vmem_shared>>)
      tpu.yield
    }) : () -> ()
    %barrier3A = arith.constant 0 : index
    tpu.barrier barrier_id(%barrier3A)
    %iota3A = tpu.iota {dimensions = array<i32: 0>} : vector<16xi32>
    %add3A_5 = arith.constant 0 : i32
    %add3A_6 = arith.addi %add3A_5, %add3A : i32
    %mul3A_7 = arith.constant 64 : i32
    %mul3A_8 = arith.muli %add3A_6, %mul3A_7 : i32
    "tpu.region"() ({
      %run_scoped3A = tpu.sem_alloc : memref<!tpu.dma_semaphore, #tpu.memory_space<semaphore_mem>>
      %dma_start3A_26 = tpu.memref_slice %arg2[%mul3A_8] : memref<323584xi32, #tpu.memory_space<hbm>> -> memref<64xi32, #tpu.memory_space<hbm>>
      %dma_start3A_27 = tpu.memref_slice %arg2[%mul3A_8] : memref<323584xi32, #tpu.memory_space<hbm>> -> memref<64xi32, #tpu.memory_space<hbm>>
      tpu.enqueue_dma source(%dma_start3A_27 : memref<64xi32, #tpu.memory_space<hbm>>) target(%arg10 : memref<64xi32, #tpu.memory_space<vmem>>) target_semaphore(%run_scoped3A : memref<!tpu.dma_semaphore, #tpu.memory_space<semaphore_mem>>)
      %dma_wait3A = tpu.memref_slice %arg2[%mul3A_8] : memref<323584xi32, #tpu.memory_space<hbm>> -> memref<64xi32, #tpu.memory_space<hbm>>
      %dma_wait3A_28 = tpu.memref_slice %arg2[%mul3A_8] : memref<323584xi32, #tpu.memory_space<hbm>> -> memref<64xi32, #tpu.memory_space<hbm>>
      tpu.wait_dma2 semaphore(%run_scoped3A : memref<!tpu.dma_semaphore, #tpu.memory_space<semaphore_mem>>) src(%dma_wait3A_28 : memref<64xi32, #tpu.memory_space<hbm>>) dst(%arg10 : memref<64xi32, #tpu.memory_space<vmem>>)
      tpu.yield
    }) : () -> ()
    "tpu.region"() ({
      %run_scoped3A = tpu.sem_alloc : memref<!tpu.dma_semaphore, #tpu.memory_space<semaphore_mem>>
      %dma_start3A_26 = tpu.memref_slice %arg3[%mul3A_8] : memref<323584xi32, #tpu.memory_space<hbm>> -> memref<64xi32, #tpu.memory_space<hbm>>
      %dma_start3A_27 = tpu.memref_slice %arg3[%mul3A_8] : memref<323584xi32, #tpu.memory_space<hbm>> -> memref<64xi32, #tpu.memory_space<hbm>>
      tpu.enqueue_dma source(%dma_start3A_27 : memref<64xi32, #tpu.memory_space<hbm>>) target(%arg12 : memref<64xi32, #tpu.memory_space<vmem>>) target_semaphore(%run_scoped3A : memref<!tpu.dma_semaphore, #tpu.memory_space<semaphore_mem>>)
      %dma_wait3A = tpu.memref_slice %arg3[%mul3A_8] : memref<323584xi32, #tpu.memory_space<hbm>> -> memref<64xi32, #tpu.memory_space<hbm>>
      %dma_wait3A_28 = tpu.memref_slice %arg3[%mul3A_8] : memref<323584xi32, #tpu.memory_space<hbm>> -> memref<64xi32, #tpu.memory_space<hbm>>
      tpu.wait_dma2 semaphore(%run_scoped3A : memref<!tpu.dma_semaphore, #tpu.memory_space<semaphore_mem>>) src(%dma_wait3A_28 : memref<64xi32, #tpu.memory_space<hbm>>) dst(%arg12 : memref<64xi32, #tpu.memory_space<vmem>>)
      tpu.yield
    }) : () -> ()
    "tpu.region"() ({
      %run_scoped3A = tpu.sem_alloc : memref<!tpu.dma_semaphore, #tpu.memory_space<semaphore_mem>>
      %dma_start3A_26 = arith.constant 0 : i32
      %dma_start3A_27 = tpu.memref_slice %arg4[%mul3A_8, %dma_start3A_26] : memref<323584x16xf32, #tpu.memory_space<hbm>> -> memref<64x16xf32, #tpu.memory_space<hbm>>
      %dma_start3A_28 = arith.constant 0 : i32
      %dma_start3A_29 = tpu.memref_slice %arg4[%mul3A_8, %dma_start3A_28] : memref<323584x16xf32, #tpu.memory_space<hbm>> -> memref<64x16xf32, #tpu.memory_space<hbm>>
      tpu.enqueue_dma source(%dma_start3A_29 : memref<64x16xf32, #tpu.memory_space<hbm>>) target(%arg18 : memref<64x16xf32, #tpu.memory_space<vmem>>) target_semaphore(%run_scoped3A : memref<!tpu.dma_semaphore, #tpu.memory_space<semaphore_mem>>)
      %dma_wait3A = arith.constant 0 : i32
      %dma_wait3A_30 = tpu.memref_slice %arg4[%mul3A_8, %dma_wait3A] : memref<323584x16xf32, #tpu.memory_space<hbm>> -> memref<64x16xf32, #tpu.memory_space<hbm>>
      %dma_wait3A_31 = arith.constant 0 : i32
      %dma_wait3A_32 = tpu.memref_slice %arg4[%mul3A_8, %dma_wait3A_31] : memref<323584x16xf32, #tpu.memory_space<hbm>> -> memref<64x16xf32, #tpu.memory_space<hbm>>
      tpu.wait_dma2 semaphore(%run_scoped3A : memref<!tpu.dma_semaphore, #tpu.memory_space<semaphore_mem>>) src(%dma_wait3A_32 : memref<64x16xf32, #tpu.memory_space<hbm>>) dst(%arg18 : memref<64x16xf32, #tpu.memory_space<vmem>>)
      tpu.yield
    }) : () -> ()
    %dma_start3A = arith.constant 0 : i32
    %dma_start3A_9 = arith.constant 0 : i32
    %dma_start3A_10 = tpu.memref_slice %arg5[%dma_start3A, %dma_start3A_9] : memref<10112x16xf32, #tpu.memory_space<hbm>> -> memref<10112x16xf32, #tpu.memory_space<hbm>>
    tpu.enqueue_indirect_dma source(%dma_start3A_10 : memref<10112x16xf32, #tpu.memory_space<hbm>>) target(%arg14 : memref<64x16xf32, #tpu.memory_space<vmem>>) offsets(%arg10 : memref<64xi32, #tpu.memory_space<vmem>>) semaphore(%arg24 : memref<!tpu.dma_semaphore, #tpu.memory_space<semaphore_mem>>)
    %dma_start3A_11 = arith.constant 0 : i32
    %dma_start3A_12 = arith.constant 0 : i32
    %dma_start3A_13 = tpu.memref_slice %arg6[%dma_start3A_11, %dma_start3A_12] : memref<10112x16xf32, #tpu.memory_space<hbm>> -> memref<10112x16xf32, #tpu.memory_space<hbm>>
    tpu.enqueue_indirect_dma source(%dma_start3A_13 : memref<10112x16xf32, #tpu.memory_space<hbm>>) target(%arg16 : memref<64x16xf32, #tpu.memory_space<vmem>>) offsets(%arg12 : memref<64xi32, #tpu.memory_space<vmem>>) semaphore(%arg26 : memref<!tpu.dma_semaphore, #tpu.memory_space<semaphore_mem>>)
    %dma_start3A_14 = arith.constant 0 : i32
    %dma_start3A_15 = arith.constant 0 : i32
    %dma_start3A_16 = tpu.memref_slice %arg7[%dma_start3A_14, %dma_start3A_15] : memref<10112x128xf32, #tpu.memory_space<hbm>> -> memref<10112x128xf32, #tpu.memory_space<hbm>>
    tpu.enqueue_indirect_dma source(%dma_start3A_16 : memref<10112x128xf32, #tpu.memory_space<hbm>>) target(%arg20 : memref<64x128xf32, #tpu.memory_space<vmem>>) offsets(%arg10 : memref<64xi32, #tpu.memory_space<vmem>>) semaphore(%arg28 : memref<!tpu.dma_semaphore, #tpu.memory_space<semaphore_mem>>)
    %scan3A = arith.constant 0 : i32
    %scan3A_17 = arith.constant 79 : i32
    %scan3A_18 = arith.addi %scan3A, %scan3A_17 : i32
    %scan3A_19 = arith.constant 1 : i32
    scf.for %scan3A_26 = %scan3A to %scan3A_18 step %scan3A_19  : i32 {
      %mul3A_27 = arith.constant 1 : i32
      %mul3A_28 = arith.muli %scan3A_26, %mul3A_27 : i32
      %add3A_29 = arith.constant 0 : i32
      %add3A_30 = arith.addi %add3A_29, %mul3A_28 : i32
      %mul3A_31 = arith.constant 2 : i32
      %mul3A_32 = arith.muli %mul3A_31, %add3A_30 : i32
      %add3A_33 = arith.constant 1 : i32
      %add3A_34 = arith.addi %mul3A_32, %add3A_33 : i32
      %mul3A_35 = arith.constant 32 : i32
      %mul3A_36 = arith.muli %add3A_34, %mul3A_35 : i32
      %add3A_37 = arith.addi %mul3A_36, %add3A : i32
      %mul3A_38 = arith.constant 64 : i32
      %mul3A_39 = arith.muli %add3A_37, %mul3A_38 : i32
      "tpu.region"() ({
        %run_scoped3A = tpu.sem_alloc : memref<!tpu.dma_semaphore, #tpu.memory_space<semaphore_mem>>
        %dma_start3A_82 = tpu.memref_slice %arg2[%mul3A_39] : memref<323584xi32, #tpu.memory_space<hbm>> -> memref<64xi32, #tpu.memory_space<hbm>>
        %dma_start3A_83 = tpu.memref_slice %arg2[%mul3A_39] : memref<323584xi32, #tpu.memory_space<hbm>> -> memref<64xi32, #tpu.memory_space<hbm>>
        tpu.enqueue_dma source(%dma_start3A_83 : memref<64xi32, #tpu.memory_space<hbm>>) target(%arg11 : memref<64xi32, #tpu.memory_space<vmem>>) target_semaphore(%run_scoped3A : memref<!tpu.dma_semaphore, #tpu.memory_space<semaphore_mem>>)
        %dma_wait3A_84 = tpu.memref_slice %arg2[%mul3A_39] : memref<323584xi32, #tpu.memory_space<hbm>> -> memref<64xi32, #tpu.memory_space<hbm>>
        %dma_wait3A_85 = tpu.memref_slice %arg2[%mul3A_39] : memref<323584xi32, #tpu.memory_space<hbm>> -> memref<64xi32, #tpu.memory_space<hbm>>
        tpu.wait_dma2 semaphore(%run_scoped3A : memref<!tpu.dma_semaphore, #tpu.memory_space<semaphore_mem>>) src(%dma_wait3A_85 : memref<64xi32, #tpu.memory_space<hbm>>) dst(%arg11 : memref<64xi32, #tpu.memory_space<vmem>>)
        tpu.yield
      }) : () -> ()
      "tpu.region"() ({
        %run_scoped3A = tpu.sem_alloc : memref<!tpu.dma_semaphore, #tpu.memory_space<semaphore_mem>>
        %dma_start3A_82 = tpu.memref_slice %arg3[%mul3A_39] : memref<323584xi32, #tpu.memory_space<hbm>> -> memref<64xi32, #tpu.memory_space<hbm>>
        %dma_start3A_83 = tpu.memref_slice %arg3[%mul3A_39] : memref<323584xi32, #tpu.memory_space<hbm>> -> memref<64xi32, #tpu.memory_space<hbm>>
        tpu.enqueue_dma source(%dma_start3A_83 : memref<64xi32, #tpu.memory_space<hbm>>) target(%arg13 : memref<64xi32, #tpu.memory_space<vmem>>) target_semaphore(%run_scoped3A : memref<!tpu.dma_semaphore, #tpu.memory_space<semaphore_mem>>)
        %dma_wait3A_84 = tpu.memref_slice %arg3[%mul3A_39] : memref<323584xi32, #tpu.memory_space<hbm>> -> memref<64xi32, #tpu.memory_space<hbm>>
        %dma_wait3A_85 = tpu.memref_slice %arg3[%mul3A_39] : memref<323584xi32, #tpu.memory_space<hbm>> -> memref<64xi32, #tpu.memory_space<hbm>>
        tpu.wait_dma2 semaphore(%run_scoped3A : memref<!tpu.dma_semaphore, #tpu.memory_space<semaphore_mem>>) src(%dma_wait3A_85 : memref<64xi32, #tpu.memory_space<hbm>>) dst(%arg13 : memref<64xi32, #tpu.memory_space<vmem>>)
        tpu.yield
      }) : () -> ()
      "tpu.region"() ({
        %run_scoped3A = tpu.sem_alloc : memref<!tpu.dma_semaphore, #tpu.memory_space<semaphore_mem>>
        %dma_start3A_82 = arith.constant 0 : i32
        %dma_start3A_83 = tpu.memref_slice %arg4[%mul3A_39, %dma_start3A_82] : memref<323584x16xf32, #tpu.memory_space<hbm>> -> memref<64x16xf32, #tpu.memory_space<hbm>>
        %dma_start3A_84 = arith.constant 0 : i32
        %dma_start3A_85 = tpu.memref_slice %arg4[%mul3A_39, %dma_start3A_84] : memref<323584x16xf32, #tpu.memory_space<hbm>> -> memref<64x16xf32, #tpu.memory_space<hbm>>
        tpu.enqueue_dma source(%dma_start3A_85 : memref<64x16xf32, #tpu.memory_space<hbm>>) target(%arg19 : memref<64x16xf32, #tpu.memory_space<vmem>>) target_semaphore(%run_scoped3A : memref<!tpu.dma_semaphore, #tpu.memory_space<semaphore_mem>>)
        %dma_wait3A_86 = arith.constant 0 : i32
        %dma_wait3A_87 = tpu.memref_slice %arg4[%mul3A_39, %dma_wait3A_86] : memref<323584x16xf32, #tpu.memory_space<hbm>> -> memref<64x16xf32, #tpu.memory_space<hbm>>
        %dma_wait3A_88 = arith.constant 0 : i32
        %dma_wait3A_89 = tpu.memref_slice %arg4[%mul3A_39, %dma_wait3A_88] : memref<323584x16xf32, #tpu.memory_space<hbm>> -> memref<64x16xf32, #tpu.memory_space<hbm>>
        tpu.wait_dma2 semaphore(%run_scoped3A : memref<!tpu.dma_semaphore, #tpu.memory_space<semaphore_mem>>) src(%dma_wait3A_89 : memref<64x16xf32, #tpu.memory_space<hbm>>) dst(%arg19 : memref<64x16xf32, #tpu.memory_space<vmem>>)
        tpu.yield
      }) : () -> ()
      %dma_start3A_40 = arith.constant 0 : i32
      %dma_start3A_41 = arith.constant 0 : i32
      %dma_start3A_42 = tpu.memref_slice %arg5[%dma_start3A_40, %dma_start3A_41] : memref<10112x16xf32, #tpu.memory_space<hbm>> -> memref<10112x16xf32, #tpu.memory_space<hbm>>
      tpu.enqueue_indirect_dma source(%dma_start3A_42 : memref<10112x16xf32, #tpu.memory_space<hbm>>) target(%arg15 : memref<64x16xf32, #tpu.memory_space<vmem>>) offsets(%arg11 : memref<64xi32, #tpu.memory_space<vmem>>) semaphore(%arg25 : memref<!tpu.dma_semaphore, #tpu.memory_space<semaphore_mem>>)
      %dma_start3A_43 = arith.constant 0 : i32
      %dma_start3A_44 = arith.constant 0 : i32
      %dma_start3A_45 = tpu.memref_slice %arg6[%dma_start3A_43, %dma_start3A_44] : memref<10112x16xf32, #tpu.memory_space<hbm>> -> memref<10112x16xf32, #tpu.memory_space<hbm>>
      tpu.enqueue_indirect_dma source(%dma_start3A_45 : memref<10112x16xf32, #tpu.memory_space<hbm>>) target(%arg17 : memref<64x16xf32, #tpu.memory_space<vmem>>) offsets(%arg13 : memref<64xi32, #tpu.memory_space<vmem>>) semaphore(%arg27 : memref<!tpu.dma_semaphore, #tpu.memory_space<semaphore_mem>>)
      %dma_start3A_46 = arith.constant 0 : i32
      %dma_start3A_47 = arith.constant 0 : i32
      %dma_start3A_48 = tpu.memref_slice %arg7[%dma_start3A_46, %dma_start3A_47] : memref<10112x128xf32, #tpu.memory_space<hbm>> -> memref<10112x128xf32, #tpu.memory_space<hbm>>
      tpu.enqueue_indirect_dma source(%dma_start3A_48 : memref<10112x128xf32, #tpu.memory_space<hbm>>) target(%arg21 : memref<64x128xf32, #tpu.memory_space<vmem>>) offsets(%arg11 : memref<64xi32, #tpu.memory_space<vmem>>) semaphore(%arg29 : memref<!tpu.dma_semaphore, #tpu.memory_space<semaphore_mem>>)
      %dma_wait3A = arith.constant 0 : i32
      %dma_wait3A_49 = arith.constant 0 : i32
      %dma_wait3A_50 = tpu.memref_slice %arg5[%dma_wait3A, %dma_wait3A_49] : memref<10112x16xf32, #tpu.memory_space<hbm>> -> memref<10112x16xf32, #tpu.memory_space<hbm>>
      tpu.wait_indirect_dma semaphore(%arg24 : memref<!tpu.dma_semaphore, #tpu.memory_space<semaphore_mem>>) src(%dma_wait3A_50 : memref<10112x16xf32, #tpu.memory_space<hbm>>) dst(%arg14 : memref<64x16xf32, #tpu.memory_space<vmem>>)
      %dma_wait3A_51 = arith.constant 0 : i32
      %dma_wait3A_52 = arith.constant 0 : i32
      %dma_wait3A_53 = tpu.memref_slice %arg6[%dma_wait3A_51, %dma_wait3A_52] : memref<10112x16xf32, #tpu.memory_space<hbm>> -> memref<10112x16xf32, #tpu.memory_space<hbm>>
      tpu.wait_indirect_dma semaphore(%arg26 : memref<!tpu.dma_semaphore, #tpu.memory_space<semaphore_mem>>) src(%dma_wait3A_53 : memref<10112x16xf32, #tpu.memory_space<hbm>>) dst(%arg16 : memref<64x16xf32, #tpu.memory_space<vmem>>)
      %dma_wait3A_54 = arith.constant 0 : i32
      %dma_wait3A_55 = arith.constant 0 : i32
      %dma_wait3A_56 = tpu.memref_slice %arg7[%dma_wait3A_54, %dma_wait3A_55] : memref<10112x128xf32, #tpu.memory_space<hbm>> -> memref<10112x128xf32, #tpu.memory_space<hbm>>
      tpu.wait_indirect_dma semaphore(%arg28 : memref<!tpu.dma_semaphore, #tpu.memory_space<semaphore_mem>>) src(%dma_wait3A_56 : memref<10112x128xf32, #tpu.memory_space<hbm>>) dst(%arg20 : memref<64x128xf32, #tpu.memory_space<vmem>>)
      %scan3A_57 = arith.constant 0 : i32
      %scan3A_58 = arith.constant 32 : i32
      %scan3A_59 = arith.addi %scan3A_57, %scan3A_58 : i32
      %scan3A_60 = arith.constant 1 : i32
      scf.for %scan3A_82 = %scan3A_57 to %scan3A_59 step %scan3A_60  : i32 {
        %mul3A_83 = arith.constant 2 : i32
        %mul3A_84 = arith.muli %scan3A_82, %mul3A_83 : i32
        %add3A_85 = arith.constant 0 : i32
        %add3A_86 = arith.addi %add3A_85, %mul3A_84 : i32
        %get3A = arith.index_cast %add3A_86 : i32 to index
        %get3A_87 = arith.constant 0 : index
        %get3A_88 = tpu.vector_load %arg14[%get3A, %get3A_87] {strides = array<i32>} : memref<64x16xf32, #tpu.memory_space<vmem>>, vector<1x16xf32>,
        %get3A_89 = vector.shape_cast %get3A_88 : vector<1x16xf32> to vector<16xf32>
        %get3A_90 = arith.index_cast %add3A_86 : i32 to index
        %get3A_91 = arith.constant 0 : index
        %get3A_92 = tpu.vector_load %arg16[%get3A_90, %get3A_91] {strides = array<i32>} : memref<64x16xf32, #tpu.memory_space<vmem>>, vector<1x16xf32>,
        %get3A_93 = vector.shape_cast %get3A_92 : vector<1x16xf32> to vector<16xf32>
        %add3A_94 = arith.addf %get3A_89, %get3A_93 : vector<16xf32>
        %get3A_95 = arith.index_cast %add3A_86 : i32 to index
        %get3A_96 = arith.constant 0 : index
        %get3A_97 = tpu.vector_load %arg18[%get3A_95, %get3A_96] {strides = array<i32>} : memref<64x16xf32, #tpu.memory_space<vmem>>, vector<1x16xf32>,
        %get3A_98 = vector.shape_cast %get3A_97 : vector<1x16xf32> to vector<16xf32>
        %add3A_99 = arith.addf %add3A_94, %get3A_98 : vector<16xf32>
        %ge3A = arith.constant 0.000000e+00 : f32
        %ge3A_100 = vector.broadcast %ge3A : f32 to vector<16xf32>
        %ge3A_101 = arith.cmpf oge, %add3A_99, %ge3A_100 : vector<16xf32>
        %mul3A_102 = arith.constant 2.000000e-01 : f32
        %mul3A_103 = vector.broadcast %mul3A_102 : f32 to vector<16xf32>
        %mul3A_104 = arith.mulf %mul3A_103, %add3A_99 : vector<16xf32>
        %select_n3A = arith.select %ge3A_101, %add3A_99, %mul3A_104 : vector<16xi1>, vector<16xf32>
        %exp3A = math.exp %select_n3A : vector<16xf32>
        %lt3A_105 = arith.constant 4 : i32
        %lt3A_106 = vector.broadcast %lt3A_105 : i32 to vector<16xi32>
        %lt3A_107 = arith.cmpi slt, %iota3A, %lt3A_106 : vector<16xi32>
        %get3A_108 = arith.index_cast %add3A_86 : i32 to index
        %get3A_109 = arith.constant 0 : index
        %get3A_110 = tpu.vector_load %arg18[%get3A_108, %get3A_109] {strides = array<i32>} : memref<64x16xf32, #tpu.memory_space<vmem>>, vector<1x16xf32>,
        %get3A_111 = vector.shape_cast %get3A_110 : vector<1x16xf32> to vector<16xf32>
        %select_n3A_112 = arith.select %lt3A_107, %exp3A, %get3A_111 : vector<16xi1>, vector<16xf32>
        %slice3A = vector.extract_strided_slice %exp3A {offsets = [0], sizes = [1], strides = [1]} : vector<16xf32> to vector<1xf32>
        %squeeze3A = vector.extract %slice3A[0] : f32 from vector<1xf32>
        %broadcast_in_dim3A = vector.broadcast %squeeze3A : f32 to vector<16xf32>
        %slice3A_113 = vector.extract_strided_slice %exp3A {offsets = [1], sizes = [1], strides = [1]} : vector<16xf32> to vector<1xf32>
        %squeeze3A_114 = vector.extract %slice3A_113[0] : f32 from vector<1xf32>
        %broadcast_in_dim3A_115 = vector.broadcast %squeeze3A_114 : f32 to vector<16xf32>
        %slice3A_116 = vector.extract_strided_slice %exp3A {offsets = [2], sizes = [1], strides = [1]} : vector<16xf32> to vector<1xf32>
        %squeeze3A_117 = vector.extract %slice3A_116[0] : f32 from vector<1xf32>
        %broadcast_in_dim3A_118 = vector.broadcast %squeeze3A_117 : f32 to vector<16xf32>
        %slice3A_119 = vector.extract_strided_slice %exp3A {offsets = [3], sizes = [1], strides = [1]} : vector<16xf32> to vector<1xf32>
        %squeeze3A_120 = vector.extract %slice3A_119[0] : f32 from vector<1xf32>
        %broadcast_in_dim3A_121 = vector.broadcast %squeeze3A_120 : f32 to vector<16xf32>
        %swap3A = arith.index_cast %add3A_86 : i32 to index
        %swap3A_122 = arith.constant 128 : index
        %swap3A_123 = tpu.vector_load %arg22[%swap3A, %swap3A_122] {strides = array<i32>} : memref<64x144xf32, #tpu.memory_space<vmem>>, vector<1x16xf32>,
        %swap3A_124 = vector.shape_cast %swap3A_123 : vector<1x16xf32> to vector<16xf32>
        %swap3A_125 = vector.shape_cast %select_n3A_112 : vector<16xf32> to vector<1x16xf32>
        tpu.vector_store %arg22[%swap3A, %swap3A_122], %swap3A_125 {strides = array<i32>} : memref<64x144xf32, #tpu.memory_space<vmem>>, vector<1x16xf32>,
        %get3A_126 = arith.index_cast %add3A_86 : i32 to index
        %get3A_127 = arith.constant 0 : index
        %get3A_128 = tpu.vector_load %arg20[%get3A_126, %get3A_127] {strides = array<i32>} : memref<64x128xf32, #tpu.memory_space<vmem>>, vector<1x16xf32>,
        %get3A_129 = vector.shape_cast %get3A_128 : vector<1x16xf32> to vector<16xf32>
        %mul3A_130 = arith.mulf %get3A_129, %broadcast_in_dim3A : vector<16xf32>
        %swap3A_131 = arith.index_cast %add3A_86 : i32 to index
        %swap3A_132 = arith.constant 0 : index
        %swap3A_133 = tpu.vector_load %arg22[%swap3A_131, %swap3A_132] {strides = array<i32>} : memref<64x144xf32, #tpu.memory_space<vmem>>, vector<1x16xf32>,
        %swap3A_134 = vector.shape_cast %swap3A_133 : vector<1x16xf32> to vector<16xf32>
        %swap3A_135 = vector.shape_cast %mul3A_130 : vector<16xf32> to vector<1x16xf32>
        tpu.vector_store %arg22[%swap3A_131, %swap3A_132], %swap3A_135 {strides = array<i32>} : memref<64x144xf32, #tpu.memory_space<vmem>>, vector<1x16xf32>,
        %get3A_136 = arith.index_cast %add3A_86 : i32 to index
        %get3A_137 = arith.constant 16 : index
        %get3A_138 = tpu.vector_load %arg20[%get3A_136, %get3A_137] {strides = array<i32>} : memref<64x128xf32, #tpu.memory_space<vmem>>, vector<1x16xf32>,
        %get3A_139 = vector.shape_cast %get3A_138 : vector<1x16xf32> to vector<16xf32>
        %mul3A_140 = arith.mulf %get3A_139, %broadcast_in_dim3A : vector<16xf32>
        %swap3A_141 = arith.index_cast %add3A_86 : i32 to index
        %swap3A_142 = arith.constant 16 : index
        %swap3A_143 = tpu.vector_load %arg22[%swap3A_141, %swap3A_142] {strides = array<i32>} : memref<64x144xf32, #tpu.memory_space<vmem>>, vector<1x16xf32>,
        %swap3A_144 = vector.shape_cast %swap3A_143 : vector<1x16xf32> to vector<16xf32>
        %swap3A_145 = vector.shape_cast %mul3A_140 : vector<16xf32> to vector<1x16xf32>
        tpu.vector_store %arg22[%swap3A_141, %swap3A_142], %swap3A_145 {strides = array<i32>} : memref<64x144xf32, #tpu.memory_space<vmem>>, vector<1x16xf32>,
        %get3A_146 = arith.index_cast %add3A_86 : i32 to index
        %get3A_147 = arith.constant 32 : index
        %get3A_148 = tpu.vector_load %arg20[%get3A_146, %get3A_147] {strides = array<i32>} : memref<64x128xf32, #tpu.memory_space<vmem>>, vector<1x16xf32>,
        %get3A_149 = vector.shape_cast %get3A_148 : vector<1x16xf32> to vector<16xf32>
        %mul3A_150 = arith.mulf %get3A_149, %broadcast_in_dim3A_115 : vector<16xf32>
        %swap3A_151 = arith.index_cast %add3A_86 : i32 to index
        %swap3A_152 = arith.constant 32 : index
        %swap3A_153 = tpu.vector_load %arg22[%swap3A_151, %swap3A_152] {strides = array<i32>} : memref<64x144xf32, #tpu.memory_space<vmem>>, vector<1x16xf32>,
        %swap3A_154 = vector.shape_cast %swap3A_153 : vector<1x16xf32> to vector<16xf32>
        %swap3A_155 = vector.shape_cast %mul3A_150 : vector<16xf32> to vector<1x16xf32>
        tpu.vector_store %arg22[%swap3A_151, %swap3A_152], %swap3A_155 {strides = array<i32>} : memref<64x144xf32, #tpu.memory_space<vmem>>, vector<1x16xf32>,
        %get3A_156 = arith.index_cast %add3A_86 : i32 to index
        %get3A_157 = arith.constant 48 : index
        %get3A_158 = tpu.vector_load %arg20[%get3A_156, %get3A_157] {strides = array<i32>} : memref<64x128xf32, #tpu.memory_space<vmem>>, vector<1x16xf32>,
        %get3A_159 = vector.shape_cast %get3A_158 : vector<1x16xf32> to vector<16xf32>
        %mul3A_160 = arith.mulf %get3A_159, %broadcast_in_dim3A_115 : vector<16xf32>
        %swap3A_161 = arith.index_cast %add3A_86 : i32 to index
        %swap3A_162 = arith.constant 48 : index
        %swap3A_163 = tpu.vector_load %arg22[%swap3A_161, %swap3A_162] {strides = array<i32>} : memref<64x144xf32, #tpu.memory_space<vmem>>, vector<1x16xf32>,
        %swap3A_164 = vector.shape_cast %swap3A_163 : vector<1x16xf32> to vector<16xf32>
        %swap3A_165 = vector.shape_cast %mul3A_160 : vector<16xf32> to vector<1x16xf32>
        tpu.vector_store %arg22[%swap3A_161, %swap3A_162], %swap3A_165 {strides = array<i32>} : memref<64x144xf32, #tpu.memory_space<vmem>>, vector<1x16xf32>,
        %get3A_166 = arith.index_cast %add3A_86 : i32 to index
        %get3A_167 = arith.constant 64 : index
        %get3A_168 = tpu.vector_load %arg20[%get3A_166, %get3A_167] {strides = array<i32>} : memref<64x128xf32, #tpu.memory_space<vmem>>, vector<1x16xf32>,
        %get3A_169 = vector.shape_cast %get3A_168 : vector<1x16xf32> to vector<16xf32>
        %mul3A_170 = arith.mulf %get3A_169, %broadcast_in_dim3A_118 : vector<16xf32>
        %swap3A_171 = arith.index_cast %add3A_86 : i32 to index
        %swap3A_172 = arith.constant 64 : index
        %swap3A_173 = tpu.vector_load %arg22[%swap3A_171, %swap3A_172] {strides = array<i32>} : memref<64x144xf32, #tpu.memory_space<vmem>>, vector<1x16xf32>,
        %swap3A_174 = vector.shape_cast %swap3A_173 : vector<1x16xf32> to vector<16xf32>
        %swap3A_175 = vector.shape_cast %mul3A_170 : vector<16xf32> to vector<1x16xf32>
        tpu.vector_store %arg22[%swap3A_171, %swap3A_172], %swap3A_175 {strides = array<i32>} : memref<64x144xf32, #tpu.memory_space<vmem>>, vector<1x16xf32>,
        %get3A_176 = arith.index_cast %add3A_86 : i32 to index
        %get3A_177 = arith.constant 80 : index
        %get3A_178 = tpu.vector_load %arg20[%get3A_176, %get3A_177] {strides = array<i32>} : memref<64x128xf32, #tpu.memory_space<vmem>>, vector<1x16xf32>,
        %get3A_179 = vector.shape_cast %get3A_178 : vector<1x16xf32> to vector<16xf32>
        %mul3A_180 = arith.mulf %get3A_179, %broadcast_in_dim3A_118 : vector<16xf32>
        %swap3A_181 = arith.index_cast %add3A_86 : i32 to index
        %swap3A_182 = arith.constant 80 : index
        %swap3A_183 = tpu.vector_load %arg22[%swap3A_181, %swap3A_182] {strides = array<i32>} : memref<64x144xf32, #tpu.memory_space<vmem>>, vector<1x16xf32>,
        %swap3A_184 = vector.shape_cast %swap3A_183 : vector<1x16xf32> to vector<16xf32>
        %swap3A_185 = vector.shape_cast %mul3A_180 : vector<16xf32> to vector<1x16xf32>
        tpu.vector_store %arg22[%swap3A_181, %swap3A_182], %swap3A_185 {strides = array<i32>} : memref<64x144xf32, #tpu.memory_space<vmem>>, vector<1x16xf32>,
        %get3A_186 = arith.index_cast %add3A_86 : i32 to index
        %get3A_187 = arith.constant 96 : index
        %get3A_188 = tpu.vector_load %arg20[%get3A_186, %get3A_187] {strides = array<i32>} : memref<64x128xf32, #tpu.memory_space<vmem>>, vector<1x16xf32>,
        %get3A_189 = vector.shape_cast %get3A_188 : vector<1x16xf32> to vector<16xf32>
        %mul3A_190 = arith.mulf %get3A_189, %broadcast_in_dim3A_121 : vector<16xf32>
        %swap3A_191 = arith.index_cast %add3A_86 : i32 to index
        %swap3A_192 = arith.constant 96 : index
        %swap3A_193 = tpu.vector_load %arg22[%swap3A_191, %swap3A_192] {strides = array<i32>} : memref<64x144xf32, #tpu.memory_space<vmem>>, vector<1x16xf32>,
        %swap3A_194 = vector.shape_cast %swap3A_193 : vector<1x16xf32> to vector<16xf32>
        %swap3A_195 = vector.shape_cast %mul3A_190 : vector<16xf32> to vector<1x16xf32>
        tpu.vector_store %arg22[%swap3A_191, %swap3A_192], %swap3A_195 {strides = array<i32>} : memref<64x144xf32, #tpu.memory_space<vmem>>, vector<1x16xf32>,
        %get3A_196 = arith.index_cast %add3A_86 : i32 to index
        %get3A_197 = arith.constant 112 : index
        %get3A_198 = tpu.vector_load %arg20[%get3A_196, %get3A_197] {strides = array<i32>} : memref<64x128xf32, #tpu.memory_space<vmem>>, vector<1x16xf32>,
        %get3A_199 = vector.shape_cast %get3A_198 : vector<1x16xf32> to vector<16xf32>
        %mul3A_200 = arith.mulf %get3A_199, %broadcast_in_dim3A_121 : vector<16xf32>
        %swap3A_201 = arith.index_cast %add3A_86 : i32 to index
        %swap3A_202 = arith.constant 112 : index
        %swap3A_203 = tpu.vector_load %arg22[%swap3A_201, %swap3A_202] {strides = array<i32>} : memref<64x144xf32, #tpu.memory_space<vmem>>, vector<1x16xf32>,
        %swap3A_204 = vector.shape_cast %swap3A_203 : vector<1x16xf32> to vector<16xf32>
        %swap3A_205 = vector.shape_cast %mul3A_200 : vector<16xf32> to vector<1x16xf32>
        tpu.vector_store %arg22[%swap3A_201, %swap3A_202], %swap3A_205 {strides = array<i32>} : memref<64x144xf32, #tpu.memory_space<vmem>>, vector<1x16xf32>,
        %add3A_206 = arith.constant 1 : i32
        %add3A_207 = arith.addi %add3A_86, %add3A_206 : i32
        %get3A_208 = arith.index_cast %add3A_207 : i32 to index
        %get3A_209 = arith.constant 0 : index
        %get3A_210 = tpu.vector_load %arg14[%get3A_208, %get3A_209] {strides = array<i32>} : memref<64x16xf32, #tpu.memory_space<vmem>>, vector<1x16xf32>,
        %get3A_211 = vector.shape_cast %get3A_210 : vector<1x16xf32> to vector<16xf32>
        %get3A_212 = arith.index_cast %add3A_207 : i32 to index
        %get3A_213 = arith.constant 0 : index
        %get3A_214 = tpu.vector_load %arg16[%get3A_212, %get3A_213] {strides = array<i32>} : memref<64x16xf32, #tpu.memory_space<vmem>>, vector<1x16xf32>,
        %get3A_215 = vector.shape_cast %get3A_214 : vector<1x16xf32> to vector<16xf32>
        %add3A_216 = arith.addf %get3A_211, %get3A_215 : vector<16xf32>
        %get3A_217 = arith.index_cast %add3A_207 : i32 to index
        %get3A_218 = arith.constant 0 : index
        %get3A_219 = tpu.vector_load %arg18[%get3A_217, %get3A_218] {strides = array<i32>} : memref<64x16xf32, #tpu.memory_space<vmem>>, vector<1x16xf32>,
        %get3A_220 = vector.shape_cast %get3A_219 : vector<1x16xf32> to vector<16xf32>
        %add3A_221 = arith.addf %add3A_216, %get3A_220 : vector<16xf32>
        %ge3A_222 = arith.constant 0.000000e+00 : f32
        %ge3A_223 = vector.broadcast %ge3A_222 : f32 to vector<16xf32>
        %ge3A_224 = arith.cmpf oge, %add3A_221, %ge3A_223 : vector<16xf32>
        %mul3A_225 = arith.constant 2.000000e-01 : f32
        %mul3A_226 = vector.broadcast %mul3A_225 : f32 to vector<16xf32>
        %mul3A_227 = arith.mulf %mul3A_226, %add3A_221 : vector<16xf32>
        %select_n3A_228 = arith.select %ge3A_224, %add3A_221, %mul3A_227 : vector<16xi1>, vector<16xf32>
        %exp3A_229 = math.exp %select_n3A_228 : vector<16xf32>
        %lt3A_230 = arith.constant 4 : i32
        %lt3A_231 = vector.broadcast %lt3A_230 : i32 to vector<16xi32>
        %lt3A_232 = arith.cmpi slt, %iota3A, %lt3A_231 : vector<16xi32>
        %get3A_233 = arith.index_cast %add3A_207 : i32 to index
        %get3A_234 = arith.constant 0 : index
        %get3A_235 = tpu.vector_load %arg18[%get3A_233, %get3A_234] {strides = array<i32>} : memref<64x16xf32, #tpu.memory_space<vmem>>, vector<1x16xf32>,
        %get3A_236 = vector.shape_cast %get3A_235 : vector<1x16xf32> to vector<16xf32>
        %select_n3A_237 = arith.select %lt3A_232, %exp3A_229, %get3A_236 : vector<16xi1>, vector<16xf32>
        %slice3A_238 = vector.extract_strided_slice %exp3A_229 {offsets = [0], sizes = [1], strides = [1]} : vector<16xf32> to vector<1xf32>
        %squeeze3A_239 = vector.extract %slice3A_238[0] : f32 from vector<1xf32>
        %broadcast_in_dim3A_240 = vector.broadcast %squeeze3A_239 : f32 to vector<16xf32>
        %slice3A_241 = vector.extract_strided_slice %exp3A_229 {offsets = [1], sizes = [1], strides = [1]} : vector<16xf32> to vector<1xf32>
        %squeeze3A_242 = vector.extract %slice3A_241[0] : f32 from vector<1xf32>
        %broadcast_in_dim3A_243 = vector.broadcast %squeeze3A_242 : f32 to vector<16xf32>
        %slice3A_244 = vector.extract_strided_slice %exp3A_229 {offsets = [2], sizes = [1], strides = [1]} : vector<16xf32> to vector<1xf32>
        %squeeze3A_245 = vector.extract %slice3A_244[0] : f32 from vector<1xf32>
        %broadcast_in_dim3A_246 = vector.broadcast %squeeze3A_245 : f32 to vector<16xf32>
        %slice3A_247 = vector.extract_strided_slice %exp3A_229 {offsets = [3], sizes = [1], strides = [1]} : vector<16xf32> to vector<1xf32>
        %squeeze3A_248 = vector.extract %slice3A_247[0] : f32 from vector<1xf32>
        %broadcast_in_dim3A_249 = vector.broadcast %squeeze3A_248 : f32 to vector<16xf32>
        %swap3A_250 = arith.index_cast %add3A_207 : i32 to index
        %swap3A_251 = arith.constant 128 : index
        %swap3A_252 = tpu.vector_load %arg22[%swap3A_250, %swap3A_251] {strides = array<i32>} : memref<64x144xf32, #tpu.memory_space<vmem>>, vector<1x16xf32>,
        %swap3A_253 = vector.shape_cast %swap3A_252 : vector<1x16xf32> to vector<16xf32>
        %swap3A_254 = vector.shape_cast %select_n3A_237 : vector<16xf32> to vector<1x16xf32>
        tpu.vector_store %arg22[%swap3A_250, %swap3A_251], %swap3A_254 {strides = array<i32>} : memref<64x144xf32, #tpu.memory_space<vmem>>, vector<1x16xf32>,
        %get3A_255 = arith.index_cast %add3A_207 : i32 to index
        %get3A_256 = arith.constant 0 : index
        %get3A_257 = tpu.vector_load %arg20[%get3A_255, %get3A_256] {strides = array<i32>} : memref<64x128xf32, #tpu.memory_space<vmem>>, vector<1x16xf32>,
        %get3A_258 = vector.shape_cast %get3A_257 : vector<1x16xf32> to vector<16xf32>
        %mul3A_259 = arith.mulf %get3A_258, %broadcast_in_dim3A_240 : vector<16xf32>
        %swap3A_260 = arith.index_cast %add3A_207 : i32 to index
        %swap3A_261 = arith.constant 0 : index
        %swap3A_262 = tpu.vector_load %arg22[%swap3A_260, %swap3A_261] {strides = array<i32>} : memref<64x144xf32, #tpu.memory_space<vmem>>, vector<1x16xf32>,
        %swap3A_263 = vector.shape_cast %swap3A_262 : vector<1x16xf32> to vector<16xf32>
        %swap3A_264 = vector.shape_cast %mul3A_259 : vector<16xf32> to vector<1x16xf32>
        tpu.vector_store %arg22[%swap3A_260, %swap3A_261], %swap3A_264 {strides = array<i32>} : memref<64x144xf32, #tpu.memory_space<vmem>>, vector<1x16xf32>,
        %get3A_265 = arith.index_cast %add3A_207 : i32 to index
        %get3A_266 = arith.constant 16 : index
        %get3A_267 = tpu.vector_load %arg20[%get3A_265, %get3A_266] {strides = array<i32>} : memref<64x128xf32, #tpu.memory_space<vmem>>, vector<1x16xf32>,
        %get3A_268 = vector.shape_cast %get3A_267 : vector<1x16xf32> to vector<16xf32>
        %mul3A_269 = arith.mulf %get3A_268, %broadcast_in_dim3A_240 : vector<16xf32>
        %swap3A_270 = arith.index_cast %add3A_207 : i32 to index
        %swap3A_271 = arith.constant 16 : index
        %swap3A_272 = tpu.vector_load %arg22[%swap3A_270, %swap3A_271] {strides = array<i32>} : memref<64x144xf32, #tpu.memory_space<vmem>>, vector<1x16xf32>,
        %swap3A_273 = vector.shape_cast %swap3A_272 : vector<1x16xf32> to vector<16xf32>
        %swap3A_274 = vector.shape_cast %mul3A_269 : vector<16xf32> to vector<1x16xf32>
        tpu.vector_store %arg22[%swap3A_270, %swap3A_271], %swap3A_274 {strides = array<i32>} : memref<64x144xf32, #tpu.memory_space<vmem>>, vector<1x16xf32>,
        %get3A_275 = arith.index_cast %add3A_207 : i32 to index
        %get3A_276 = arith.constant 32 : index
        %get3A_277 = tpu.vector_load %arg20[%get3A_275, %get3A_276] {strides = array<i32>} : memref<64x128xf32, #tpu.memory_space<vmem>>, vector<1x16xf32>,
        %get3A_278 = vector.shape_cast %get3A_277 : vector<1x16xf32> to vector<16xf32>
        %mul3A_279 = arith.mulf %get3A_278, %broadcast_in_dim3A_243 : vector<16xf32>
        %swap3A_280 = arith.index_cast %add3A_207 : i32 to index
        %swap3A_281 = arith.constant 32 : index
        %swap3A_282 = tpu.vector_load %arg22[%swap3A_280, %swap3A_281] {strides = array<i32>} : memref<64x144xf32, #tpu.memory_space<vmem>>, vector<1x16xf32>,
        %swap3A_283 = vector.shape_cast %swap3A_282 : vector<1x16xf32> to vector<16xf32>
        %swap3A_284 = vector.shape_cast %mul3A_279 : vector<16xf32> to vector<1x16xf32>
        tpu.vector_store %arg22[%swap3A_280, %swap3A_281], %swap3A_284 {strides = array<i32>} : memref<64x144xf32, #tpu.memory_space<vmem>>, vector<1x16xf32>,
        %get3A_285 = arith.index_cast %add3A_207 : i32 to index
        %get3A_286 = arith.constant 48 : index
        %get3A_287 = tpu.vector_load %arg20[%get3A_285, %get3A_286] {strides = array<i32>} : memref<64x128xf32, #tpu.memory_space<vmem>>, vector<1x16xf32>,
        %get3A_288 = vector.shape_cast %get3A_287 : vector<1x16xf32> to vector<16xf32>
        %mul3A_289 = arith.mulf %get3A_288, %broadcast_in_dim3A_243 : vector<16xf32>
        %swap3A_290 = arith.index_cast %add3A_207 : i32 to index
        %swap3A_291 = arith.constant 48 : index
        %swap3A_292 = tpu.vector_load %arg22[%swap3A_290, %swap3A_291] {strides = array<i32>} : memref<64x144xf32, #tpu.memory_space<vmem>>, vector<1x16xf32>,
        %swap3A_293 = vector.shape_cast %swap3A_292 : vector<1x16xf32> to vector<16xf32>
        %swap3A_294 = vector.shape_cast %mul3A_289 : vector<16xf32> to vector<1x16xf32>
        tpu.vector_store %arg22[%swap3A_290, %swap3A_291], %swap3A_294 {strides = array<i32>} : memref<64x144xf32, #tpu.memory_space<vmem>>, vector<1x16xf32>,
        %get3A_295 = arith.index_cast %add3A_207 : i32 to index
        %get3A_296 = arith.constant 64 : index
        %get3A_297 = tpu.vector_load %arg20[%get3A_295, %get3A_296] {strides = array<i32>} : memref<64x128xf32, #tpu.memory_space<vmem>>, vector<1x16xf32>,
        %get3A_298 = vector.shape_cast %get3A_297 : vector<1x16xf32> to vector<16xf32>
        %mul3A_299 = arith.mulf %get3A_298, %broadcast_in_dim3A_246 : vector<16xf32>
        %swap3A_300 = arith.index_cast %add3A_207 : i32 to index
        %swap3A_301 = arith.constant 64 : index
        %swap3A_302 = tpu.vector_load %arg22[%swap3A_300, %swap3A_301] {strides = array<i32>} : memref<64x144xf32, #tpu.memory_space<vmem>>, vector<1x16xf32>,
        %swap3A_303 = vector.shape_cast %swap3A_302 : vector<1x16xf32> to vector<16xf32>
        %swap3A_304 = vector.shape_cast %mul3A_299 : vector<16xf32> to vector<1x16xf32>
        tpu.vector_store %arg22[%swap3A_300, %swap3A_301], %swap3A_304 {strides = array<i32>} : memref<64x144xf32, #tpu.memory_space<vmem>>, vector<1x16xf32>,
        %get3A_305 = arith.index_cast %add3A_207 : i32 to index
        %get3A_306 = arith.constant 80 : index
        %get3A_307 = tpu.vector_load %arg20[%get3A_305, %get3A_306] {strides = array<i32>} : memref<64x128xf32, #tpu.memory_space<vmem>>, vector<1x16xf32>,
        %get3A_308 = vector.shape_cast %get3A_307 : vector<1x16xf32> to vector<16xf32>
        %mul3A_309 = arith.mulf %get3A_308, %broadcast_in_dim3A_246 : vector<16xf32>
        %swap3A_310 = arith.index_cast %add3A_207 : i32 to index
        %swap3A_311 = arith.constant 80 : index
        %swap3A_312 = tpu.vector_load %arg22[%swap3A_310, %swap3A_311] {strides = array<i32>} : memref<64x144xf32, #tpu.memory_space<vmem>>, vector<1x16xf32>,
        %swap3A_313 = vector.shape_cast %swap3A_312 : vector<1x16xf32> to vector<16xf32>
        %swap3A_314 = vector.shape_cast %mul3A_309 : vector<16xf32> to vector<1x16xf32>
        tpu.vector_store %arg22[%swap3A_310, %swap3A_311], %swap3A_314 {strides = array<i32>} : memref<64x144xf32, #tpu.memory_space<vmem>>, vector<1x16xf32>,
        %get3A_315 = arith.index_cast %add3A_207 : i32 to index
        %get3A_316 = arith.constant 96 : index
        %get3A_317 = tpu.vector_load %arg20[%get3A_315, %get3A_316] {strides = array<i32>} : memref<64x128xf32, #tpu.memory_space<vmem>>, vector<1x16xf32>,
        %get3A_318 = vector.shape_cast %get3A_317 : vector<1x16xf32> to vector<16xf32>
        %mul3A_319 = arith.mulf %get3A_318, %broadcast_in_dim3A_249 : vector<16xf32>
        %swap3A_320 = arith.index_cast %add3A_207 : i32 to index
        %swap3A_321 = arith.constant 96 : index
        %swap3A_322 = tpu.vector_load %arg22[%swap3A_320, %swap3A_321] {strides = array<i32>} : memref<64x144xf32, #tpu.memory_space<vmem>>, vector<1x16xf32>,
        %swap3A_323 = vector.shape_cast %swap3A_322 : vector<1x16xf32> to vector<16xf32>
        %swap3A_324 = vector.shape_cast %mul3A_319 : vector<16xf32> to vector<1x16xf32>
        tpu.vector_store %arg22[%swap3A_320, %swap3A_321], %swap3A_324 {strides = array<i32>} : memref<64x144xf32, #tpu.memory_space<vmem>>, vector<1x16xf32>,
        %get3A_325 = arith.index_cast %add3A_207 : i32 to index
        %get3A_326 = arith.constant 112 : index
        %get3A_327 = tpu.vector_load %arg20[%get3A_325, %get3A_326] {strides = array<i32>} : memref<64x128xf32, #tpu.memory_space<vmem>>, vector<1x16xf32>,
        %get3A_328 = vector.shape_cast %get3A_327 : vector<1x16xf32> to vector<16xf32>
        %mul3A_329 = arith.mulf %get3A_328, %broadcast_in_dim3A_249 : vector<16xf32>
        %swap3A_330 = arith.index_cast %add3A_207 : i32 to index
        %swap3A_331 = arith.constant 112 : index
        %swap3A_332 = tpu.vector_load %arg22[%swap3A_330, %swap3A_331] {strides = array<i32>} : memref<64x144xf32, #tpu.memory_space<vmem>>, vector<1x16xf32>,
        %swap3A_333 = vector.shape_cast %swap3A_332 : vector<1x16xf32> to vector<16xf32>
        %swap3A_334 = vector.shape_cast %mul3A_329 : vector<16xf32> to vector<1x16xf32>
        tpu.vector_store %arg22[%swap3A_330, %swap3A_331], %swap3A_334 {strides = array<i32>} : memref<64x144xf32, #tpu.memory_space<vmem>>, vector<1x16xf32>,
      }
      %scan3A_61 = arith.constant 32 : i32
      "tpu.region"() ({
        %run_scoped3A = tpu.sem_alloc : memref<!tpu.dma_semaphore, #tpu.memory_space<semaphore_mem>>
        %dma_start3A_82 = arith.constant 0 : i32
        %dma_start3A_83 = arith.constant 0 : i32
        %dma_start3A_84 = tpu.memref_slice %arg23[%dma_start3A_82, %dma_start3A_83] : memref<10112x144xf32, #tpu.memory_space<vmem_shared>> -> memref<10112x144xf32, #tpu.memory_space<vmem_shared>>
        tpu.enqueue_indirect_dma source(%arg22 : memref<64x144xf32, #tpu.memory_space<vmem>>) target(%dma_start3A_84 : memref<10112x144xf32, #tpu.memory_space<vmem_shared>>) offsets(%arg12 : memref<64xi32, #tpu.memory_space<vmem>>) semaphore(%run_scoped3A : memref<!tpu.dma_semaphore, #tpu.memory_space<semaphore_mem>>) {add = true}
        %dma_wait3A_85 = arith.constant 0 : i32
        %dma_wait3A_86 = arith.constant 0 : i32
        %dma_wait3A_87 = tpu.memref_slice %arg23[%dma_wait3A_85, %dma_wait3A_86] : memref<10112x144xf32, #tpu.memory_space<vmem_shared>> -> memref<10112x144xf32, #tpu.memory_space<vmem_shared>>
        tpu.wait_indirect_dma semaphore(%run_scoped3A : memref<!tpu.dma_semaphore, #tpu.memory_space<semaphore_mem>>) src(%arg22 : memref<64x144xf32, #tpu.memory_space<vmem>>) dst(%dma_wait3A_87 : memref<10112x144xf32, #tpu.memory_space<vmem_shared>>)
        tpu.yield
      }) : () -> ()
      %mul3A_62 = arith.constant 2 : i32
      %mul3A_63 = arith.muli %mul3A_62, %add3A_30 : i32
      %add3A_64 = arith.constant 2 : i32
      %add3A_65 = arith.addi %mul3A_63, %add3A_64 : i32
      %lt3A = arith.constant 158 : i32
      %lt3A_66 = arith.cmpi slt, %add3A_65, %lt3A : i32
      %convert_element_type3A = arith.extui %lt3A_66 : i1 to i32
      %cond3A = arith.constant 0 : i32
      %cond3A_67 = arith.cmpi ne, %convert_element_type3A, %cond3A : i32
      scf.if %cond3A_67 {
        %mul3A_82 = arith.constant 2 : i32
        %mul3A_83 = arith.muli %mul3A_82, %add3A_30 : i32
        %add3A_84 = arith.constant 2 : i32
        %add3A_85 = arith.addi %mul3A_83, %add3A_84 : i32
        %mul3A_86 = arith.constant 32 : i32
        %mul3A_87 = arith.muli %add3A_85, %mul3A_86 : i32
        %add3A_88 = arith.addi %mul3A_87, %add3A : i32
        %mul3A_89 = arith.constant 64 : i32
        %mul3A_90 = arith.muli %add3A_88, %mul3A_89 : i32
        "tpu.region"() ({
          %run_scoped3A = tpu.sem_alloc : memref<!tpu.dma_semaphore, #tpu.memory_space<semaphore_mem>>
          %dma_start3A_100 = tpu.memref_slice %arg2[%mul3A_90] : memref<323584xi32, #tpu.memory_space<hbm>> -> memref<64xi32, #tpu.memory_space<hbm>>
          %dma_start3A_101 = tpu.memref_slice %arg2[%mul3A_90] : memref<323584xi32, #tpu.memory_space<hbm>> -> memref<64xi32, #tpu.memory_space<hbm>>
          tpu.enqueue_dma source(%dma_start3A_101 : memref<64xi32, #tpu.memory_space<hbm>>) target(%arg10 : memref<64xi32, #tpu.memory_space<vmem>>) target_semaphore(%run_scoped3A : memref<!tpu.dma_semaphore, #tpu.memory_space<semaphore_mem>>)
          %dma_wait3A_102 = tpu.memref_slice %arg2[%mul3A_90] : memref<323584xi32, #tpu.memory_space<hbm>> -> memref<64xi32, #tpu.memory_space<hbm>>
          %dma_wait3A_103 = tpu.memref_slice %arg2[%mul3A_90] : memref<323584xi32, #tpu.memory_space<hbm>> -> memref<64xi32, #tpu.memory_space<hbm>>
          tpu.wait_dma2 semaphore(%run_scoped3A : memref<!tpu.dma_semaphore, #tpu.memory_space<semaphore_mem>>) src(%dma_wait3A_103 : memref<64xi32, #tpu.memory_space<hbm>>) dst(%arg10 : memref<64xi32, #tpu.memory_space<vmem>>)
          tpu.yield
        }) : () -> ()
        "tpu.region"() ({
          %run_scoped3A = tpu.sem_alloc : memref<!tpu.dma_semaphore, #tpu.memory_space<semaphore_mem>>
          %dma_start3A_100 = tpu.memref_slice %arg3[%mul3A_90] : memref<323584xi32, #tpu.memory_space<hbm>> -> memref<64xi32, #tpu.memory_space<hbm>>
          %dma_start3A_101 = tpu.memref_slice %arg3[%mul3A_90] : memref<323584xi32, #tpu.memory_space<hbm>> -> memref<64xi32, #tpu.memory_space<hbm>>
          tpu.enqueue_dma source(%dma_start3A_101 : memref<64xi32, #tpu.memory_space<hbm>>) target(%arg12 : memref<64xi32, #tpu.memory_space<vmem>>) target_semaphore(%run_scoped3A : memref<!tpu.dma_semaphore, #tpu.memory_space<semaphore_mem>>)
          %dma_wait3A_102 = tpu.memref_slice %arg3[%mul3A_90] : memref<323584xi32, #tpu.memory_space<hbm>> -> memref<64xi32, #tpu.memory_space<hbm>>
          %dma_wait3A_103 = tpu.memref_slice %arg3[%mul3A_90] : memref<323584xi32, #tpu.memory_space<hbm>> -> memref<64xi32, #tpu.memory_space<hbm>>
          tpu.wait_dma2 semaphore(%run_scoped3A : memref<!tpu.dma_semaphore, #tpu.memory_space<semaphore_mem>>) src(%dma_wait3A_103 : memref<64xi32, #tpu.memory_space<hbm>>) dst(%arg12 : memref<64xi32, #tpu.memory_space<vmem>>)
          tpu.yield
        }) : () -> ()
        "tpu.region"() ({
          %run_scoped3A = tpu.sem_alloc : memref<!tpu.dma_semaphore, #tpu.memory_space<semaphore_mem>>
          %dma_start3A_100 = arith.constant 0 : i32
          %dma_start3A_101 = tpu.memref_slice %arg4[%mul3A_90, %dma_start3A_100] : memref<323584x16xf32, #tpu.memory_space<hbm>> -> memref<64x16xf32, #tpu.memory_space<hbm>>
          %dma_start3A_102 = arith.constant 0 : i32
          %dma_start3A_103 = tpu.memref_slice %arg4[%mul3A_90, %dma_start3A_102] : memref<323584x16xf32, #tpu.memory_space<hbm>> -> memref<64x16xf32, #tpu.memory_space<hbm>>
          tpu.enqueue_dma source(%dma_start3A_103 : memref<64x16xf32, #tpu.memory_space<hbm>>) target(%arg18 : memref<64x16xf32, #tpu.memory_space<vmem>>) target_semaphore(%run_scoped3A : memref<!tpu.dma_semaphore, #tpu.memory_space<semaphore_mem>>)
          %dma_wait3A_104 = arith.constant 0 : i32
          %dma_wait3A_105 = tpu.memref_slice %arg4[%mul3A_90, %dma_wait3A_104] : memref<323584x16xf32, #tpu.memory_space<hbm>> -> memref<64x16xf32, #tpu.memory_space<hbm>>
          %dma_wait3A_106 = arith.constant 0 : i32
          %dma_wait3A_107 = tpu.memref_slice %arg4[%mul3A_90, %dma_wait3A_106] : memref<323584x16xf32, #tpu.memory_space<hbm>> -> memref<64x16xf32, #tpu.memory_space<hbm>>
          tpu.wait_dma2 semaphore(%run_scoped3A : memref<!tpu.dma_semaphore, #tpu.memory_space<semaphore_mem>>) src(%dma_wait3A_107 : memref<64x16xf32, #tpu.memory_space<hbm>>) dst(%arg18 : memref<64x16xf32, #tpu.memory_space<vmem>>)
          tpu.yield
        }) : () -> ()
        %dma_start3A_91 = arith.constant 0 : i32
        %dma_start3A_92 = arith.constant 0 : i32
        %dma_start3A_93 = tpu.memref_slice %arg5[%dma_start3A_91, %dma_start3A_92] : memref<10112x16xf32, #tpu.memory_space<hbm>> -> memref<10112x16xf32, #tpu.memory_space<hbm>>
        tpu.enqueue_indirect_dma source(%dma_start3A_93 : memref<10112x16xf32, #tpu.memory_space<hbm>>) target(%arg14 : memref<64x16xf32, #tpu.memory_space<vmem>>) offsets(%arg10 : memref<64xi32, #tpu.memory_space<vmem>>) semaphore(%arg24 : memref<!tpu.dma_semaphore, #tpu.memory_space<semaphore_mem>>)
        %dma_start3A_94 = arith.constant 0 : i32
        %dma_start3A_95 = arith.constant 0 : i32
        %dma_start3A_96 = tpu.memref_slice %arg6[%dma_start3A_94, %dma_start3A_95] : memref<10112x16xf32, #tpu.memory_space<hbm>> -> memref<10112x16xf32, #tpu.memory_space<hbm>>
        tpu.enqueue_indirect_dma source(%dma_start3A_96 : memref<10112x16xf32, #tpu.memory_space<hbm>>) target(%arg16 : memref<64x16xf32, #tpu.memory_space<vmem>>) offsets(%arg12 : memref<64xi32, #tpu.memory_space<vmem>>) semaphore(%arg26 : memref<!tpu.dma_semaphore, #tpu.memory_space<semaphore_mem>>)
        %dma_start3A_97 = arith.constant 0 : i32
        %dma_start3A_98 = arith.constant 0 : i32
        %dma_start3A_99 = tpu.memref_slice %arg7[%dma_start3A_97, %dma_start3A_98] : memref<10112x128xf32, #tpu.memory_space<hbm>> -> memref<10112x128xf32, #tpu.memory_space<hbm>>
        tpu.enqueue_indirect_dma source(%dma_start3A_99 : memref<10112x128xf32, #tpu.memory_space<hbm>>) target(%arg20 : memref<64x128xf32, #tpu.memory_space<vmem>>) offsets(%arg10 : memref<64xi32, #tpu.memory_space<vmem>>) semaphore(%arg28 : memref<!tpu.dma_semaphore, #tpu.memory_space<semaphore_mem>>)
      } else {
      }
      %dma_wait3A_68 = arith.constant 0 : i32
      %dma_wait3A_69 = arith.constant 0 : i32
      %dma_wait3A_70 = tpu.memref_slice %arg5[%dma_wait3A_68, %dma_wait3A_69] : memref<10112x16xf32, #tpu.memory_space<hbm>> -> memref<10112x16xf32, #tpu.memory_space<hbm>>
      tpu.wait_indirect_dma semaphore(%arg25 : memref<!tpu.dma_semaphore, #tpu.memory_space<semaphore_mem>>) src(%dma_wait3A_70 : memref<10112x16xf32, #tpu.memory_space<hbm>>) dst(%arg15 : memref<64x16xf32, #tpu.memory_space<vmem>>)
      %dma_wait3A_71 = arith.constant 0 : i32
      %dma_wait3A_72 = arith.constant 0 : i32
      %dma_wait3A_73 = tpu.memref_slice %arg6[%dma_wait3A_71, %dma_wait3A_72] : memref<10112x16xf32, #tpu.memory_space<hbm>> -> memref<10112x16xf32, #tpu.memory_space<hbm>>
      tpu.wait_indirect_dma semaphore(%arg27 : memref<!tpu.dma_semaphore, #tpu.memory_space<semaphore_mem>>) src(%dma_wait3A_73 : memref<10112x16xf32, #tpu.memory_space<hbm>>) dst(%arg17 : memref<64x16xf32, #tpu.memory_space<vmem>>)
      %dma_wait3A_74 = arith.constant 0 : i32
      %dma_wait3A_75 = arith.constant 0 : i32
      %dma_wait3A_76 = tpu.memref_slice %arg7[%dma_wait3A_74, %dma_wait3A_75] : memref<10112x128xf32, #tpu.memory_space<hbm>> -> memref<10112x128xf32, #tpu.memory_space<hbm>>
      tpu.wait_indirect_dma semaphore(%arg29 : memref<!tpu.dma_semaphore, #tpu.memory_space<semaphore_mem>>) src(%dma_wait3A_76 : memref<10112x128xf32, #tpu.memory_space<hbm>>) dst(%arg21 : memref<64x128xf32, #tpu.memory_space<vmem>>)
      %scan3A_77 = arith.constant 0 : i32
      %scan3A_78 = arith.constant 32 : i32
      %scan3A_79 = arith.addi %scan3A_77, %scan3A_78 : i32
      %scan3A_80 = arith.constant 1 : i32
      scf.for %scan3A_82 = %scan3A_77 to %scan3A_79 step %scan3A_80  : i32 {
        %mul3A_83 = arith.constant 2 : i32
        %mul3A_84 = arith.muli %scan3A_82, %mul3A_83 : i32
        %add3A_85 = arith.constant 0 : i32
        %add3A_86 = arith.addi %add3A_85, %mul3A_84 : i32
        %get3A = arith.index_cast %add3A_86 : i32 to index
        %get3A_87 = arith.constant 0 : index
        %get3A_88 = tpu.vector_load %arg15[%get3A, %get3A_87] {strides = array<i32>} : memref<64x16xf32, #tpu.memory_space<vmem>>, vector<1x16xf32>,
        %get3A_89 = vector.shape_cast %get3A_88 : vector<1x16xf32> to vector<16xf32>
        %get3A_90 = arith.index_cast %add3A_86 : i32 to index
        %get3A_91 = arith.constant 0 : index
        %get3A_92 = tpu.vector_load %arg17[%get3A_90, %get3A_91] {strides = array<i32>} : memref<64x16xf32, #tpu.memory_space<vmem>>, vector<1x16xf32>,
        %get3A_93 = vector.shape_cast %get3A_92 : vector<1x16xf32> to vector<16xf32>
        %add3A_94 = arith.addf %get3A_89, %get3A_93 : vector<16xf32>
        %get3A_95 = arith.index_cast %add3A_86 : i32 to index
        %get3A_96 = arith.constant 0 : index
        %get3A_97 = tpu.vector_load %arg19[%get3A_95, %get3A_96] {strides = array<i32>} : memref<64x16xf32, #tpu.memory_space<vmem>>, vector<1x16xf32>,
        %get3A_98 = vector.shape_cast %get3A_97 : vector<1x16xf32> to vector<16xf32>
        %add3A_99 = arith.addf %add3A_94, %get3A_98 : vector<16xf32>
        %ge3A = arith.constant 0.000000e+00 : f32
        %ge3A_100 = vector.broadcast %ge3A : f32 to vector<16xf32>
        %ge3A_101 = arith.cmpf oge, %add3A_99, %ge3A_100 : vector<16xf32>
        %mul3A_102 = arith.constant 2.000000e-01 : f32
        %mul3A_103 = vector.broadcast %mul3A_102 : f32 to vector<16xf32>
        %mul3A_104 = arith.mulf %mul3A_103, %add3A_99 : vector<16xf32>
        %select_n3A = arith.select %ge3A_101, %add3A_99, %mul3A_104 : vector<16xi1>, vector<16xf32>
        %exp3A = math.exp %select_n3A : vector<16xf32>
        %lt3A_105 = arith.constant 4 : i32
        %lt3A_106 = vector.broadcast %lt3A_105 : i32 to vector<16xi32>
        %lt3A_107 = arith.cmpi slt, %iota3A, %lt3A_106 : vector<16xi32>
        %get3A_108 = arith.index_cast %add3A_86 : i32 to index
        %get3A_109 = arith.constant 0 : index
        %get3A_110 = tpu.vector_load %arg19[%get3A_108, %get3A_109] {strides = array<i32>} : memref<64x16xf32, #tpu.memory_space<vmem>>, vector<1x16xf32>,
        %get3A_111 = vector.shape_cast %get3A_110 : vector<1x16xf32> to vector<16xf32>
        %select_n3A_112 = arith.select %lt3A_107, %exp3A, %get3A_111 : vector<16xi1>, vector<16xf32>
        %slice3A = vector.extract_strided_slice %exp3A {offsets = [0], sizes = [1], strides = [1]} : vector<16xf32> to vector<1xf32>
        %squeeze3A = vector.extract %slice3A[0] : f32 from vector<1xf32>
        %broadcast_in_dim3A = vector.broadcast %squeeze3A : f32 to vector<16xf32>
        %slice3A_113 = vector.extract_strided_slice %exp3A {offsets = [1], sizes = [1], strides = [1]} : vector<16xf32> to vector<1xf32>
        %squeeze3A_114 = vector.extract %slice3A_113[0] : f32 from vector<1xf32>
        %broadcast_in_dim3A_115 = vector.broadcast %squeeze3A_114 : f32 to vector<16xf32>
        %slice3A_116 = vector.extract_strided_slice %exp3A {offsets = [2], sizes = [1], strides = [1]} : vector<16xf32> to vector<1xf32>
        %squeeze3A_117 = vector.extract %slice3A_116[0] : f32 from vector<1xf32>
        %broadcast_in_dim3A_118 = vector.broadcast %squeeze3A_117 : f32 to vector<16xf32>
        %slice3A_119 = vector.extract_strided_slice %exp3A {offsets = [3], sizes = [1], strides = [1]} : vector<16xf32> to vector<1xf32>
        %squeeze3A_120 = vector.extract %slice3A_119[0] : f32 from vector<1xf32>
        %broadcast_in_dim3A_121 = vector.broadcast %squeeze3A_120 : f32 to vector<16xf32>
        %swap3A = arith.index_cast %add3A_86 : i32 to index
        %swap3A_122 = arith.constant 128 : index
        %swap3A_123 = tpu.vector_load %arg22[%swap3A, %swap3A_122] {strides = array<i32>} : memref<64x144xf32, #tpu.memory_space<vmem>>, vector<1x16xf32>,
        %swap3A_124 = vector.shape_cast %swap3A_123 : vector<1x16xf32> to vector<16xf32>
        %swap3A_125 = vector.shape_cast %select_n3A_112 : vector<16xf32> to vector<1x16xf32>
        tpu.vector_store %arg22[%swap3A, %swap3A_122], %swap3A_125 {strides = array<i32>} : memref<64x144xf32, #tpu.memory_space<vmem>>, vector<1x16xf32>,
        %get3A_126 = arith.index_cast %add3A_86 : i32 to index
        %get3A_127 = arith.constant 0 : index
        %get3A_128 = tpu.vector_load %arg21[%get3A_126, %get3A_127] {strides = array<i32>} : memref<64x128xf32, #tpu.memory_space<vmem>>, vector<1x16xf32>,
        %get3A_129 = vector.shape_cast %get3A_128 : vector<1x16xf32> to vector<16xf32>
        %mul3A_130 = arith.mulf %get3A_129, %broadcast_in_dim3A : vector<16xf32>
        %swap3A_131 = arith.index_cast %add3A_86 : i32 to index
        %swap3A_132 = arith.constant 0 : index
        %swap3A_133 = tpu.vector_load %arg22[%swap3A_131, %swap3A_132] {strides = array<i32>} : memref<64x144xf32, #tpu.memory_space<vmem>>, vector<1x16xf32>,
        %swap3A_134 = vector.shape_cast %swap3A_133 : vector<1x16xf32> to vector<16xf32>
        %swap3A_135 = vector.shape_cast %mul3A_130 : vector<16xf32> to vector<1x16xf32>
        tpu.vector_store %arg22[%swap3A_131, %swap3A_132], %swap3A_135 {strides = array<i32>} : memref<64x144xf32, #tpu.memory_space<vmem>>, vector<1x16xf32>,
        %get3A_136 = arith.index_cast %add3A_86 : i32 to index
        %get3A_137 = arith.constant 16 : index
        %get3A_138 = tpu.vector_load %arg21[%get3A_136, %get3A_137] {strides = array<i32>} : memref<64x128xf32, #tpu.memory_space<vmem>>, vector<1x16xf32>,
        %get3A_139 = vector.shape_cast %get3A_138 : vector<1x16xf32> to vector<16xf32>
        %mul3A_140 = arith.mulf %get3A_139, %broadcast_in_dim3A : vector<16xf32>
        %swap3A_141 = arith.index_cast %add3A_86 : i32 to index
        %swap3A_142 = arith.constant 16 : index
        %swap3A_143 = tpu.vector_load %arg22[%swap3A_141, %swap3A_142] {strides = array<i32>} : memref<64x144xf32, #tpu.memory_space<vmem>>, vector<1x16xf32>,
        %swap3A_144 = vector.shape_cast %swap3A_143 : vector<1x16xf32> to vector<16xf32>
        %swap3A_145 = vector.shape_cast %mul3A_140 : vector<16xf32> to vector<1x16xf32>
        tpu.vector_store %arg22[%swap3A_141, %swap3A_142], %swap3A_145 {strides = array<i32>} : memref<64x144xf32, #tpu.memory_space<vmem>>, vector<1x16xf32>,
        %get3A_146 = arith.index_cast %add3A_86 : i32 to index
        %get3A_147 = arith.constant 32 : index
        %get3A_148 = tpu.vector_load %arg21[%get3A_146, %get3A_147] {strides = array<i32>} : memref<64x128xf32, #tpu.memory_space<vmem>>, vector<1x16xf32>,
        %get3A_149 = vector.shape_cast %get3A_148 : vector<1x16xf32> to vector<16xf32>
        %mul3A_150 = arith.mulf %get3A_149, %broadcast_in_dim3A_115 : vector<16xf32>
        %swap3A_151 = arith.index_cast %add3A_86 : i32 to index
        %swap3A_152 = arith.constant 32 : index
        %swap3A_153 = tpu.vector_load %arg22[%swap3A_151, %swap3A_152] {strides = array<i32>} : memref<64x144xf32, #tpu.memory_space<vmem>>, vector<1x16xf32>,
        %swap3A_154 = vector.shape_cast %swap3A_153 : vector<1x16xf32> to vector<16xf32>
        %swap3A_155 = vector.shape_cast %mul3A_150 : vector<16xf32> to vector<1x16xf32>
        tpu.vector_store %arg22[%swap3A_151, %swap3A_152], %swap3A_155 {strides = array<i32>} : memref<64x144xf32, #tpu.memory_space<vmem>>, vector<1x16xf32>,
        %get3A_156 = arith.index_cast %add3A_86 : i32 to index
        %get3A_157 = arith.constant 48 : index
        %get3A_158 = tpu.vector_load %arg21[%get3A_156, %get3A_157] {strides = array<i32>} : memref<64x128xf32, #tpu.memory_space<vmem>>, vector<1x16xf32>,
        %get3A_159 = vector.shape_cast %get3A_158 : vector<1x16xf32> to vector<16xf32>
        %mul3A_160 = arith.mulf %get3A_159, %broadcast_in_dim3A_115 : vector<16xf32>
        %swap3A_161 = arith.index_cast %add3A_86 : i32 to index
        %swap3A_162 = arith.constant 48 : index
        %swap3A_163 = tpu.vector_load %arg22[%swap3A_161, %swap3A_162] {strides = array<i32>} : memref<64x144xf32, #tpu.memory_space<vmem>>, vector<1x16xf32>,
        %swap3A_164 = vector.shape_cast %swap3A_163 : vector<1x16xf32> to vector<16xf32>
        %swap3A_165 = vector.shape_cast %mul3A_160 : vector<16xf32> to vector<1x16xf32>
        tpu.vector_store %arg22[%swap3A_161, %swap3A_162], %swap3A_165 {strides = array<i32>} : memref<64x144xf32, #tpu.memory_space<vmem>>, vector<1x16xf32>,
        %get3A_166 = arith.index_cast %add3A_86 : i32 to index
        %get3A_167 = arith.constant 64 : index
        %get3A_168 = tpu.vector_load %arg21[%get3A_166, %get3A_167] {strides = array<i32>} : memref<64x128xf32, #tpu.memory_space<vmem>>, vector<1x16xf32>,
        %get3A_169 = vector.shape_cast %get3A_168 : vector<1x16xf32> to vector<16xf32>
        %mul3A_170 = arith.mulf %get3A_169, %broadcast_in_dim3A_118 : vector<16xf32>
        %swap3A_171 = arith.index_cast %add3A_86 : i32 to index
        %swap3A_172 = arith.constant 64 : index
        %swap3A_173 = tpu.vector_load %arg22[%swap3A_171, %swap3A_172] {strides = array<i32>} : memref<64x144xf32, #tpu.memory_space<vmem>>, vector<1x16xf32>,
        %swap3A_174 = vector.shape_cast %swap3A_173 : vector<1x16xf32> to vector<16xf32>
        %swap3A_175 = vector.shape_cast %mul3A_170 : vector<16xf32> to vector<1x16xf32>
        tpu.vector_store %arg22[%swap3A_171, %swap3A_172], %swap3A_175 {strides = array<i32>} : memref<64x144xf32, #tpu.memory_space<vmem>>, vector<1x16xf32>,
        %get3A_176 = arith.index_cast %add3A_86 : i32 to index
        %get3A_177 = arith.constant 80 : index
        %get3A_178 = tpu.vector_load %arg21[%get3A_176, %get3A_177] {strides = array<i32>} : memref<64x128xf32, #tpu.memory_space<vmem>>, vector<1x16xf32>,
        %get3A_179 = vector.shape_cast %get3A_178 : vector<1x16xf32> to vector<16xf32>
        %mul3A_180 = arith.mulf %get3A_179, %broadcast_in_dim3A_118 : vector<16xf32>
        %swap3A_181 = arith.index_cast %add3A_86 : i32 to index
        %swap3A_182 = arith.constant 80 : index
        %swap3A_183 = tpu.vector_load %arg22[%swap3A_181, %swap3A_182] {strides = array<i32>} : memref<64x144xf32, #tpu.memory_space<vmem>>, vector<1x16xf32>,
        %swap3A_184 = vector.shape_cast %swap3A_183 : vector<1x16xf32> to vector<16xf32>
        %swap3A_185 = vector.shape_cast %mul3A_180 : vector<16xf32> to vector<1x16xf32>
        tpu.vector_store %arg22[%swap3A_181, %swap3A_182], %swap3A_185 {strides = array<i32>} : memref<64x144xf32, #tpu.memory_space<vmem>>, vector<1x16xf32>,
        %get3A_186 = arith.index_cast %add3A_86 : i32 to index
        %get3A_187 = arith.constant 96 : index
        %get3A_188 = tpu.vector_load %arg21[%get3A_186, %get3A_187] {strides = array<i32>} : memref<64x128xf32, #tpu.memory_space<vmem>>, vector<1x16xf32>,
        %get3A_189 = vector.shape_cast %get3A_188 : vector<1x16xf32> to vector<16xf32>
        %mul3A_190 = arith.mulf %get3A_189, %broadcast_in_dim3A_121 : vector<16xf32>
        %swap3A_191 = arith.index_cast %add3A_86 : i32 to index
        %swap3A_192 = arith.constant 96 : index
        %swap3A_193 = tpu.vector_load %arg22[%swap3A_191, %swap3A_192] {strides = array<i32>} : memref<64x144xf32, #tpu.memory_space<vmem>>, vector<1x16xf32>,
        %swap3A_194 = vector.shape_cast %swap3A_193 : vector<1x16xf32> to vector<16xf32>
        %swap3A_195 = vector.shape_cast %mul3A_190 : vector<16xf32> to vector<1x16xf32>
        tpu.vector_store %arg22[%swap3A_191, %swap3A_192], %swap3A_195 {strides = array<i32>} : memref<64x144xf32, #tpu.memory_space<vmem>>, vector<1x16xf32>,
        %get3A_196 = arith.index_cast %add3A_86 : i32 to index
        %get3A_197 = arith.constant 112 : index
        %get3A_198 = tpu.vector_load %arg21[%get3A_196, %get3A_197] {strides = array<i32>} : memref<64x128xf32, #tpu.memory_space<vmem>>, vector<1x16xf32>,
        %get3A_199 = vector.shape_cast %get3A_198 : vector<1x16xf32> to vector<16xf32>
        %mul3A_200 = arith.mulf %get3A_199, %broadcast_in_dim3A_121 : vector<16xf32>
        %swap3A_201 = arith.index_cast %add3A_86 : i32 to index
        %swap3A_202 = arith.constant 112 : index
        %swap3A_203 = tpu.vector_load %arg22[%swap3A_201, %swap3A_202] {strides = array<i32>} : memref<64x144xf32, #tpu.memory_space<vmem>>, vector<1x16xf32>,
        %swap3A_204 = vector.shape_cast %swap3A_203 : vector<1x16xf32> to vector<16xf32>
        %swap3A_205 = vector.shape_cast %mul3A_200 : vector<16xf32> to vector<1x16xf32>
        tpu.vector_store %arg22[%swap3A_201, %swap3A_202], %swap3A_205 {strides = array<i32>} : memref<64x144xf32, #tpu.memory_space<vmem>>, vector<1x16xf32>,
        %add3A_206 = arith.constant 1 : i32
        %add3A_207 = arith.addi %add3A_86, %add3A_206 : i32
        %get3A_208 = arith.index_cast %add3A_207 : i32 to index
        %get3A_209 = arith.constant 0 : index
        %get3A_210 = tpu.vector_load %arg15[%get3A_208, %get3A_209] {strides = array<i32>} : memref<64x16xf32, #tpu.memory_space<vmem>>, vector<1x16xf32>,
        %get3A_211 = vector.shape_cast %get3A_210 : vector<1x16xf32> to vector<16xf32>
        %get3A_212 = arith.index_cast %add3A_207 : i32 to index
        %get3A_213 = arith.constant 0 : index
        %get3A_214 = tpu.vector_load %arg17[%get3A_212, %get3A_213] {strides = array<i32>} : memref<64x16xf32, #tpu.memory_space<vmem>>, vector<1x16xf32>,
        %get3A_215 = vector.shape_cast %get3A_214 : vector<1x16xf32> to vector<16xf32>
        %add3A_216 = arith.addf %get3A_211, %get3A_215 : vector<16xf32>
        %get3A_217 = arith.index_cast %add3A_207 : i32 to index
        %get3A_218 = arith.constant 0 : index
        %get3A_219 = tpu.vector_load %arg19[%get3A_217, %get3A_218] {strides = array<i32>} : memref<64x16xf32, #tpu.memory_space<vmem>>, vector<1x16xf32>,
        %get3A_220 = vector.shape_cast %get3A_219 : vector<1x16xf32> to vector<16xf32>
        %add3A_221 = arith.addf %add3A_216, %get3A_220 : vector<16xf32>
        %ge3A_222 = arith.constant 0.000000e+00 : f32
        %ge3A_223 = vector.broadcast %ge3A_222 : f32 to vector<16xf32>
        %ge3A_224 = arith.cmpf oge, %add3A_221, %ge3A_223 : vector<16xf32>
        %mul3A_225 = arith.constant 2.000000e-01 : f32
        %mul3A_226 = vector.broadcast %mul3A_225 : f32 to vector<16xf32>
        %mul3A_227 = arith.mulf %mul3A_226, %add3A_221 : vector<16xf32>
        %select_n3A_228 = arith.select %ge3A_224, %add3A_221, %mul3A_227 : vector<16xi1>, vector<16xf32>
        %exp3A_229 = math.exp %select_n3A_228 : vector<16xf32>
        %lt3A_230 = arith.constant 4 : i32
        %lt3A_231 = vector.broadcast %lt3A_230 : i32 to vector<16xi32>
        %lt3A_232 = arith.cmpi slt, %iota3A, %lt3A_231 : vector<16xi32>
        %get3A_233 = arith.index_cast %add3A_207 : i32 to index
        %get3A_234 = arith.constant 0 : index
        %get3A_235 = tpu.vector_load %arg19[%get3A_233, %get3A_234] {strides = array<i32>} : memref<64x16xf32, #tpu.memory_space<vmem>>, vector<1x16xf32>,
        %get3A_236 = vector.shape_cast %get3A_235 : vector<1x16xf32> to vector<16xf32>
        %select_n3A_237 = arith.select %lt3A_232, %exp3A_229, %get3A_236 : vector<16xi1>, vector<16xf32>
        %slice3A_238 = vector.extract_strided_slice %exp3A_229 {offsets = [0], sizes = [1], strides = [1]} : vector<16xf32> to vector<1xf32>
        %squeeze3A_239 = vector.extract %slice3A_238[0] : f32 from vector<1xf32>
        %broadcast_in_dim3A_240 = vector.broadcast %squeeze3A_239 : f32 to vector<16xf32>
        %slice3A_241 = vector.extract_strided_slice %exp3A_229 {offsets = [1], sizes = [1], strides = [1]} : vector<16xf32> to vector<1xf32>
        %squeeze3A_242 = vector.extract %slice3A_241[0] : f32 from vector<1xf32>
        %broadcast_in_dim3A_243 = vector.broadcast %squeeze3A_242 : f32 to vector<16xf32>
        %slice3A_244 = vector.extract_strided_slice %exp3A_229 {offsets = [2], sizes = [1], strides = [1]} : vector<16xf32> to vector<1xf32>
        %squeeze3A_245 = vector.extract %slice3A_244[0] : f32 from vector<1xf32>
        %broadcast_in_dim3A_246 = vector.broadcast %squeeze3A_245 : f32 to vector<16xf32>
        %slice3A_247 = vector.extract_strided_slice %exp3A_229 {offsets = [3], sizes = [1], strides = [1]} : vector<16xf32> to vector<1xf32>
        %squeeze3A_248 = vector.extract %slice3A_247[0] : f32 from vector<1xf32>
        %broadcast_in_dim3A_249 = vector.broadcast %squeeze3A_248 : f32 to vector<16xf32>
        %swap3A_250 = arith.index_cast %add3A_207 : i32 to index
        %swap3A_251 = arith.constant 128 : index
        %swap3A_252 = tpu.vector_load %arg22[%swap3A_250, %swap3A_251] {strides = array<i32>} : memref<64x144xf32, #tpu.memory_space<vmem>>, vector<1x16xf32>,
        %swap3A_253 = vector.shape_cast %swap3A_252 : vector<1x16xf32> to vector<16xf32>
        %swap3A_254 = vector.shape_cast %select_n3A_237 : vector<16xf32> to vector<1x16xf32>
        tpu.vector_store %arg22[%swap3A_250, %swap3A_251], %swap3A_254 {strides = array<i32>} : memref<64x144xf32, #tpu.memory_space<vmem>>, vector<1x16xf32>,
        %get3A_255 = arith.index_cast %add3A_207 : i32 to index
        %get3A_256 = arith.constant 0 : index
        %get3A_257 = tpu.vector_load %arg21[%get3A_255, %get3A_256] {strides = array<i32>} : memref<64x128xf32, #tpu.memory_space<vmem>>, vector<1x16xf32>,
        %get3A_258 = vector.shape_cast %get3A_257 : vector<1x16xf32> to vector<16xf32>
        %mul3A_259 = arith.mulf %get3A_258, %broadcast_in_dim3A_240 : vector<16xf32>
        %swap3A_260 = arith.index_cast %add3A_207 : i32 to index
        %swap3A_261 = arith.constant 0 : index
        %swap3A_262 = tpu.vector_load %arg22[%swap3A_260, %swap3A_261] {strides = array<i32>} : memref<64x144xf32, #tpu.memory_space<vmem>>, vector<1x16xf32>,
        %swap3A_263 = vector.shape_cast %swap3A_262 : vector<1x16xf32> to vector<16xf32>
        %swap3A_264 = vector.shape_cast %mul3A_259 : vector<16xf32> to vector<1x16xf32>
        tpu.vector_store %arg22[%swap3A_260, %swap3A_261], %swap3A_264 {strides = array<i32>} : memref<64x144xf32, #tpu.memory_space<vmem>>, vector<1x16xf32>,
        %get3A_265 = arith.index_cast %add3A_207 : i32 to index
        %get3A_266 = arith.constant 16 : index
        %get3A_267 = tpu.vector_load %arg21[%get3A_265, %get3A_266] {strides = array<i32>} : memref<64x128xf32, #tpu.memory_space<vmem>>, vector<1x16xf32>,
        %get3A_268 = vector.shape_cast %get3A_267 : vector<1x16xf32> to vector<16xf32>
        %mul3A_269 = arith.mulf %get3A_268, %broadcast_in_dim3A_240 : vector<16xf32>
        %swap3A_270 = arith.index_cast %add3A_207 : i32 to index
        %swap3A_271 = arith.constant 16 : index
        %swap3A_272 = tpu.vector_load %arg22[%swap3A_270, %swap3A_271] {strides = array<i32>} : memref<64x144xf32, #tpu.memory_space<vmem>>, vector<1x16xf32>,
        %swap3A_273 = vector.shape_cast %swap3A_272 : vector<1x16xf32> to vector<16xf32>
        %swap3A_274 = vector.shape_cast %mul3A_269 : vector<16xf32> to vector<1x16xf32>
        tpu.vector_store %arg22[%swap3A_270, %swap3A_271], %swap3A_274 {strides = array<i32>} : memref<64x144xf32, #tpu.memory_space<vmem>>, vector<1x16xf32>,
        %get3A_275 = arith.index_cast %add3A_207 : i32 to index
        %get3A_276 = arith.constant 32 : index
        %get3A_277 = tpu.vector_load %arg21[%get3A_275, %get3A_276] {strides = array<i32>} : memref<64x128xf32, #tpu.memory_space<vmem>>, vector<1x16xf32>,
        %get3A_278 = vector.shape_cast %get3A_277 : vector<1x16xf32> to vector<16xf32>
        %mul3A_279 = arith.mulf %get3A_278, %broadcast_in_dim3A_243 : vector<16xf32>
        %swap3A_280 = arith.index_cast %add3A_207 : i32 to index
        %swap3A_281 = arith.constant 32 : index
        %swap3A_282 = tpu.vector_load %arg22[%swap3A_280, %swap3A_281] {strides = array<i32>} : memref<64x144xf32, #tpu.memory_space<vmem>>, vector<1x16xf32>,
        %swap3A_283 = vector.shape_cast %swap3A_282 : vector<1x16xf32> to vector<16xf32>
        %swap3A_284 = vector.shape_cast %mul3A_279 : vector<16xf32> to vector<1x16xf32>
        tpu.vector_store %arg22[%swap3A_280, %swap3A_281], %swap3A_284 {strides = array<i32>} : memref<64x144xf32, #tpu.memory_space<vmem>>, vector<1x16xf32>,
        %get3A_285 = arith.index_cast %add3A_207 : i32 to index
        %get3A_286 = arith.constant 48 : index
        %get3A_287 = tpu.vector_load %arg21[%get3A_285, %get3A_286] {strides = array<i32>} : memref<64x128xf32, #tpu.memory_space<vmem>>, vector<1x16xf32>,
        %get3A_288 = vector.shape_cast %get3A_287 : vector<1x16xf32> to vector<16xf32>
        %mul3A_289 = arith.mulf %get3A_288, %broadcast_in_dim3A_243 : vector<16xf32>
        %swap3A_290 = arith.index_cast %add3A_207 : i32 to index
        %swap3A_291 = arith.constant 48 : index
        %swap3A_292 = tpu.vector_load %arg22[%swap3A_290, %swap3A_291] {strides = array<i32>} : memref<64x144xf32, #tpu.memory_space<vmem>>, vector<1x16xf32>,
        %swap3A_293 = vector.shape_cast %swap3A_292 : vector<1x16xf32> to vector<16xf32>
        %swap3A_294 = vector.shape_cast %mul3A_289 : vector<16xf32> to vector<1x16xf32>
        tpu.vector_store %arg22[%swap3A_290, %swap3A_291], %swap3A_294 {strides = array<i32>} : memref<64x144xf32, #tpu.memory_space<vmem>>, vector<1x16xf32>,
        %get3A_295 = arith.index_cast %add3A_207 : i32 to index
        %get3A_296 = arith.constant 64 : index
        %get3A_297 = tpu.vector_load %arg21[%get3A_295, %get3A_296] {strides = array<i32>} : memref<64x128xf32, #tpu.memory_space<vmem>>, vector<1x16xf32>,
        %get3A_298 = vector.shape_cast %get3A_297 : vector<1x16xf32> to vector<16xf32>
        %mul3A_299 = arith.mulf %get3A_298, %broadcast_in_dim3A_246 : vector<16xf32>
        %swap3A_300 = arith.index_cast %add3A_207 : i32 to index
        %swap3A_301 = arith.constant 64 : index
        %swap3A_302 = tpu.vector_load %arg22[%swap3A_300, %swap3A_301] {strides = array<i32>} : memref<64x144xf32, #tpu.memory_space<vmem>>, vector<1x16xf32>,
        %swap3A_303 = vector.shape_cast %swap3A_302 : vector<1x16xf32> to vector<16xf32>
        %swap3A_304 = vector.shape_cast %mul3A_299 : vector<16xf32> to vector<1x16xf32>
        tpu.vector_store %arg22[%swap3A_300, %swap3A_301], %swap3A_304 {strides = array<i32>} : memref<64x144xf32, #tpu.memory_space<vmem>>, vector<1x16xf32>,
        %get3A_305 = arith.index_cast %add3A_207 : i32 to index
        %get3A_306 = arith.constant 80 : index
        %get3A_307 = tpu.vector_load %arg21[%get3A_305, %get3A_306] {strides = array<i32>} : memref<64x128xf32, #tpu.memory_space<vmem>>, vector<1x16xf32>,
        %get3A_308 = vector.shape_cast %get3A_307 : vector<1x16xf32> to vector<16xf32>
        %mul3A_309 = arith.mulf %get3A_308, %broadcast_in_dim3A_246 : vector<16xf32>
        %swap3A_310 = arith.index_cast %add3A_207 : i32 to index
        %swap3A_311 = arith.constant 80 : index
        %swap3A_312 = tpu.vector_load %arg22[%swap3A_310, %swap3A_311] {strides = array<i32>} : memref<64x144xf32, #tpu.memory_space<vmem>>, vector<1x16xf32>,
        %swap3A_313 = vector.shape_cast %swap3A_312 : vector<1x16xf32> to vector<16xf32>
        %swap3A_314 = vector.shape_cast %mul3A_309 : vector<16xf32> to vector<1x16xf32>
        tpu.vector_store %arg22[%swap3A_310, %swap3A_311], %swap3A_314 {strides = array<i32>} : memref<64x144xf32, #tpu.memory_space<vmem>>, vector<1x16xf32>,
        %get3A_315 = arith.index_cast %add3A_207 : i32 to index
        %get3A_316 = arith.constant 96 : index
        %get3A_317 = tpu.vector_load %arg21[%get3A_315, %get3A_316] {strides = array<i32>} : memref<64x128xf32, #tpu.memory_space<vmem>>, vector<1x16xf32>,
        %get3A_318 = vector.shape_cast %get3A_317 : vector<1x16xf32> to vector<16xf32>
        %mul3A_319 = arith.mulf %get3A_318, %broadcast_in_dim3A_249 : vector<16xf32>
        %swap3A_320 = arith.index_cast %add3A_207 : i32 to index
        %swap3A_321 = arith.constant 96 : index
        %swap3A_322 = tpu.vector_load %arg22[%swap3A_320, %swap3A_321] {strides = array<i32>} : memref<64x144xf32, #tpu.memory_space<vmem>>, vector<1x16xf32>,
        %swap3A_323 = vector.shape_cast %swap3A_322 : vector<1x16xf32> to vector<16xf32>
        %swap3A_324 = vector.shape_cast %mul3A_319 : vector<16xf32> to vector<1x16xf32>
        tpu.vector_store %arg22[%swap3A_320, %swap3A_321], %swap3A_324 {strides = array<i32>} : memref<64x144xf32, #tpu.memory_space<vmem>>, vector<1x16xf32>,
        %get3A_325 = arith.index_cast %add3A_207 : i32 to index
        %get3A_326 = arith.constant 112 : index
        %get3A_327 = tpu.vector_load %arg21[%get3A_325, %get3A_326] {strides = array<i32>} : memref<64x128xf32, #tpu.memory_space<vmem>>, vector<1x16xf32>,
        %get3A_328 = vector.shape_cast %get3A_327 : vector<1x16xf32> to vector<16xf32>
        %mul3A_329 = arith.mulf %get3A_328, %broadcast_in_dim3A_249 : vector<16xf32>
        %swap3A_330 = arith.index_cast %add3A_207 : i32 to index
        %swap3A_331 = arith.constant 112 : index
        %swap3A_332 = tpu.vector_load %arg22[%swap3A_330, %swap3A_331] {strides = array<i32>} : memref<64x144xf32, #tpu.memory_space<vmem>>, vector<1x16xf32>,
        %swap3A_333 = vector.shape_cast %swap3A_332 : vector<1x16xf32> to vector<16xf32>
        %swap3A_334 = vector.shape_cast %mul3A_329 : vector<16xf32> to vector<1x16xf32>
        tpu.vector_store %arg22[%swap3A_330, %swap3A_331], %swap3A_334 {strides = array<i32>} : memref<64x144xf32, #tpu.memory_space<vmem>>, vector<1x16xf32>,
      }
      %scan3A_81 = arith.constant 32 : i32
      "tpu.region"() ({
        %run_scoped3A = tpu.sem_alloc : memref<!tpu.dma_semaphore, #tpu.memory_space<semaphore_mem>>
        %dma_start3A_82 = arith.constant 0 : i32
        %dma_start3A_83 = arith.constant 0 : i32
        %dma_start3A_84 = tpu.memref_slice %arg23[%dma_start3A_82, %dma_start3A_83] : memref<10112x144xf32, #tpu.memory_space<vmem_shared>> -> memref<10112x144xf32, #tpu.memory_space<vmem_shared>>
        tpu.enqueue_indirect_dma source(%arg22 : memref<64x144xf32, #tpu.memory_space<vmem>>) target(%dma_start3A_84 : memref<10112x144xf32, #tpu.memory_space<vmem_shared>>) offsets(%arg13 : memref<64xi32, #tpu.memory_space<vmem>>) semaphore(%run_scoped3A : memref<!tpu.dma_semaphore, #tpu.memory_space<semaphore_mem>>) {add = true}
        %dma_wait3A_85 = arith.constant 0 : i32
        %dma_wait3A_86 = arith.constant 0 : i32
        %dma_wait3A_87 = tpu.memref_slice %arg23[%dma_wait3A_85, %dma_wait3A_86] : memref<10112x144xf32, #tpu.memory_space<vmem_shared>> -> memref<10112x144xf32, #tpu.memory_space<vmem_shared>>
        tpu.wait_indirect_dma semaphore(%run_scoped3A : memref<!tpu.dma_semaphore, #tpu.memory_space<semaphore_mem>>) src(%arg22 : memref<64x144xf32, #tpu.memory_space<vmem>>) dst(%dma_wait3A_87 : memref<10112x144xf32, #tpu.memory_space<vmem_shared>>)
        tpu.yield
      }) : () -> ()
    }
    %scan3A_20 = arith.constant 79 : i32
    %barrier3A_21 = arith.constant 0 : index
    tpu.barrier barrier_id(%barrier3A_21)
    %mul3A_22 = arith.constant 632 : i32
    %mul3A_23 = arith.muli %arg1, %mul3A_22 : i32
    %mul3A_24 = arith.constant 632 : i32
    %mul3A_25 = arith.muli %arg1, %mul3A_24 : i32
    "tpu.region"() ({
      %run_scoped3A = tpu.sem_alloc : memref<!tpu.dma_semaphore, #tpu.memory_space<semaphore_mem>>
      %dma_start3A_26 = arith.constant 0 : i32
      %dma_start3A_27 = arith.constant 0 : i32
      %dma_start3A_28 = tpu.memref_slice %arg9[%arg0, %dma_start3A_26, %dma_start3A_27] : memref<2x10112x144xf32, #tpu.memory_space<hbm>> -> memref<1x10112x144xf32, #tpu.memory_space<hbm>>
      %dma_start3A_29 = tpu.memref_squeeze %dma_start3A_28 : memref<1x10112x144xf32, #tpu.memory_space<hbm>> -> memref<10112x144xf32, #tpu.memory_space<hbm>>
      %dma_start3A_30 = arith.constant 0 : i32
      %dma_start3A_31 = tpu.memref_slice %dma_start3A_29[%mul3A_25, %dma_start3A_30] : memref<10112x144xf32, #tpu.memory_space<hbm>> -> memref<632x144xf32, #tpu.memory_space<hbm>>
      %dma_start3A_32 = arith.constant 0 : i32
      %dma_start3A_33 = tpu.memref_slice %arg23[%mul3A_23, %dma_start3A_32] : memref<10112x144xf32, #tpu.memory_space<vmem_shared>> -> memref<632x144xf32, #tpu.memory_space<vmem_shared>>
      tpu.enqueue_dma source(%dma_start3A_33 : memref<632x144xf32, #tpu.memory_space<vmem_shared>>) target(%dma_start3A_31 : memref<632x144xf32, #tpu.memory_space<hbm>>) target_semaphore(%run_scoped3A : memref<!tpu.dma_semaphore, #tpu.memory_space<semaphore_mem>>)
      %dma_wait3A = arith.constant 0 : i32
      %dma_wait3A_34 = arith.constant 0 : i32
      %dma_wait3A_35 = tpu.memref_slice %arg9[%arg0, %dma_wait3A, %dma_wait3A_34] : memref<2x10112x144xf32, #tpu.memory_space<hbm>> -> memref<1x10112x144xf32, #tpu.memory_space<hbm>>
      %dma_wait3A_36 = tpu.memref_squeeze %dma_wait3A_35 : memref<1x10112x144xf32, #tpu.memory_space<hbm>> -> memref<10112x144xf32, #tpu.memory_space<hbm>>
      %dma_wait3A_37 = arith.constant 0 : i32
      %dma_wait3A_38 = tpu.memref_slice %dma_wait3A_36[%mul3A_25, %dma_wait3A_37] : memref<10112x144xf32, #tpu.memory_space<hbm>> -> memref<632x144xf32, #tpu.memory_space<hbm>>
      %dma_wait3A_39 = arith.constant 0 : i32
      %dma_wait3A_40 = tpu.memref_slice %arg23[%mul3A_23, %dma_wait3A_39] : memref<10112x144xf32, #tpu.memory_space<vmem_shared>> -> memref<632x144xf32, #tpu.memory_space<vmem_shared>>
      tpu.wait_dma2 semaphore(%run_scoped3A : memref<!tpu.dma_semaphore, #tpu.memory_space<semaphore_mem>>) src(%dma_wait3A_40 : memref<632x144xf32, #tpu.memory_space<vmem_shared>>) dst(%dma_wait3A_38 : memref<632x144xf32, #tpu.memory_space<hbm>>)
      tpu.yield
    }) : () -> ()
    return
  }
}

#map = affine_map<(d0, d1) -> (0)>
#map1 = affine_map<(d0, d1) -> (0, 0)>
#map2 = affine_map<(d0, d1) -> (0, 0, 0)>
module attributes {stable_mosaic.version = 14 : i64} {
  func.func @sc_pass(%arg0: i32, %arg1: i32, %arg2: memref<323584xi32, #tpu.memory_space<hbm>>, %arg3: memref<323584xi32, #tpu.memory_space<hbm>>, %arg4: memref<323584x16xf32, #tpu.memory_space<hbm>>, %arg5: memref<10112x16xf32, #tpu.memory_space<hbm>>, %arg6: memref<10112x16xf32, #tpu.memory_space<hbm>>, %arg7: memref<10112x128xf32, #tpu.memory_space<hbm>>, %arg8: memref<10112x144xf32, #tpu.memory_space<hbm>>, %arg9: memref<2x10112x144xf32, #tpu.memory_space<hbm>>, %arg10: memref<64xi32, #tpu.memory_space<vmem>>, %arg11: memref<64xi32, #tpu.memory_space<vmem>>, %arg12: memref<64xi32, #tpu.memory_space<vmem>>, %arg13: memref<64xi32, #tpu.memory_space<vmem>>, %arg14: memref<64x16xf32, #tpu.memory_space<vmem>>, %arg15: memref<64x16xf32, #tpu.memory_space<vmem>>, %arg16: memref<64x16xf32, #tpu.memory_space<vmem>>, %arg17: memref<64x16xf32, #tpu.memory_space<vmem>>, %arg18: memref<64x16xf32, #tpu.memory_space<vmem>>, %arg19: memref<64x16xf32, #tpu.memory_space<vmem>>, %arg20: memref<64x128xf32, #tpu.memory_space<vmem>>, %arg21: memref<64x128xf32, #tpu.memory_space<vmem>>, %arg22: memref<64x144xf32, #tpu.memory_space<vmem>>, %arg23: memref<10112x144xf32, #tpu.memory_space<vmem_shared>>, %arg24: memref<!tpu.dma_semaphore, #tpu.memory_space<semaphore_mem>>, %arg25: memref<!tpu.dma_semaphore, #tpu.memory_space<semaphore_mem>>, %arg26: memref<!tpu.dma_semaphore, #tpu.memory_space<semaphore_mem>>, %arg27: memref<!tpu.dma_semaphore, #tpu.memory_space<semaphore_mem>>, %arg28: memref<!tpu.dma_semaphore, #tpu.memory_space<semaphore_mem>>, %arg29: memref<!tpu.dma_semaphore, #tpu.memory_space<semaphore_mem>>) attributes {dimension_semantics = [#tpu.dimension_semantics<core_parallel>, #tpu.dimension_semantics<subcore_parallel>], iteration_bounds = array<i64: 2, 16>, scalar_prefetch = 0 : i64, scratch_operands = 20 : i64, tpu.core_type = #tpu.core_type<sc_vector_subcore>, window_params = [{transform_indices = #map}, {transform_indices = #map}, {transform_indices = #map1}, {transform_indices = #map1}, {transform_indices = #map1}, {transform_indices = #map1}, {transform_indices = #map1}, {transform_indices = #map2}]} {
    %mul3A = arith.constant 2 : i32
    %mul3A_0 = arith.muli %arg1, %mul3A : i32
    %add3A = arith.addi %mul3A_0, %arg0 : i32
    %mul3A_1 = arith.constant 632 : i32
    %mul3A_2 = arith.muli %arg1, %mul3A_1 : i32
    %mul3A_3 = arith.constant 632 : i32
    %mul3A_4 = arith.muli %arg1, %mul3A_3 : i32
    "tpu.region"() ({
      %run_scoped3A = tpu.sem_alloc : memref<!tpu.dma_semaphore, #tpu.memory_space<semaphore_mem>>
      %dma_start3A_26 = arith.constant 0 : i32
      %dma_start3A_27 = tpu.memref_slice %arg23[%mul3A_4, %dma_start3A_26] : memref<10112x144xf32, #tpu.memory_space<vmem_shared>> -> memref<632x144xf32, #tpu.memory_space<vmem_shared>>
      %dma_start3A_28 = arith.constant 0 : i32
      %dma_start3A_29 = tpu.memref_slice %arg8[%mul3A_2, %dma_start3A_28] : memref<10112x144xf32, #tpu.memory_space<hbm>> -> memref<632x144xf32, #tpu.memory_space<hbm>>
      tpu.enqueue_dma source(%dma_start3A_29 : memref<632x144xf32, #tpu.memory_space<hbm>>) target(%dma_start3A_27 : memref<632x144xf32, #tpu.memory_space<vmem_shared>>) target_semaphore(%run_scoped3A : memref<!tpu.dma_semaphore, #tpu.memory_space<semaphore_mem>>)
      %dma_wait3A = arith.constant 0 : i32
      %dma_wait3A_30 = tpu.memref_slice %arg23[%mul3A_4, %dma_wait3A] : memref<10112x144xf32, #tpu.memory_space<vmem_shared>> -> memref<632x144xf32, #tpu.memory_space<vmem_shared>>
      %dma_wait3A_31 = arith.constant 0 : i32
      %dma_wait3A_32 = tpu.memref_slice %arg8[%mul3A_2, %dma_wait3A_31] : memref<10112x144xf32, #tpu.memory_space<hbm>> -> memref<632x144xf32, #tpu.memory_space<hbm>>
      tpu.wait_dma2 semaphore(%run_scoped3A : memref<!tpu.dma_semaphore, #tpu.memory_space<semaphore_mem>>) src(%dma_wait3A_32 : memref<632x144xf32, #tpu.memory_space<hbm>>) dst(%dma_wait3A_30 : memref<632x144xf32, #tpu.memory_space<vmem_shared>>)
      tpu.yield
    }) : () -> ()
    %barrier3A = arith.constant 0 : index
    tpu.barrier barrier_id(%barrier3A)
    %iota3A = tpu.iota {dimensions = array<i32: 0>} : vector<16xi32>
    %add3A_5 = arith.constant 0 : i32
    %add3A_6 = arith.addi %add3A_5, %add3A : i32
    %mul3A_7 = arith.constant 64 : i32
    %mul3A_8 = arith.muli %add3A_6, %mul3A_7 : i32
    "tpu.region"() ({
      %run_scoped3A = tpu.sem_alloc : memref<!tpu.dma_semaphore, #tpu.memory_space<semaphore_mem>>
      %dma_start3A_26 = tpu.memref_slice %arg2[%mul3A_8] : memref<323584xi32, #tpu.memory_space<hbm>> -> memref<64xi32, #tpu.memory_space<hbm>>
      %dma_start3A_27 = tpu.memref_slice %arg2[%mul3A_8] : memref<323584xi32, #tpu.memory_space<hbm>> -> memref<64xi32, #tpu.memory_space<hbm>>
      tpu.enqueue_dma source(%dma_start3A_27 : memref<64xi32, #tpu.memory_space<hbm>>) target(%arg10 : memref<64xi32, #tpu.memory_space<vmem>>) target_semaphore(%run_scoped3A : memref<!tpu.dma_semaphore, #tpu.memory_space<semaphore_mem>>)
      %dma_wait3A = tpu.memref_slice %arg2[%mul3A_8] : memref<323584xi32, #tpu.memory_space<hbm>> -> memref<64xi32, #tpu.memory_space<hbm>>
      %dma_wait3A_28 = tpu.memref_slice %arg2[%mul3A_8] : memref<323584xi32, #tpu.memory_space<hbm>> -> memref<64xi32, #tpu.memory_space<hbm>>
      tpu.wait_dma2 semaphore(%run_scoped3A : memref<!tpu.dma_semaphore, #tpu.memory_space<semaphore_mem>>) src(%dma_wait3A_28 : memref<64xi32, #tpu.memory_space<hbm>>) dst(%arg10 : memref<64xi32, #tpu.memory_space<vmem>>)
      tpu.yield
    }) : () -> ()
    "tpu.region"() ({
      %run_scoped3A = tpu.sem_alloc : memref<!tpu.dma_semaphore, #tpu.memory_space<semaphore_mem>>
      %dma_start3A_26 = tpu.memref_slice %arg3[%mul3A_8] : memref<323584xi32, #tpu.memory_space<hbm>> -> memref<64xi32, #tpu.memory_space<hbm>>
      %dma_start3A_27 = tpu.memref_slice %arg3[%mul3A_8] : memref<323584xi32, #tpu.memory_space<hbm>> -> memref<64xi32, #tpu.memory_space<hbm>>
      tpu.enqueue_dma source(%dma_start3A_27 : memref<64xi32, #tpu.memory_space<hbm>>) target(%arg12 : memref<64xi32, #tpu.memory_space<vmem>>) target_semaphore(%run_scoped3A : memref<!tpu.dma_semaphore, #tpu.memory_space<semaphore_mem>>)
      %dma_wait3A = tpu.memref_slice %arg3[%mul3A_8] : memref<323584xi32, #tpu.memory_space<hbm>> -> memref<64xi32, #tpu.memory_space<hbm>>
      %dma_wait3A_28 = tpu.memref_slice %arg3[%mul3A_8] : memref<323584xi32, #tpu.memory_space<hbm>> -> memref<64xi32, #tpu.memory_space<hbm>>
      tpu.wait_dma2 semaphore(%run_scoped3A : memref<!tpu.dma_semaphore, #tpu.memory_space<semaphore_mem>>) src(%dma_wait3A_28 : memref<64xi32, #tpu.memory_space<hbm>>) dst(%arg12 : memref<64xi32, #tpu.memory_space<vmem>>)
      tpu.yield
    }) : () -> ()
    "tpu.region"() ({
      %run_scoped3A = tpu.sem_alloc : memref<!tpu.dma_semaphore, #tpu.memory_space<semaphore_mem>>
      %dma_start3A_26 = arith.constant 0 : i32
      %dma_start3A_27 = tpu.memref_slice %arg4[%mul3A_8, %dma_start3A_26] : memref<323584x16xf32, #tpu.memory_space<hbm>> -> memref<64x16xf32, #tpu.memory_space<hbm>>
      %dma_start3A_28 = arith.constant 0 : i32
      %dma_start3A_29 = tpu.memref_slice %arg4[%mul3A_8, %dma_start3A_28] : memref<323584x16xf32, #tpu.memory_space<hbm>> -> memref<64x16xf32, #tpu.memory_space<hbm>>
      tpu.enqueue_dma source(%dma_start3A_29 : memref<64x16xf32, #tpu.memory_space<hbm>>) target(%arg18 : memref<64x16xf32, #tpu.memory_space<vmem>>) target_semaphore(%run_scoped3A : memref<!tpu.dma_semaphore, #tpu.memory_space<semaphore_mem>>)
      %dma_wait3A = arith.constant 0 : i32
      %dma_wait3A_30 = tpu.memref_slice %arg4[%mul3A_8, %dma_wait3A] : memref<323584x16xf32, #tpu.memory_space<hbm>> -> memref<64x16xf32, #tpu.memory_space<hbm>>
      %dma_wait3A_31 = arith.constant 0 : i32
      %dma_wait3A_32 = tpu.memref_slice %arg4[%mul3A_8, %dma_wait3A_31] : memref<323584x16xf32, #tpu.memory_space<hbm>> -> memref<64x16xf32, #tpu.memory_space<hbm>>
      tpu.wait_dma2 semaphore(%run_scoped3A : memref<!tpu.dma_semaphore, #tpu.memory_space<semaphore_mem>>) src(%dma_wait3A_32 : memref<64x16xf32, #tpu.memory_space<hbm>>) dst(%arg18 : memref<64x16xf32, #tpu.memory_space<vmem>>)
      tpu.yield
    }) : () -> ()
    %dma_start3A = arith.constant 0 : i32
    %dma_start3A_9 = arith.constant 0 : i32
    %dma_start3A_10 = tpu.memref_slice %arg5[%dma_start3A, %dma_start3A_9] : memref<10112x16xf32, #tpu.memory_space<hbm>> -> memref<10112x16xf32, #tpu.memory_space<hbm>>
    tpu.enqueue_indirect_dma source(%dma_start3A_10 : memref<10112x16xf32, #tpu.memory_space<hbm>>) target(%arg14 : memref<64x16xf32, #tpu.memory_space<vmem>>) offsets(%arg10 : memref<64xi32, #tpu.memory_space<vmem>>) semaphore(%arg24 : memref<!tpu.dma_semaphore, #tpu.memory_space<semaphore_mem>>)
    %dma_start3A_11 = arith.constant 0 : i32
    %dma_start3A_12 = arith.constant 0 : i32
    %dma_start3A_13 = tpu.memref_slice %arg6[%dma_start3A_11, %dma_start3A_12] : memref<10112x16xf32, #tpu.memory_space<hbm>> -> memref<10112x16xf32, #tpu.memory_space<hbm>>
    tpu.enqueue_indirect_dma source(%dma_start3A_13 : memref<10112x16xf32, #tpu.memory_space<hbm>>) target(%arg16 : memref<64x16xf32, #tpu.memory_space<vmem>>) offsets(%arg12 : memref<64xi32, #tpu.memory_space<vmem>>) semaphore(%arg26 : memref<!tpu.dma_semaphore, #tpu.memory_space<semaphore_mem>>)
    %dma_start3A_14 = arith.constant 0 : i32
    %dma_start3A_15 = arith.constant 0 : i32
    %dma_start3A_16 = tpu.memref_slice %arg7[%dma_start3A_14, %dma_start3A_15] : memref<10112x128xf32, #tpu.memory_space<hbm>> -> memref<10112x128xf32, #tpu.memory_space<hbm>>
    tpu.enqueue_indirect_dma source(%dma_start3A_16 : memref<10112x128xf32, #tpu.memory_space<hbm>>) target(%arg20 : memref<64x128xf32, #tpu.memory_space<vmem>>) offsets(%arg10 : memref<64xi32, #tpu.memory_space<vmem>>) semaphore(%arg28 : memref<!tpu.dma_semaphore, #tpu.memory_space<semaphore_mem>>)
    %scan3A = arith.constant 0 : i32
    %scan3A_17 = arith.constant 79 : i32
    %scan3A_18 = arith.addi %scan3A, %scan3A_17 : i32
    %scan3A_19 = arith.constant 1 : i32
    scf.for %scan3A_26 = %scan3A to %scan3A_18 step %scan3A_19  : i32 {
      %mul3A_27 = arith.constant 1 : i32
      %mul3A_28 = arith.muli %scan3A_26, %mul3A_27 : i32
      %add3A_29 = arith.constant 0 : i32
      %add3A_30 = arith.addi %add3A_29, %mul3A_28 : i32
      %mul3A_31 = arith.constant 2 : i32
      %mul3A_32 = arith.muli %mul3A_31, %add3A_30 : i32
      %add3A_33 = arith.constant 1 : i32
      %add3A_34 = arith.addi %mul3A_32, %add3A_33 : i32
      %mul3A_35 = arith.constant 32 : i32
      %mul3A_36 = arith.muli %add3A_34, %mul3A_35 : i32
      %add3A_37 = arith.addi %mul3A_36, %add3A : i32
      %mul3A_38 = arith.constant 64 : i32
      %mul3A_39 = arith.muli %add3A_37, %mul3A_38 : i32
      "tpu.region"() ({
        %run_scoped3A = tpu.sem_alloc : memref<!tpu.dma_semaphore, #tpu.memory_space<semaphore_mem>>
        %dma_start3A_82 = tpu.memref_slice %arg2[%mul3A_39] : memref<323584xi32, #tpu.memory_space<hbm>> -> memref<64xi32, #tpu.memory_space<hbm>>
        %dma_start3A_83 = tpu.memref_slice %arg2[%mul3A_39] : memref<323584xi32, #tpu.memory_space<hbm>> -> memref<64xi32, #tpu.memory_space<hbm>>
        tpu.enqueue_dma source(%dma_start3A_83 : memref<64xi32, #tpu.memory_space<hbm>>) target(%arg11 : memref<64xi32, #tpu.memory_space<vmem>>) target_semaphore(%run_scoped3A : memref<!tpu.dma_semaphore, #tpu.memory_space<semaphore_mem>>)
        %dma_wait3A_84 = tpu.memref_slice %arg2[%mul3A_39] : memref<323584xi32, #tpu.memory_space<hbm>> -> memref<64xi32, #tpu.memory_space<hbm>>
        %dma_wait3A_85 = tpu.memref_slice %arg2[%mul3A_39] : memref<323584xi32, #tpu.memory_space<hbm>> -> memref<64xi32, #tpu.memory_space<hbm>>
        tpu.wait_dma2 semaphore(%run_scoped3A : memref<!tpu.dma_semaphore, #tpu.memory_space<semaphore_mem>>) src(%dma_wait3A_85 : memref<64xi32, #tpu.memory_space<hbm>>) dst(%arg11 : memref<64xi32, #tpu.memory_space<vmem>>)
        tpu.yield
      }) : () -> ()
      "tpu.region"() ({
        %run_scoped3A = tpu.sem_alloc : memref<!tpu.dma_semaphore, #tpu.memory_space<semaphore_mem>>
        %dma_start3A_82 = tpu.memref_slice %arg3[%mul3A_39] : memref<323584xi32, #tpu.memory_space<hbm>> -> memref<64xi32, #tpu.memory_space<hbm>>
        %dma_start3A_83 = tpu.memref_slice %arg3[%mul3A_39] : memref<323584xi32, #tpu.memory_space<hbm>> -> memref<64xi32, #tpu.memory_space<hbm>>
        tpu.enqueue_dma source(%dma_start3A_83 : memref<64xi32, #tpu.memory_space<hbm>>) target(%arg13 : memref<64xi32, #tpu.memory_space<vmem>>) target_semaphore(%run_scoped3A : memref<!tpu.dma_semaphore, #tpu.memory_space<semaphore_mem>>)
        %dma_wait3A_84 = tpu.memref_slice %arg3[%mul3A_39] : memref<323584xi32, #tpu.memory_space<hbm>> -> memref<64xi32, #tpu.memory_space<hbm>>
        %dma_wait3A_85 = tpu.memref_slice %arg3[%mul3A_39] : memref<323584xi32, #tpu.memory_space<hbm>> -> memref<64xi32, #tpu.memory_space<hbm>>
        tpu.wait_dma2 semaphore(%run_scoped3A : memref<!tpu.dma_semaphore, #tpu.memory_space<semaphore_mem>>) src(%dma_wait3A_85 : memref<64xi32, #tpu.memory_space<hbm>>) dst(%arg13 : memref<64xi32, #tpu.memory_space<vmem>>)
        tpu.yield
      }) : () -> ()
      "tpu.region"() ({
        %run_scoped3A = tpu.sem_alloc : memref<!tpu.dma_semaphore, #tpu.memory_space<semaphore_mem>>
        %dma_start3A_82 = arith.constant 0 : i32
        %dma_start3A_83 = tpu.memref_slice %arg4[%mul3A_39, %dma_start3A_82] : memref<323584x16xf32, #tpu.memory_space<hbm>> -> memref<64x16xf32, #tpu.memory_space<hbm>>
        %dma_start3A_84 = arith.constant 0 : i32
        %dma_start3A_85 = tpu.memref_slice %arg4[%mul3A_39, %dma_start3A_84] : memref<323584x16xf32, #tpu.memory_space<hbm>> -> memref<64x16xf32, #tpu.memory_space<hbm>>
        tpu.enqueue_dma source(%dma_start3A_85 : memref<64x16xf32, #tpu.memory_space<hbm>>) target(%arg19 : memref<64x16xf32, #tpu.memory_space<vmem>>) target_semaphore(%run_scoped3A : memref<!tpu.dma_semaphore, #tpu.memory_space<semaphore_mem>>)
        %dma_wait3A_86 = arith.constant 0 : i32
        %dma_wait3A_87 = tpu.memref_slice %arg4[%mul3A_39, %dma_wait3A_86] : memref<323584x16xf32, #tpu.memory_space<hbm>> -> memref<64x16xf32, #tpu.memory_space<hbm>>
        %dma_wait3A_88 = arith.constant 0 : i32
        %dma_wait3A_89 = tpu.memref_slice %arg4[%mul3A_39, %dma_wait3A_88] : memref<323584x16xf32, #tpu.memory_space<hbm>> -> memref<64x16xf32, #tpu.memory_space<hbm>>
        tpu.wait_dma2 semaphore(%run_scoped3A : memref<!tpu.dma_semaphore, #tpu.memory_space<semaphore_mem>>) src(%dma_wait3A_89 : memref<64x16xf32, #tpu.memory_space<hbm>>) dst(%arg19 : memref<64x16xf32, #tpu.memory_space<vmem>>)
        tpu.yield
      }) : () -> ()
      %dma_start3A_40 = arith.constant 0 : i32
      %dma_start3A_41 = arith.constant 0 : i32
      %dma_start3A_42 = tpu.memref_slice %arg5[%dma_start3A_40, %dma_start3A_41] : memref<10112x16xf32, #tpu.memory_space<hbm>> -> memref<10112x16xf32, #tpu.memory_space<hbm>>
      tpu.enqueue_indirect_dma source(%dma_start3A_42 : memref<10112x16xf32, #tpu.memory_space<hbm>>) target(%arg15 : memref<64x16xf32, #tpu.memory_space<vmem>>) offsets(%arg11 : memref<64xi32, #tpu.memory_space<vmem>>) semaphore(%arg25 : memref<!tpu.dma_semaphore, #tpu.memory_space<semaphore_mem>>)
      %dma_start3A_43 = arith.constant 0 : i32
      %dma_start3A_44 = arith.constant 0 : i32
      %dma_start3A_45 = tpu.memref_slice %arg6[%dma_start3A_43, %dma_start3A_44] : memref<10112x16xf32, #tpu.memory_space<hbm>> -> memref<10112x16xf32, #tpu.memory_space<hbm>>
      tpu.enqueue_indirect_dma source(%dma_start3A_45 : memref<10112x16xf32, #tpu.memory_space<hbm>>) target(%arg17 : memref<64x16xf32, #tpu.memory_space<vmem>>) offsets(%arg13 : memref<64xi32, #tpu.memory_space<vmem>>) semaphore(%arg27 : memref<!tpu.dma_semaphore, #tpu.memory_space<semaphore_mem>>)
      %dma_start3A_46 = arith.constant 0 : i32
      %dma_start3A_47 = arith.constant 0 : i32
      %dma_start3A_48 = tpu.memref_slice %arg7[%dma_start3A_46, %dma_start3A_47] : memref<10112x128xf32, #tpu.memory_space<hbm>> -> memref<10112x128xf32, #tpu.memory_space<hbm>>
      tpu.enqueue_indirect_dma source(%dma_start3A_48 : memref<10112x128xf32, #tpu.memory_space<hbm>>) target(%arg21 : memref<64x128xf32, #tpu.memory_space<vmem>>) offsets(%arg11 : memref<64xi32, #tpu.memory_space<vmem>>) semaphore(%arg29 : memref<!tpu.dma_semaphore, #tpu.memory_space<semaphore_mem>>)
      %dma_wait3A = arith.constant 0 : i32
      %dma_wait3A_49 = arith.constant 0 : i32
      %dma_wait3A_50 = tpu.memref_slice %arg5[%dma_wait3A, %dma_wait3A_49] : memref<10112x16xf32, #tpu.memory_space<hbm>> -> memref<10112x16xf32, #tpu.memory_space<hbm>>
      tpu.wait_indirect_dma semaphore(%arg24 : memref<!tpu.dma_semaphore, #tpu.memory_space<semaphore_mem>>) src(%dma_wait3A_50 : memref<10112x16xf32, #tpu.memory_space<hbm>>) dst(%arg14 : memref<64x16xf32, #tpu.memory_space<vmem>>)
      %dma_wait3A_51 = arith.constant 0 : i32
      %dma_wait3A_52 = arith.constant 0 : i32
      %dma_wait3A_53 = tpu.memref_slice %arg6[%dma_wait3A_51, %dma_wait3A_52] : memref<10112x16xf32, #tpu.memory_space<hbm>> -> memref<10112x16xf32, #tpu.memory_space<hbm>>
      tpu.wait_indirect_dma semaphore(%arg26 : memref<!tpu.dma_semaphore, #tpu.memory_space<semaphore_mem>>) src(%dma_wait3A_53 : memref<10112x16xf32, #tpu.memory_space<hbm>>) dst(%arg16 : memref<64x16xf32, #tpu.memory_space<vmem>>)
      %dma_wait3A_54 = arith.constant 0 : i32
      %dma_wait3A_55 = arith.constant 0 : i32
      %dma_wait3A_56 = tpu.memref_slice %arg7[%dma_wait3A_54, %dma_wait3A_55] : memref<10112x128xf32, #tpu.memory_space<hbm>> -> memref<10112x128xf32, #tpu.memory_space<hbm>>
      tpu.wait_indirect_dma semaphore(%arg28 : memref<!tpu.dma_semaphore, #tpu.memory_space<semaphore_mem>>) src(%dma_wait3A_56 : memref<10112x128xf32, #tpu.memory_space<hbm>>) dst(%arg20 : memref<64x128xf32, #tpu.memory_space<vmem>>)
      %scan3A_57 = arith.constant 0 : i32
      %scan3A_58 = arith.constant 32 : i32
      %scan3A_59 = arith.addi %scan3A_57, %scan3A_58 : i32
      %scan3A_60 = arith.constant 1 : i32
      scf.for %scan3A_82 = %scan3A_57 to %scan3A_59 step %scan3A_60  : i32 {
        %mul3A_83 = arith.constant 2 : i32
        %mul3A_84 = arith.muli %scan3A_82, %mul3A_83 : i32
        %add3A_85 = arith.constant 0 : i32
        %add3A_86 = arith.addi %add3A_85, %mul3A_84 : i32
        %get3A = arith.index_cast %add3A_86 : i32 to index
        %get3A_87 = arith.constant 0 : index
        %get3A_88 = tpu.vector_load %arg14[%get3A, %get3A_87] {strides = array<i32>} : memref<64x16xf32, #tpu.memory_space<vmem>>, vector<1x16xf32>,
        %get3A_89 = vector.shape_cast %get3A_88 : vector<1x16xf32> to vector<16xf32>
        %get3A_90 = arith.index_cast %add3A_86 : i32 to index
        %get3A_91 = arith.constant 0 : index
        %get3A_92 = tpu.vector_load %arg16[%get3A_90, %get3A_91] {strides = array<i32>} : memref<64x16xf32, #tpu.memory_space<vmem>>, vector<1x16xf32>,
        %get3A_93 = vector.shape_cast %get3A_92 : vector<1x16xf32> to vector<16xf32>
        %add3A_94 = arith.addf %get3A_89, %get3A_93 : vector<16xf32>
        %get3A_95 = arith.index_cast %add3A_86 : i32 to index
        %get3A_96 = arith.constant 0 : index
        %get3A_97 = tpu.vector_load %arg18[%get3A_95, %get3A_96] {strides = array<i32>} : memref<64x16xf32, #tpu.memory_space<vmem>>, vector<1x16xf32>,
        %get3A_98 = vector.shape_cast %get3A_97 : vector<1x16xf32> to vector<16xf32>
        %add3A_99 = arith.addf %add3A_94, %get3A_98 : vector<16xf32>
        %ge3A = arith.constant 0.000000e+00 : f32
        %ge3A_100 = vector.broadcast %ge3A : f32 to vector<16xf32>
        %ge3A_101 = arith.cmpf oge, %add3A_99, %ge3A_100 : vector<16xf32>
        %mul3A_102 = arith.constant 2.000000e-01 : f32
        %mul3A_103 = vector.broadcast %mul3A_102 : f32 to vector<16xf32>
        %mul3A_104 = arith.mulf %mul3A_103, %add3A_99 : vector<16xf32>
        %select_n3A = arith.select %ge3A_101, %add3A_99, %mul3A_104 : vector<16xi1>, vector<16xf32>
        %exp3A = math.exp %select_n3A : vector<16xf32>
        %eq3A = arith.constant 8 : i32
        %eq3A_105 = vector.broadcast %eq3A : i32 to vector<16xi32>
        %eq3A_106 = arith.cmpi eq, %iota3A, %eq3A_105 : vector<16xi32>
        %broadcast_in_dim3A = arith.constant 0.000000e+00 : f32
        %broadcast_in_dim3A_107 = vector.broadcast %broadcast_in_dim3A : f32 to vector<16xf32>
        %select_n3A_108 = arith.select %eq3A_106, %exp3A, %broadcast_in_dim3A_107 : vector<16xi1>, vector<16xf32>
        %slice3A = vector.extract_strided_slice %exp3A {offsets = [8], sizes = [1], strides = [1]} : vector<16xf32> to vector<1xf32>
        %squeeze3A = vector.extract %slice3A[0] : f32 from vector<1xf32>
        %broadcast_in_dim3A_109 = vector.broadcast %squeeze3A : f32 to vector<16xf32>
        %swap3A = arith.index_cast %add3A_86 : i32 to index
        %swap3A_110 = arith.constant 128 : index
        %swap3A_111 = tpu.vector_load %arg22[%swap3A, %swap3A_110] {strides = array<i32>} : memref<64x144xf32, #tpu.memory_space<vmem>>, vector<1x16xf32>,
        %swap3A_112 = vector.shape_cast %swap3A_111 : vector<1x16xf32> to vector<16xf32>
        %swap3A_113 = vector.shape_cast %select_n3A_108 : vector<16xf32> to vector<1x16xf32>
        tpu.vector_store %arg22[%swap3A, %swap3A_110], %swap3A_113 {strides = array<i32>} : memref<64x144xf32, #tpu.memory_space<vmem>>, vector<1x16xf32>,
        %get3A_114 = arith.index_cast %add3A_86 : i32 to index
        %get3A_115 = arith.constant 0 : index
        %get3A_116 = tpu.vector_load %arg20[%get3A_114, %get3A_115] {strides = array<i32>} : memref<64x128xf32, #tpu.memory_space<vmem>>, vector<1x16xf32>,
        %get3A_117 = vector.shape_cast %get3A_116 : vector<1x16xf32> to vector<16xf32>
        %mul3A_118 = arith.mulf %get3A_117, %broadcast_in_dim3A_109 : vector<16xf32>
        %swap3A_119 = arith.index_cast %add3A_86 : i32 to index
        %swap3A_120 = arith.constant 0 : index
        %swap3A_121 = tpu.vector_load %arg22[%swap3A_119, %swap3A_120] {strides = array<i32>} : memref<64x144xf32, #tpu.memory_space<vmem>>, vector<1x16xf32>,
        %swap3A_122 = vector.shape_cast %swap3A_121 : vector<1x16xf32> to vector<16xf32>
        %swap3A_123 = vector.shape_cast %mul3A_118 : vector<16xf32> to vector<1x16xf32>
        tpu.vector_store %arg22[%swap3A_119, %swap3A_120], %swap3A_123 {strides = array<i32>} : memref<64x144xf32, #tpu.memory_space<vmem>>, vector<1x16xf32>,
        %get3A_124 = arith.index_cast %add3A_86 : i32 to index
        %get3A_125 = arith.constant 16 : index
        %get3A_126 = tpu.vector_load %arg20[%get3A_124, %get3A_125] {strides = array<i32>} : memref<64x128xf32, #tpu.memory_space<vmem>>, vector<1x16xf32>,
        %get3A_127 = vector.shape_cast %get3A_126 : vector<1x16xf32> to vector<16xf32>
        %mul3A_128 = arith.mulf %get3A_127, %broadcast_in_dim3A_109 : vector<16xf32>
        %swap3A_129 = arith.index_cast %add3A_86 : i32 to index
        %swap3A_130 = arith.constant 16 : index
        %swap3A_131 = tpu.vector_load %arg22[%swap3A_129, %swap3A_130] {strides = array<i32>} : memref<64x144xf32, #tpu.memory_space<vmem>>, vector<1x16xf32>,
        %swap3A_132 = vector.shape_cast %swap3A_131 : vector<1x16xf32> to vector<16xf32>
        %swap3A_133 = vector.shape_cast %mul3A_128 : vector<16xf32> to vector<1x16xf32>
        tpu.vector_store %arg22[%swap3A_129, %swap3A_130], %swap3A_133 {strides = array<i32>} : memref<64x144xf32, #tpu.memory_space<vmem>>, vector<1x16xf32>,
        %get3A_134 = arith.index_cast %add3A_86 : i32 to index
        %get3A_135 = arith.constant 32 : index
        %get3A_136 = tpu.vector_load %arg20[%get3A_134, %get3A_135] {strides = array<i32>} : memref<64x128xf32, #tpu.memory_space<vmem>>, vector<1x16xf32>,
        %get3A_137 = vector.shape_cast %get3A_136 : vector<1x16xf32> to vector<16xf32>
        %mul3A_138 = arith.mulf %get3A_137, %broadcast_in_dim3A_109 : vector<16xf32>
        %swap3A_139 = arith.index_cast %add3A_86 : i32 to index
        %swap3A_140 = arith.constant 32 : index
        %swap3A_141 = tpu.vector_load %arg22[%swap3A_139, %swap3A_140] {strides = array<i32>} : memref<64x144xf32, #tpu.memory_space<vmem>>, vector<1x16xf32>,
        %swap3A_142 = vector.shape_cast %swap3A_141 : vector<1x16xf32> to vector<16xf32>
        %swap3A_143 = vector.shape_cast %mul3A_138 : vector<16xf32> to vector<1x16xf32>
        tpu.vector_store %arg22[%swap3A_139, %swap3A_140], %swap3A_143 {strides = array<i32>} : memref<64x144xf32, #tpu.memory_space<vmem>>, vector<1x16xf32>,
        %get3A_144 = arith.index_cast %add3A_86 : i32 to index
        %get3A_145 = arith.constant 48 : index
        %get3A_146 = tpu.vector_load %arg20[%get3A_144, %get3A_145] {strides = array<i32>} : memref<64x128xf32, #tpu.memory_space<vmem>>, vector<1x16xf32>,
        %get3A_147 = vector.shape_cast %get3A_146 : vector<1x16xf32> to vector<16xf32>
        %mul3A_148 = arith.mulf %get3A_147, %broadcast_in_dim3A_109 : vector<16xf32>
        %swap3A_149 = arith.index_cast %add3A_86 : i32 to index
        %swap3A_150 = arith.constant 48 : index
        %swap3A_151 = tpu.vector_load %arg22[%swap3A_149, %swap3A_150] {strides = array<i32>} : memref<64x144xf32, #tpu.memory_space<vmem>>, vector<1x16xf32>,
        %swap3A_152 = vector.shape_cast %swap3A_151 : vector<1x16xf32> to vector<16xf32>
        %swap3A_153 = vector.shape_cast %mul3A_148 : vector<16xf32> to vector<1x16xf32>
        tpu.vector_store %arg22[%swap3A_149, %swap3A_150], %swap3A_153 {strides = array<i32>} : memref<64x144xf32, #tpu.memory_space<vmem>>, vector<1x16xf32>,
        %get3A_154 = arith.index_cast %add3A_86 : i32 to index
        %get3A_155 = arith.constant 64 : index
        %get3A_156 = tpu.vector_load %arg20[%get3A_154, %get3A_155] {strides = array<i32>} : memref<64x128xf32, #tpu.memory_space<vmem>>, vector<1x16xf32>,
        %get3A_157 = vector.shape_cast %get3A_156 : vector<1x16xf32> to vector<16xf32>
        %mul3A_158 = arith.mulf %get3A_157, %broadcast_in_dim3A_109 : vector<16xf32>
        %swap3A_159 = arith.index_cast %add3A_86 : i32 to index
        %swap3A_160 = arith.constant 64 : index
        %swap3A_161 = tpu.vector_load %arg22[%swap3A_159, %swap3A_160] {strides = array<i32>} : memref<64x144xf32, #tpu.memory_space<vmem>>, vector<1x16xf32>,
        %swap3A_162 = vector.shape_cast %swap3A_161 : vector<1x16xf32> to vector<16xf32>
        %swap3A_163 = vector.shape_cast %mul3A_158 : vector<16xf32> to vector<1x16xf32>
        tpu.vector_store %arg22[%swap3A_159, %swap3A_160], %swap3A_163 {strides = array<i32>} : memref<64x144xf32, #tpu.memory_space<vmem>>, vector<1x16xf32>,
        %get3A_164 = arith.index_cast %add3A_86 : i32 to index
        %get3A_165 = arith.constant 80 : index
        %get3A_166 = tpu.vector_load %arg20[%get3A_164, %get3A_165] {strides = array<i32>} : memref<64x128xf32, #tpu.memory_space<vmem>>, vector<1x16xf32>,
        %get3A_167 = vector.shape_cast %get3A_166 : vector<1x16xf32> to vector<16xf32>
        %mul3A_168 = arith.mulf %get3A_167, %broadcast_in_dim3A_109 : vector<16xf32>
        %swap3A_169 = arith.index_cast %add3A_86 : i32 to index
        %swap3A_170 = arith.constant 80 : index
        %swap3A_171 = tpu.vector_load %arg22[%swap3A_169, %swap3A_170] {strides = array<i32>} : memref<64x144xf32, #tpu.memory_space<vmem>>, vector<1x16xf32>,
        %swap3A_172 = vector.shape_cast %swap3A_171 : vector<1x16xf32> to vector<16xf32>
        %swap3A_173 = vector.shape_cast %mul3A_168 : vector<16xf32> to vector<1x16xf32>
        tpu.vector_store %arg22[%swap3A_169, %swap3A_170], %swap3A_173 {strides = array<i32>} : memref<64x144xf32, #tpu.memory_space<vmem>>, vector<1x16xf32>,
        %get3A_174 = arith.index_cast %add3A_86 : i32 to index
        %get3A_175 = arith.constant 96 : index
        %get3A_176 = tpu.vector_load %arg20[%get3A_174, %get3A_175] {strides = array<i32>} : memref<64x128xf32, #tpu.memory_space<vmem>>, vector<1x16xf32>,
        %get3A_177 = vector.shape_cast %get3A_176 : vector<1x16xf32> to vector<16xf32>
        %mul3A_178 = arith.mulf %get3A_177, %broadcast_in_dim3A_109 : vector<16xf32>
        %swap3A_179 = arith.index_cast %add3A_86 : i32 to index
        %swap3A_180 = arith.constant 96 : index
        %swap3A_181 = tpu.vector_load %arg22[%swap3A_179, %swap3A_180] {strides = array<i32>} : memref<64x144xf32, #tpu.memory_space<vmem>>, vector<1x16xf32>,
        %swap3A_182 = vector.shape_cast %swap3A_181 : vector<1x16xf32> to vector<16xf32>
        %swap3A_183 = vector.shape_cast %mul3A_178 : vector<16xf32> to vector<1x16xf32>
        tpu.vector_store %arg22[%swap3A_179, %swap3A_180], %swap3A_183 {strides = array<i32>} : memref<64x144xf32, #tpu.memory_space<vmem>>, vector<1x16xf32>,
        %get3A_184 = arith.index_cast %add3A_86 : i32 to index
        %get3A_185 = arith.constant 112 : index
        %get3A_186 = tpu.vector_load %arg20[%get3A_184, %get3A_185] {strides = array<i32>} : memref<64x128xf32, #tpu.memory_space<vmem>>, vector<1x16xf32>,
        %get3A_187 = vector.shape_cast %get3A_186 : vector<1x16xf32> to vector<16xf32>
        %mul3A_188 = arith.mulf %get3A_187, %broadcast_in_dim3A_109 : vector<16xf32>
        %swap3A_189 = arith.index_cast %add3A_86 : i32 to index
        %swap3A_190 = arith.constant 112 : index
        %swap3A_191 = tpu.vector_load %arg22[%swap3A_189, %swap3A_190] {strides = array<i32>} : memref<64x144xf32, #tpu.memory_space<vmem>>, vector<1x16xf32>,
        %swap3A_192 = vector.shape_cast %swap3A_191 : vector<1x16xf32> to vector<16xf32>
        %swap3A_193 = vector.shape_cast %mul3A_188 : vector<16xf32> to vector<1x16xf32>
        tpu.vector_store %arg22[%swap3A_189, %swap3A_190], %swap3A_193 {strides = array<i32>} : memref<64x144xf32, #tpu.memory_space<vmem>>, vector<1x16xf32>,
        %add3A_194 = arith.constant 1 : i32
        %add3A_195 = arith.addi %add3A_86, %add3A_194 : i32
        %get3A_196 = arith.index_cast %add3A_195 : i32 to index
        %get3A_197 = arith.constant 0 : index
        %get3A_198 = tpu.vector_load %arg14[%get3A_196, %get3A_197] {strides = array<i32>} : memref<64x16xf32, #tpu.memory_space<vmem>>, vector<1x16xf32>,
        %get3A_199 = vector.shape_cast %get3A_198 : vector<1x16xf32> to vector<16xf32>
        %get3A_200 = arith.index_cast %add3A_195 : i32 to index
        %get3A_201 = arith.constant 0 : index
        %get3A_202 = tpu.vector_load %arg16[%get3A_200, %get3A_201] {strides = array<i32>} : memref<64x16xf32, #tpu.memory_space<vmem>>, vector<1x16xf32>,
        %get3A_203 = vector.shape_cast %get3A_202 : vector<1x16xf32> to vector<16xf32>
        %add3A_204 = arith.addf %get3A_199, %get3A_203 : vector<16xf32>
        %get3A_205 = arith.index_cast %add3A_195 : i32 to index
        %get3A_206 = arith.constant 0 : index
        %get3A_207 = tpu.vector_load %arg18[%get3A_205, %get3A_206] {strides = array<i32>} : memref<64x16xf32, #tpu.memory_space<vmem>>, vector<1x16xf32>,
        %get3A_208 = vector.shape_cast %get3A_207 : vector<1x16xf32> to vector<16xf32>
        %add3A_209 = arith.addf %add3A_204, %get3A_208 : vector<16xf32>
        %ge3A_210 = arith.constant 0.000000e+00 : f32
        %ge3A_211 = vector.broadcast %ge3A_210 : f32 to vector<16xf32>
        %ge3A_212 = arith.cmpf oge, %add3A_209, %ge3A_211 : vector<16xf32>
        %mul3A_213 = arith.constant 2.000000e-01 : f32
        %mul3A_214 = vector.broadcast %mul3A_213 : f32 to vector<16xf32>
        %mul3A_215 = arith.mulf %mul3A_214, %add3A_209 : vector<16xf32>
        %select_n3A_216 = arith.select %ge3A_212, %add3A_209, %mul3A_215 : vector<16xi1>, vector<16xf32>
        %exp3A_217 = math.exp %select_n3A_216 : vector<16xf32>
        %eq3A_218 = arith.constant 8 : i32
        %eq3A_219 = vector.broadcast %eq3A_218 : i32 to vector<16xi32>
        %eq3A_220 = arith.cmpi eq, %iota3A, %eq3A_219 : vector<16xi32>
        %broadcast_in_dim3A_221 = arith.constant 0.000000e+00 : f32
        %broadcast_in_dim3A_222 = vector.broadcast %broadcast_in_dim3A_221 : f32 to vector<16xf32>
        %select_n3A_223 = arith.select %eq3A_220, %exp3A_217, %broadcast_in_dim3A_222 : vector<16xi1>, vector<16xf32>
        %slice3A_224 = vector.extract_strided_slice %exp3A_217 {offsets = [8], sizes = [1], strides = [1]} : vector<16xf32> to vector<1xf32>
        %squeeze3A_225 = vector.extract %slice3A_224[0] : f32 from vector<1xf32>
        %broadcast_in_dim3A_226 = vector.broadcast %squeeze3A_225 : f32 to vector<16xf32>
        %swap3A_227 = arith.index_cast %add3A_195 : i32 to index
        %swap3A_228 = arith.constant 128 : index
        %swap3A_229 = tpu.vector_load %arg22[%swap3A_227, %swap3A_228] {strides = array<i32>} : memref<64x144xf32, #tpu.memory_space<vmem>>, vector<1x16xf32>,
        %swap3A_230 = vector.shape_cast %swap3A_229 : vector<1x16xf32> to vector<16xf32>
        %swap3A_231 = vector.shape_cast %select_n3A_223 : vector<16xf32> to vector<1x16xf32>
        tpu.vector_store %arg22[%swap3A_227, %swap3A_228], %swap3A_231 {strides = array<i32>} : memref<64x144xf32, #tpu.memory_space<vmem>>, vector<1x16xf32>,
        %get3A_232 = arith.index_cast %add3A_195 : i32 to index
        %get3A_233 = arith.constant 0 : index
        %get3A_234 = tpu.vector_load %arg20[%get3A_232, %get3A_233] {strides = array<i32>} : memref<64x128xf32, #tpu.memory_space<vmem>>, vector<1x16xf32>,
        %get3A_235 = vector.shape_cast %get3A_234 : vector<1x16xf32> to vector<16xf32>
        %mul3A_236 = arith.mulf %get3A_235, %broadcast_in_dim3A_226 : vector<16xf32>
        %swap3A_237 = arith.index_cast %add3A_195 : i32 to index
        %swap3A_238 = arith.constant 0 : index
        %swap3A_239 = tpu.vector_load %arg22[%swap3A_237, %swap3A_238] {strides = array<i32>} : memref<64x144xf32, #tpu.memory_space<vmem>>, vector<1x16xf32>,
        %swap3A_240 = vector.shape_cast %swap3A_239 : vector<1x16xf32> to vector<16xf32>
        %swap3A_241 = vector.shape_cast %mul3A_236 : vector<16xf32> to vector<1x16xf32>
        tpu.vector_store %arg22[%swap3A_237, %swap3A_238], %swap3A_241 {strides = array<i32>} : memref<64x144xf32, #tpu.memory_space<vmem>>, vector<1x16xf32>,
        %get3A_242 = arith.index_cast %add3A_195 : i32 to index
        %get3A_243 = arith.constant 16 : index
        %get3A_244 = tpu.vector_load %arg20[%get3A_242, %get3A_243] {strides = array<i32>} : memref<64x128xf32, #tpu.memory_space<vmem>>, vector<1x16xf32>,
        %get3A_245 = vector.shape_cast %get3A_244 : vector<1x16xf32> to vector<16xf32>
        %mul3A_246 = arith.mulf %get3A_245, %broadcast_in_dim3A_226 : vector<16xf32>
        %swap3A_247 = arith.index_cast %add3A_195 : i32 to index
        %swap3A_248 = arith.constant 16 : index
        %swap3A_249 = tpu.vector_load %arg22[%swap3A_247, %swap3A_248] {strides = array<i32>} : memref<64x144xf32, #tpu.memory_space<vmem>>, vector<1x16xf32>,
        %swap3A_250 = vector.shape_cast %swap3A_249 : vector<1x16xf32> to vector<16xf32>
        %swap3A_251 = vector.shape_cast %mul3A_246 : vector<16xf32> to vector<1x16xf32>
        tpu.vector_store %arg22[%swap3A_247, %swap3A_248], %swap3A_251 {strides = array<i32>} : memref<64x144xf32, #tpu.memory_space<vmem>>, vector<1x16xf32>,
        %get3A_252 = arith.index_cast %add3A_195 : i32 to index
        %get3A_253 = arith.constant 32 : index
        %get3A_254 = tpu.vector_load %arg20[%get3A_252, %get3A_253] {strides = array<i32>} : memref<64x128xf32, #tpu.memory_space<vmem>>, vector<1x16xf32>,
        %get3A_255 = vector.shape_cast %get3A_254 : vector<1x16xf32> to vector<16xf32>
        %mul3A_256 = arith.mulf %get3A_255, %broadcast_in_dim3A_226 : vector<16xf32>
        %swap3A_257 = arith.index_cast %add3A_195 : i32 to index
        %swap3A_258 = arith.constant 32 : index
        %swap3A_259 = tpu.vector_load %arg22[%swap3A_257, %swap3A_258] {strides = array<i32>} : memref<64x144xf32, #tpu.memory_space<vmem>>, vector<1x16xf32>,
        %swap3A_260 = vector.shape_cast %swap3A_259 : vector<1x16xf32> to vector<16xf32>
        %swap3A_261 = vector.shape_cast %mul3A_256 : vector<16xf32> to vector<1x16xf32>
        tpu.vector_store %arg22[%swap3A_257, %swap3A_258], %swap3A_261 {strides = array<i32>} : memref<64x144xf32, #tpu.memory_space<vmem>>, vector<1x16xf32>,
        %get3A_262 = arith.index_cast %add3A_195 : i32 to index
        %get3A_263 = arith.constant 48 : index
        %get3A_264 = tpu.vector_load %arg20[%get3A_262, %get3A_263] {strides = array<i32>} : memref<64x128xf32, #tpu.memory_space<vmem>>, vector<1x16xf32>,
        %get3A_265 = vector.shape_cast %get3A_264 : vector<1x16xf32> to vector<16xf32>
        %mul3A_266 = arith.mulf %get3A_265, %broadcast_in_dim3A_226 : vector<16xf32>
        %swap3A_267 = arith.index_cast %add3A_195 : i32 to index
        %swap3A_268 = arith.constant 48 : index
        %swap3A_269 = tpu.vector_load %arg22[%swap3A_267, %swap3A_268] {strides = array<i32>} : memref<64x144xf32, #tpu.memory_space<vmem>>, vector<1x16xf32>,
        %swap3A_270 = vector.shape_cast %swap3A_269 : vector<1x16xf32> to vector<16xf32>
        %swap3A_271 = vector.shape_cast %mul3A_266 : vector<16xf32> to vector<1x16xf32>
        tpu.vector_store %arg22[%swap3A_267, %swap3A_268], %swap3A_271 {strides = array<i32>} : memref<64x144xf32, #tpu.memory_space<vmem>>, vector<1x16xf32>,
        %get3A_272 = arith.index_cast %add3A_195 : i32 to index
        %get3A_273 = arith.constant 64 : index
        %get3A_274 = tpu.vector_load %arg20[%get3A_272, %get3A_273] {strides = array<i32>} : memref<64x128xf32, #tpu.memory_space<vmem>>, vector<1x16xf32>,
        %get3A_275 = vector.shape_cast %get3A_274 : vector<1x16xf32> to vector<16xf32>
        %mul3A_276 = arith.mulf %get3A_275, %broadcast_in_dim3A_226 : vector<16xf32>
        %swap3A_277 = arith.index_cast %add3A_195 : i32 to index
        %swap3A_278 = arith.constant 64 : index
        %swap3A_279 = tpu.vector_load %arg22[%swap3A_277, %swap3A_278] {strides = array<i32>} : memref<64x144xf32, #tpu.memory_space<vmem>>, vector<1x16xf32>,
        %swap3A_280 = vector.shape_cast %swap3A_279 : vector<1x16xf32> to vector<16xf32>
        %swap3A_281 = vector.shape_cast %mul3A_276 : vector<16xf32> to vector<1x16xf32>
        tpu.vector_store %arg22[%swap3A_277, %swap3A_278], %swap3A_281 {strides = array<i32>} : memref<64x144xf32, #tpu.memory_space<vmem>>, vector<1x16xf32>,
        %get3A_282 = arith.index_cast %add3A_195 : i32 to index
        %get3A_283 = arith.constant 80 : index
        %get3A_284 = tpu.vector_load %arg20[%get3A_282, %get3A_283] {strides = array<i32>} : memref<64x128xf32, #tpu.memory_space<vmem>>, vector<1x16xf32>,
        %get3A_285 = vector.shape_cast %get3A_284 : vector<1x16xf32> to vector<16xf32>
        %mul3A_286 = arith.mulf %get3A_285, %broadcast_in_dim3A_226 : vector<16xf32>
        %swap3A_287 = arith.index_cast %add3A_195 : i32 to index
        %swap3A_288 = arith.constant 80 : index
        %swap3A_289 = tpu.vector_load %arg22[%swap3A_287, %swap3A_288] {strides = array<i32>} : memref<64x144xf32, #tpu.memory_space<vmem>>, vector<1x16xf32>,
        %swap3A_290 = vector.shape_cast %swap3A_289 : vector<1x16xf32> to vector<16xf32>
        %swap3A_291 = vector.shape_cast %mul3A_286 : vector<16xf32> to vector<1x16xf32>
        tpu.vector_store %arg22[%swap3A_287, %swap3A_288], %swap3A_291 {strides = array<i32>} : memref<64x144xf32, #tpu.memory_space<vmem>>, vector<1x16xf32>,
        %get3A_292 = arith.index_cast %add3A_195 : i32 to index
        %get3A_293 = arith.constant 96 : index
        %get3A_294 = tpu.vector_load %arg20[%get3A_292, %get3A_293] {strides = array<i32>} : memref<64x128xf32, #tpu.memory_space<vmem>>, vector<1x16xf32>,
        %get3A_295 = vector.shape_cast %get3A_294 : vector<1x16xf32> to vector<16xf32>
        %mul3A_296 = arith.mulf %get3A_295, %broadcast_in_dim3A_226 : vector<16xf32>
        %swap3A_297 = arith.index_cast %add3A_195 : i32 to index
        %swap3A_298 = arith.constant 96 : index
        %swap3A_299 = tpu.vector_load %arg22[%swap3A_297, %swap3A_298] {strides = array<i32>} : memref<64x144xf32, #tpu.memory_space<vmem>>, vector<1x16xf32>,
        %swap3A_300 = vector.shape_cast %swap3A_299 : vector<1x16xf32> to vector<16xf32>
        %swap3A_301 = vector.shape_cast %mul3A_296 : vector<16xf32> to vector<1x16xf32>
        tpu.vector_store %arg22[%swap3A_297, %swap3A_298], %swap3A_301 {strides = array<i32>} : memref<64x144xf32, #tpu.memory_space<vmem>>, vector<1x16xf32>,
        %get3A_302 = arith.index_cast %add3A_195 : i32 to index
        %get3A_303 = arith.constant 112 : index
        %get3A_304 = tpu.vector_load %arg20[%get3A_302, %get3A_303] {strides = array<i32>} : memref<64x128xf32, #tpu.memory_space<vmem>>, vector<1x16xf32>,
        %get3A_305 = vector.shape_cast %get3A_304 : vector<1x16xf32> to vector<16xf32>
        %mul3A_306 = arith.mulf %get3A_305, %broadcast_in_dim3A_226 : vector<16xf32>
        %swap3A_307 = arith.index_cast %add3A_195 : i32 to index
        %swap3A_308 = arith.constant 112 : index
        %swap3A_309 = tpu.vector_load %arg22[%swap3A_307, %swap3A_308] {strides = array<i32>} : memref<64x144xf32, #tpu.memory_space<vmem>>, vector<1x16xf32>,
        %swap3A_310 = vector.shape_cast %swap3A_309 : vector<1x16xf32> to vector<16xf32>
        %swap3A_311 = vector.shape_cast %mul3A_306 : vector<16xf32> to vector<1x16xf32>
        tpu.vector_store %arg22[%swap3A_307, %swap3A_308], %swap3A_311 {strides = array<i32>} : memref<64x144xf32, #tpu.memory_space<vmem>>, vector<1x16xf32>,
      }
      %scan3A_61 = arith.constant 32 : i32
      "tpu.region"() ({
        %run_scoped3A = tpu.sem_alloc : memref<!tpu.dma_semaphore, #tpu.memory_space<semaphore_mem>>
        %dma_start3A_82 = arith.constant 0 : i32
        %dma_start3A_83 = arith.constant 0 : i32
        %dma_start3A_84 = tpu.memref_slice %arg23[%dma_start3A_82, %dma_start3A_83] : memref<10112x144xf32, #tpu.memory_space<vmem_shared>> -> memref<10112x144xf32, #tpu.memory_space<vmem_shared>>
        tpu.enqueue_indirect_dma source(%arg22 : memref<64x144xf32, #tpu.memory_space<vmem>>) target(%dma_start3A_84 : memref<10112x144xf32, #tpu.memory_space<vmem_shared>>) offsets(%arg12 : memref<64xi32, #tpu.memory_space<vmem>>) semaphore(%run_scoped3A : memref<!tpu.dma_semaphore, #tpu.memory_space<semaphore_mem>>) {add = true}
        %dma_wait3A_85 = arith.constant 0 : i32
        %dma_wait3A_86 = arith.constant 0 : i32
        %dma_wait3A_87 = tpu.memref_slice %arg23[%dma_wait3A_85, %dma_wait3A_86] : memref<10112x144xf32, #tpu.memory_space<vmem_shared>> -> memref<10112x144xf32, #tpu.memory_space<vmem_shared>>
        tpu.wait_indirect_dma semaphore(%run_scoped3A : memref<!tpu.dma_semaphore, #tpu.memory_space<semaphore_mem>>) src(%arg22 : memref<64x144xf32, #tpu.memory_space<vmem>>) dst(%dma_wait3A_87 : memref<10112x144xf32, #tpu.memory_space<vmem_shared>>)
        tpu.yield
      }) : () -> ()
      %mul3A_62 = arith.constant 2 : i32
      %mul3A_63 = arith.muli %mul3A_62, %add3A_30 : i32
      %add3A_64 = arith.constant 2 : i32
      %add3A_65 = arith.addi %mul3A_63, %add3A_64 : i32
      %lt3A = arith.constant 158 : i32
      %lt3A_66 = arith.cmpi slt, %add3A_65, %lt3A : i32
      %convert_element_type3A = arith.extui %lt3A_66 : i1 to i32
      %cond3A = arith.constant 0 : i32
      %cond3A_67 = arith.cmpi ne, %convert_element_type3A, %cond3A : i32
      scf.if %cond3A_67 {
        %mul3A_82 = arith.constant 2 : i32
        %mul3A_83 = arith.muli %mul3A_82, %add3A_30 : i32
        %add3A_84 = arith.constant 2 : i32
        %add3A_85 = arith.addi %mul3A_83, %add3A_84 : i32
        %mul3A_86 = arith.constant 32 : i32
        %mul3A_87 = arith.muli %add3A_85, %mul3A_86 : i32
        %add3A_88 = arith.addi %mul3A_87, %add3A : i32
        %mul3A_89 = arith.constant 64 : i32
        %mul3A_90 = arith.muli %add3A_88, %mul3A_89 : i32
        "tpu.region"() ({
          %run_scoped3A = tpu.sem_alloc : memref<!tpu.dma_semaphore, #tpu.memory_space<semaphore_mem>>
          %dma_start3A_100 = tpu.memref_slice %arg2[%mul3A_90] : memref<323584xi32, #tpu.memory_space<hbm>> -> memref<64xi32, #tpu.memory_space<hbm>>
          %dma_start3A_101 = tpu.memref_slice %arg2[%mul3A_90] : memref<323584xi32, #tpu.memory_space<hbm>> -> memref<64xi32, #tpu.memory_space<hbm>>
          tpu.enqueue_dma source(%dma_start3A_101 : memref<64xi32, #tpu.memory_space<hbm>>) target(%arg10 : memref<64xi32, #tpu.memory_space<vmem>>) target_semaphore(%run_scoped3A : memref<!tpu.dma_semaphore, #tpu.memory_space<semaphore_mem>>)
          %dma_wait3A_102 = tpu.memref_slice %arg2[%mul3A_90] : memref<323584xi32, #tpu.memory_space<hbm>> -> memref<64xi32, #tpu.memory_space<hbm>>
          %dma_wait3A_103 = tpu.memref_slice %arg2[%mul3A_90] : memref<323584xi32, #tpu.memory_space<hbm>> -> memref<64xi32, #tpu.memory_space<hbm>>
          tpu.wait_dma2 semaphore(%run_scoped3A : memref<!tpu.dma_semaphore, #tpu.memory_space<semaphore_mem>>) src(%dma_wait3A_103 : memref<64xi32, #tpu.memory_space<hbm>>) dst(%arg10 : memref<64xi32, #tpu.memory_space<vmem>>)
          tpu.yield
        }) : () -> ()
        "tpu.region"() ({
          %run_scoped3A = tpu.sem_alloc : memref<!tpu.dma_semaphore, #tpu.memory_space<semaphore_mem>>
          %dma_start3A_100 = tpu.memref_slice %arg3[%mul3A_90] : memref<323584xi32, #tpu.memory_space<hbm>> -> memref<64xi32, #tpu.memory_space<hbm>>
          %dma_start3A_101 = tpu.memref_slice %arg3[%mul3A_90] : memref<323584xi32, #tpu.memory_space<hbm>> -> memref<64xi32, #tpu.memory_space<hbm>>
          tpu.enqueue_dma source(%dma_start3A_101 : memref<64xi32, #tpu.memory_space<hbm>>) target(%arg12 : memref<64xi32, #tpu.memory_space<vmem>>) target_semaphore(%run_scoped3A : memref<!tpu.dma_semaphore, #tpu.memory_space<semaphore_mem>>)
          %dma_wait3A_102 = tpu.memref_slice %arg3[%mul3A_90] : memref<323584xi32, #tpu.memory_space<hbm>> -> memref<64xi32, #tpu.memory_space<hbm>>
          %dma_wait3A_103 = tpu.memref_slice %arg3[%mul3A_90] : memref<323584xi32, #tpu.memory_space<hbm>> -> memref<64xi32, #tpu.memory_space<hbm>>
          tpu.wait_dma2 semaphore(%run_scoped3A : memref<!tpu.dma_semaphore, #tpu.memory_space<semaphore_mem>>) src(%dma_wait3A_103 : memref<64xi32, #tpu.memory_space<hbm>>) dst(%arg12 : memref<64xi32, #tpu.memory_space<vmem>>)
          tpu.yield
        }) : () -> ()
        "tpu.region"() ({
          %run_scoped3A = tpu.sem_alloc : memref<!tpu.dma_semaphore, #tpu.memory_space<semaphore_mem>>
          %dma_start3A_100 = arith.constant 0 : i32
          %dma_start3A_101 = tpu.memref_slice %arg4[%mul3A_90, %dma_start3A_100] : memref<323584x16xf32, #tpu.memory_space<hbm>> -> memref<64x16xf32, #tpu.memory_space<hbm>>
          %dma_start3A_102 = arith.constant 0 : i32
          %dma_start3A_103 = tpu.memref_slice %arg4[%mul3A_90, %dma_start3A_102] : memref<323584x16xf32, #tpu.memory_space<hbm>> -> memref<64x16xf32, #tpu.memory_space<hbm>>
          tpu.enqueue_dma source(%dma_start3A_103 : memref<64x16xf32, #tpu.memory_space<hbm>>) target(%arg18 : memref<64x16xf32, #tpu.memory_space<vmem>>) target_semaphore(%run_scoped3A : memref<!tpu.dma_semaphore, #tpu.memory_space<semaphore_mem>>)
          %dma_wait3A_104 = arith.constant 0 : i32
          %dma_wait3A_105 = tpu.memref_slice %arg4[%mul3A_90, %dma_wait3A_104] : memref<323584x16xf32, #tpu.memory_space<hbm>> -> memref<64x16xf32, #tpu.memory_space<hbm>>
          %dma_wait3A_106 = arith.constant 0 : i32
          %dma_wait3A_107 = tpu.memref_slice %arg4[%mul3A_90, %dma_wait3A_106] : memref<323584x16xf32, #tpu.memory_space<hbm>> -> memref<64x16xf32, #tpu.memory_space<hbm>>
          tpu.wait_dma2 semaphore(%run_scoped3A : memref<!tpu.dma_semaphore, #tpu.memory_space<semaphore_mem>>) src(%dma_wait3A_107 : memref<64x16xf32, #tpu.memory_space<hbm>>) dst(%arg18 : memref<64x16xf32, #tpu.memory_space<vmem>>)
          tpu.yield
        }) : () -> ()
        %dma_start3A_91 = arith.constant 0 : i32
        %dma_start3A_92 = arith.constant 0 : i32
        %dma_start3A_93 = tpu.memref_slice %arg5[%dma_start3A_91, %dma_start3A_92] : memref<10112x16xf32, #tpu.memory_space<hbm>> -> memref<10112x16xf32, #tpu.memory_space<hbm>>
        tpu.enqueue_indirect_dma source(%dma_start3A_93 : memref<10112x16xf32, #tpu.memory_space<hbm>>) target(%arg14 : memref<64x16xf32, #tpu.memory_space<vmem>>) offsets(%arg10 : memref<64xi32, #tpu.memory_space<vmem>>) semaphore(%arg24 : memref<!tpu.dma_semaphore, #tpu.memory_space<semaphore_mem>>)
        %dma_start3A_94 = arith.constant 0 : i32
        %dma_start3A_95 = arith.constant 0 : i32
        %dma_start3A_96 = tpu.memref_slice %arg6[%dma_start3A_94, %dma_start3A_95] : memref<10112x16xf32, #tpu.memory_space<hbm>> -> memref<10112x16xf32, #tpu.memory_space<hbm>>
        tpu.enqueue_indirect_dma source(%dma_start3A_96 : memref<10112x16xf32, #tpu.memory_space<hbm>>) target(%arg16 : memref<64x16xf32, #tpu.memory_space<vmem>>) offsets(%arg12 : memref<64xi32, #tpu.memory_space<vmem>>) semaphore(%arg26 : memref<!tpu.dma_semaphore, #tpu.memory_space<semaphore_mem>>)
        %dma_start3A_97 = arith.constant 0 : i32
        %dma_start3A_98 = arith.constant 0 : i32
        %dma_start3A_99 = tpu.memref_slice %arg7[%dma_start3A_97, %dma_start3A_98] : memref<10112x128xf32, #tpu.memory_space<hbm>> -> memref<10112x128xf32, #tpu.memory_space<hbm>>
        tpu.enqueue_indirect_dma source(%dma_start3A_99 : memref<10112x128xf32, #tpu.memory_space<hbm>>) target(%arg20 : memref<64x128xf32, #tpu.memory_space<vmem>>) offsets(%arg10 : memref<64xi32, #tpu.memory_space<vmem>>) semaphore(%arg28 : memref<!tpu.dma_semaphore, #tpu.memory_space<semaphore_mem>>)
      } else {
      }
      %dma_wait3A_68 = arith.constant 0 : i32
      %dma_wait3A_69 = arith.constant 0 : i32
      %dma_wait3A_70 = tpu.memref_slice %arg5[%dma_wait3A_68, %dma_wait3A_69] : memref<10112x16xf32, #tpu.memory_space<hbm>> -> memref<10112x16xf32, #tpu.memory_space<hbm>>
      tpu.wait_indirect_dma semaphore(%arg25 : memref<!tpu.dma_semaphore, #tpu.memory_space<semaphore_mem>>) src(%dma_wait3A_70 : memref<10112x16xf32, #tpu.memory_space<hbm>>) dst(%arg15 : memref<64x16xf32, #tpu.memory_space<vmem>>)
      %dma_wait3A_71 = arith.constant 0 : i32
      %dma_wait3A_72 = arith.constant 0 : i32
      %dma_wait3A_73 = tpu.memref_slice %arg6[%dma_wait3A_71, %dma_wait3A_72] : memref<10112x16xf32, #tpu.memory_space<hbm>> -> memref<10112x16xf32, #tpu.memory_space<hbm>>
      tpu.wait_indirect_dma semaphore(%arg27 : memref<!tpu.dma_semaphore, #tpu.memory_space<semaphore_mem>>) src(%dma_wait3A_73 : memref<10112x16xf32, #tpu.memory_space<hbm>>) dst(%arg17 : memref<64x16xf32, #tpu.memory_space<vmem>>)
      %dma_wait3A_74 = arith.constant 0 : i32
      %dma_wait3A_75 = arith.constant 0 : i32
      %dma_wait3A_76 = tpu.memref_slice %arg7[%dma_wait3A_74, %dma_wait3A_75] : memref<10112x128xf32, #tpu.memory_space<hbm>> -> memref<10112x128xf32, #tpu.memory_space<hbm>>
      tpu.wait_indirect_dma semaphore(%arg29 : memref<!tpu.dma_semaphore, #tpu.memory_space<semaphore_mem>>) src(%dma_wait3A_76 : memref<10112x128xf32, #tpu.memory_space<hbm>>) dst(%arg21 : memref<64x128xf32, #tpu.memory_space<vmem>>)
      %scan3A_77 = arith.constant 0 : i32
      %scan3A_78 = arith.constant 32 : i32
      %scan3A_79 = arith.addi %scan3A_77, %scan3A_78 : i32
      %scan3A_80 = arith.constant 1 : i32
      scf.for %scan3A_82 = %scan3A_77 to %scan3A_79 step %scan3A_80  : i32 {
        %mul3A_83 = arith.constant 2 : i32
        %mul3A_84 = arith.muli %scan3A_82, %mul3A_83 : i32
        %add3A_85 = arith.constant 0 : i32
        %add3A_86 = arith.addi %add3A_85, %mul3A_84 : i32
        %get3A = arith.index_cast %add3A_86 : i32 to index
        %get3A_87 = arith.constant 0 : index
        %get3A_88 = tpu.vector_load %arg15[%get3A, %get3A_87] {strides = array<i32>} : memref<64x16xf32, #tpu.memory_space<vmem>>, vector<1x16xf32>,
        %get3A_89 = vector.shape_cast %get3A_88 : vector<1x16xf32> to vector<16xf32>
        %get3A_90 = arith.index_cast %add3A_86 : i32 to index
        %get3A_91 = arith.constant 0 : index
        %get3A_92 = tpu.vector_load %arg17[%get3A_90, %get3A_91] {strides = array<i32>} : memref<64x16xf32, #tpu.memory_space<vmem>>, vector<1x16xf32>,
        %get3A_93 = vector.shape_cast %get3A_92 : vector<1x16xf32> to vector<16xf32>
        %add3A_94 = arith.addf %get3A_89, %get3A_93 : vector<16xf32>
        %get3A_95 = arith.index_cast %add3A_86 : i32 to index
        %get3A_96 = arith.constant 0 : index
        %get3A_97 = tpu.vector_load %arg19[%get3A_95, %get3A_96] {strides = array<i32>} : memref<64x16xf32, #tpu.memory_space<vmem>>, vector<1x16xf32>,
        %get3A_98 = vector.shape_cast %get3A_97 : vector<1x16xf32> to vector<16xf32>
        %add3A_99 = arith.addf %add3A_94, %get3A_98 : vector<16xf32>
        %ge3A = arith.constant 0.000000e+00 : f32
        %ge3A_100 = vector.broadcast %ge3A : f32 to vector<16xf32>
        %ge3A_101 = arith.cmpf oge, %add3A_99, %ge3A_100 : vector<16xf32>
        %mul3A_102 = arith.constant 2.000000e-01 : f32
        %mul3A_103 = vector.broadcast %mul3A_102 : f32 to vector<16xf32>
        %mul3A_104 = arith.mulf %mul3A_103, %add3A_99 : vector<16xf32>
        %select_n3A = arith.select %ge3A_101, %add3A_99, %mul3A_104 : vector<16xi1>, vector<16xf32>
        %exp3A = math.exp %select_n3A : vector<16xf32>
        %eq3A = arith.constant 8 : i32
        %eq3A_105 = vector.broadcast %eq3A : i32 to vector<16xi32>
        %eq3A_106 = arith.cmpi eq, %iota3A, %eq3A_105 : vector<16xi32>
        %broadcast_in_dim3A = arith.constant 0.000000e+00 : f32
        %broadcast_in_dim3A_107 = vector.broadcast %broadcast_in_dim3A : f32 to vector<16xf32>
        %select_n3A_108 = arith.select %eq3A_106, %exp3A, %broadcast_in_dim3A_107 : vector<16xi1>, vector<16xf32>
        %slice3A = vector.extract_strided_slice %exp3A {offsets = [8], sizes = [1], strides = [1]} : vector<16xf32> to vector<1xf32>
        %squeeze3A = vector.extract %slice3A[0] : f32 from vector<1xf32>
        %broadcast_in_dim3A_109 = vector.broadcast %squeeze3A : f32 to vector<16xf32>
        %swap3A = arith.index_cast %add3A_86 : i32 to index
        %swap3A_110 = arith.constant 128 : index
        %swap3A_111 = tpu.vector_load %arg22[%swap3A, %swap3A_110] {strides = array<i32>} : memref<64x144xf32, #tpu.memory_space<vmem>>, vector<1x16xf32>,
        %swap3A_112 = vector.shape_cast %swap3A_111 : vector<1x16xf32> to vector<16xf32>
        %swap3A_113 = vector.shape_cast %select_n3A_108 : vector<16xf32> to vector<1x16xf32>
        tpu.vector_store %arg22[%swap3A, %swap3A_110], %swap3A_113 {strides = array<i32>} : memref<64x144xf32, #tpu.memory_space<vmem>>, vector<1x16xf32>,
        %get3A_114 = arith.index_cast %add3A_86 : i32 to index
        %get3A_115 = arith.constant 0 : index
        %get3A_116 = tpu.vector_load %arg21[%get3A_114, %get3A_115] {strides = array<i32>} : memref<64x128xf32, #tpu.memory_space<vmem>>, vector<1x16xf32>,
        %get3A_117 = vector.shape_cast %get3A_116 : vector<1x16xf32> to vector<16xf32>
        %mul3A_118 = arith.mulf %get3A_117, %broadcast_in_dim3A_109 : vector<16xf32>
        %swap3A_119 = arith.index_cast %add3A_86 : i32 to index
        %swap3A_120 = arith.constant 0 : index
        %swap3A_121 = tpu.vector_load %arg22[%swap3A_119, %swap3A_120] {strides = array<i32>} : memref<64x144xf32, #tpu.memory_space<vmem>>, vector<1x16xf32>,
        %swap3A_122 = vector.shape_cast %swap3A_121 : vector<1x16xf32> to vector<16xf32>
        %swap3A_123 = vector.shape_cast %mul3A_118 : vector<16xf32> to vector<1x16xf32>
        tpu.vector_store %arg22[%swap3A_119, %swap3A_120], %swap3A_123 {strides = array<i32>} : memref<64x144xf32, #tpu.memory_space<vmem>>, vector<1x16xf32>,
        %get3A_124 = arith.index_cast %add3A_86 : i32 to index
        %get3A_125 = arith.constant 16 : index
        %get3A_126 = tpu.vector_load %arg21[%get3A_124, %get3A_125] {strides = array<i32>} : memref<64x128xf32, #tpu.memory_space<vmem>>, vector<1x16xf32>,
        %get3A_127 = vector.shape_cast %get3A_126 : vector<1x16xf32> to vector<16xf32>
        %mul3A_128 = arith.mulf %get3A_127, %broadcast_in_dim3A_109 : vector<16xf32>
        %swap3A_129 = arith.index_cast %add3A_86 : i32 to index
        %swap3A_130 = arith.constant 16 : index
        %swap3A_131 = tpu.vector_load %arg22[%swap3A_129, %swap3A_130] {strides = array<i32>} : memref<64x144xf32, #tpu.memory_space<vmem>>, vector<1x16xf32>,
        %swap3A_132 = vector.shape_cast %swap3A_131 : vector<1x16xf32> to vector<16xf32>
        %swap3A_133 = vector.shape_cast %mul3A_128 : vector<16xf32> to vector<1x16xf32>
        tpu.vector_store %arg22[%swap3A_129, %swap3A_130], %swap3A_133 {strides = array<i32>} : memref<64x144xf32, #tpu.memory_space<vmem>>, vector<1x16xf32>,
        %get3A_134 = arith.index_cast %add3A_86 : i32 to index
        %get3A_135 = arith.constant 32 : index
        %get3A_136 = tpu.vector_load %arg21[%get3A_134, %get3A_135] {strides = array<i32>} : memref<64x128xf32, #tpu.memory_space<vmem>>, vector<1x16xf32>,
        %get3A_137 = vector.shape_cast %get3A_136 : vector<1x16xf32> to vector<16xf32>
        %mul3A_138 = arith.mulf %get3A_137, %broadcast_in_dim3A_109 : vector<16xf32>
        %swap3A_139 = arith.index_cast %add3A_86 : i32 to index
        %swap3A_140 = arith.constant 32 : index
        %swap3A_141 = tpu.vector_load %arg22[%swap3A_139, %swap3A_140] {strides = array<i32>} : memref<64x144xf32, #tpu.memory_space<vmem>>, vector<1x16xf32>,
        %swap3A_142 = vector.shape_cast %swap3A_141 : vector<1x16xf32> to vector<16xf32>
        %swap3A_143 = vector.shape_cast %mul3A_138 : vector<16xf32> to vector<1x16xf32>
        tpu.vector_store %arg22[%swap3A_139, %swap3A_140], %swap3A_143 {strides = array<i32>} : memref<64x144xf32, #tpu.memory_space<vmem>>, vector<1x16xf32>,
        %get3A_144 = arith.index_cast %add3A_86 : i32 to index
        %get3A_145 = arith.constant 48 : index
        %get3A_146 = tpu.vector_load %arg21[%get3A_144, %get3A_145] {strides = array<i32>} : memref<64x128xf32, #tpu.memory_space<vmem>>, vector<1x16xf32>,
        %get3A_147 = vector.shape_cast %get3A_146 : vector<1x16xf32> to vector<16xf32>
        %mul3A_148 = arith.mulf %get3A_147, %broadcast_in_dim3A_109 : vector<16xf32>
        %swap3A_149 = arith.index_cast %add3A_86 : i32 to index
        %swap3A_150 = arith.constant 48 : index
        %swap3A_151 = tpu.vector_load %arg22[%swap3A_149, %swap3A_150] {strides = array<i32>} : memref<64x144xf32, #tpu.memory_space<vmem>>, vector<1x16xf32>,
        %swap3A_152 = vector.shape_cast %swap3A_151 : vector<1x16xf32> to vector<16xf32>
        %swap3A_153 = vector.shape_cast %mul3A_148 : vector<16xf32> to vector<1x16xf32>
        tpu.vector_store %arg22[%swap3A_149, %swap3A_150], %swap3A_153 {strides = array<i32>} : memref<64x144xf32, #tpu.memory_space<vmem>>, vector<1x16xf32>,
        %get3A_154 = arith.index_cast %add3A_86 : i32 to index
        %get3A_155 = arith.constant 64 : index
        %get3A_156 = tpu.vector_load %arg21[%get3A_154, %get3A_155] {strides = array<i32>} : memref<64x128xf32, #tpu.memory_space<vmem>>, vector<1x16xf32>,
        %get3A_157 = vector.shape_cast %get3A_156 : vector<1x16xf32> to vector<16xf32>
        %mul3A_158 = arith.mulf %get3A_157, %broadcast_in_dim3A_109 : vector<16xf32>
        %swap3A_159 = arith.index_cast %add3A_86 : i32 to index
        %swap3A_160 = arith.constant 64 : index
        %swap3A_161 = tpu.vector_load %arg22[%swap3A_159, %swap3A_160] {strides = array<i32>} : memref<64x144xf32, #tpu.memory_space<vmem>>, vector<1x16xf32>,
        %swap3A_162 = vector.shape_cast %swap3A_161 : vector<1x16xf32> to vector<16xf32>
        %swap3A_163 = vector.shape_cast %mul3A_158 : vector<16xf32> to vector<1x16xf32>
        tpu.vector_store %arg22[%swap3A_159, %swap3A_160], %swap3A_163 {strides = array<i32>} : memref<64x144xf32, #tpu.memory_space<vmem>>, vector<1x16xf32>,
        %get3A_164 = arith.index_cast %add3A_86 : i32 to index
        %get3A_165 = arith.constant 80 : index
        %get3A_166 = tpu.vector_load %arg21[%get3A_164, %get3A_165] {strides = array<i32>} : memref<64x128xf32, #tpu.memory_space<vmem>>, vector<1x16xf32>,
        %get3A_167 = vector.shape_cast %get3A_166 : vector<1x16xf32> to vector<16xf32>
        %mul3A_168 = arith.mulf %get3A_167, %broadcast_in_dim3A_109 : vector<16xf32>
        %swap3A_169 = arith.index_cast %add3A_86 : i32 to index
        %swap3A_170 = arith.constant 80 : index
        %swap3A_171 = tpu.vector_load %arg22[%swap3A_169, %swap3A_170] {strides = array<i32>} : memref<64x144xf32, #tpu.memory_space<vmem>>, vector<1x16xf32>,
        %swap3A_172 = vector.shape_cast %swap3A_171 : vector<1x16xf32> to vector<16xf32>
        %swap3A_173 = vector.shape_cast %mul3A_168 : vector<16xf32> to vector<1x16xf32>
        tpu.vector_store %arg22[%swap3A_169, %swap3A_170], %swap3A_173 {strides = array<i32>} : memref<64x144xf32, #tpu.memory_space<vmem>>, vector<1x16xf32>,
        %get3A_174 = arith.index_cast %add3A_86 : i32 to index
        %get3A_175 = arith.constant 96 : index
        %get3A_176 = tpu.vector_load %arg21[%get3A_174, %get3A_175] {strides = array<i32>} : memref<64x128xf32, #tpu.memory_space<vmem>>, vector<1x16xf32>,
        %get3A_177 = vector.shape_cast %get3A_176 : vector<1x16xf32> to vector<16xf32>
        %mul3A_178 = arith.mulf %get3A_177, %broadcast_in_dim3A_109 : vector<16xf32>
        %swap3A_179 = arith.index_cast %add3A_86 : i32 to index
        %swap3A_180 = arith.constant 96 : index
        %swap3A_181 = tpu.vector_load %arg22[%swap3A_179, %swap3A_180] {strides = array<i32>} : memref<64x144xf32, #tpu.memory_space<vmem>>, vector<1x16xf32>,
        %swap3A_182 = vector.shape_cast %swap3A_181 : vector<1x16xf32> to vector<16xf32>
        %swap3A_183 = vector.shape_cast %mul3A_178 : vector<16xf32> to vector<1x16xf32>
        tpu.vector_store %arg22[%swap3A_179, %swap3A_180], %swap3A_183 {strides = array<i32>} : memref<64x144xf32, #tpu.memory_space<vmem>>, vector<1x16xf32>,
        %get3A_184 = arith.index_cast %add3A_86 : i32 to index
        %get3A_185 = arith.constant 112 : index
        %get3A_186 = tpu.vector_load %arg21[%get3A_184, %get3A_185] {strides = array<i32>} : memref<64x128xf32, #tpu.memory_space<vmem>>, vector<1x16xf32>,
        %get3A_187 = vector.shape_cast %get3A_186 : vector<1x16xf32> to vector<16xf32>
        %mul3A_188 = arith.mulf %get3A_187, %broadcast_in_dim3A_109 : vector<16xf32>
        %swap3A_189 = arith.index_cast %add3A_86 : i32 to index
        %swap3A_190 = arith.constant 112 : index
        %swap3A_191 = tpu.vector_load %arg22[%swap3A_189, %swap3A_190] {strides = array<i32>} : memref<64x144xf32, #tpu.memory_space<vmem>>, vector<1x16xf32>,
        %swap3A_192 = vector.shape_cast %swap3A_191 : vector<1x16xf32> to vector<16xf32>
        %swap3A_193 = vector.shape_cast %mul3A_188 : vector<16xf32> to vector<1x16xf32>
        tpu.vector_store %arg22[%swap3A_189, %swap3A_190], %swap3A_193 {strides = array<i32>} : memref<64x144xf32, #tpu.memory_space<vmem>>, vector<1x16xf32>,
        %add3A_194 = arith.constant 1 : i32
        %add3A_195 = arith.addi %add3A_86, %add3A_194 : i32
        %get3A_196 = arith.index_cast %add3A_195 : i32 to index
        %get3A_197 = arith.constant 0 : index
        %get3A_198 = tpu.vector_load %arg15[%get3A_196, %get3A_197] {strides = array<i32>} : memref<64x16xf32, #tpu.memory_space<vmem>>, vector<1x16xf32>,
        %get3A_199 = vector.shape_cast %get3A_198 : vector<1x16xf32> to vector<16xf32>
        %get3A_200 = arith.index_cast %add3A_195 : i32 to index
        %get3A_201 = arith.constant 0 : index
        %get3A_202 = tpu.vector_load %arg17[%get3A_200, %get3A_201] {strides = array<i32>} : memref<64x16xf32, #tpu.memory_space<vmem>>, vector<1x16xf32>,
        %get3A_203 = vector.shape_cast %get3A_202 : vector<1x16xf32> to vector<16xf32>
        %add3A_204 = arith.addf %get3A_199, %get3A_203 : vector<16xf32>
        %get3A_205 = arith.index_cast %add3A_195 : i32 to index
        %get3A_206 = arith.constant 0 : index
        %get3A_207 = tpu.vector_load %arg19[%get3A_205, %get3A_206] {strides = array<i32>} : memref<64x16xf32, #tpu.memory_space<vmem>>, vector<1x16xf32>,
        %get3A_208 = vector.shape_cast %get3A_207 : vector<1x16xf32> to vector<16xf32>
        %add3A_209 = arith.addf %add3A_204, %get3A_208 : vector<16xf32>
        %ge3A_210 = arith.constant 0.000000e+00 : f32
        %ge3A_211 = vector.broadcast %ge3A_210 : f32 to vector<16xf32>
        %ge3A_212 = arith.cmpf oge, %add3A_209, %ge3A_211 : vector<16xf32>
        %mul3A_213 = arith.constant 2.000000e-01 : f32
        %mul3A_214 = vector.broadcast %mul3A_213 : f32 to vector<16xf32>
        %mul3A_215 = arith.mulf %mul3A_214, %add3A_209 : vector<16xf32>
        %select_n3A_216 = arith.select %ge3A_212, %add3A_209, %mul3A_215 : vector<16xi1>, vector<16xf32>
        %exp3A_217 = math.exp %select_n3A_216 : vector<16xf32>
        %eq3A_218 = arith.constant 8 : i32
        %eq3A_219 = vector.broadcast %eq3A_218 : i32 to vector<16xi32>
        %eq3A_220 = arith.cmpi eq, %iota3A, %eq3A_219 : vector<16xi32>
        %broadcast_in_dim3A_221 = arith.constant 0.000000e+00 : f32
        %broadcast_in_dim3A_222 = vector.broadcast %broadcast_in_dim3A_221 : f32 to vector<16xf32>
        %select_n3A_223 = arith.select %eq3A_220, %exp3A_217, %broadcast_in_dim3A_222 : vector<16xi1>, vector<16xf32>
        %slice3A_224 = vector.extract_strided_slice %exp3A_217 {offsets = [8], sizes = [1], strides = [1]} : vector<16xf32> to vector<1xf32>
        %squeeze3A_225 = vector.extract %slice3A_224[0] : f32 from vector<1xf32>
        %broadcast_in_dim3A_226 = vector.broadcast %squeeze3A_225 : f32 to vector<16xf32>
        %swap3A_227 = arith.index_cast %add3A_195 : i32 to index
        %swap3A_228 = arith.constant 128 : index
        %swap3A_229 = tpu.vector_load %arg22[%swap3A_227, %swap3A_228] {strides = array<i32>} : memref<64x144xf32, #tpu.memory_space<vmem>>, vector<1x16xf32>,
        %swap3A_230 = vector.shape_cast %swap3A_229 : vector<1x16xf32> to vector<16xf32>
        %swap3A_231 = vector.shape_cast %select_n3A_223 : vector<16xf32> to vector<1x16xf32>
        tpu.vector_store %arg22[%swap3A_227, %swap3A_228], %swap3A_231 {strides = array<i32>} : memref<64x144xf32, #tpu.memory_space<vmem>>, vector<1x16xf32>,
        %get3A_232 = arith.index_cast %add3A_195 : i32 to index
        %get3A_233 = arith.constant 0 : index
        %get3A_234 = tpu.vector_load %arg21[%get3A_232, %get3A_233] {strides = array<i32>} : memref<64x128xf32, #tpu.memory_space<vmem>>, vector<1x16xf32>,
        %get3A_235 = vector.shape_cast %get3A_234 : vector<1x16xf32> to vector<16xf32>
        %mul3A_236 = arith.mulf %get3A_235, %broadcast_in_dim3A_226 : vector<16xf32>
        %swap3A_237 = arith.index_cast %add3A_195 : i32 to index
        %swap3A_238 = arith.constant 0 : index
        %swap3A_239 = tpu.vector_load %arg22[%swap3A_237, %swap3A_238] {strides = array<i32>} : memref<64x144xf32, #tpu.memory_space<vmem>>, vector<1x16xf32>,
        %swap3A_240 = vector.shape_cast %swap3A_239 : vector<1x16xf32> to vector<16xf32>
        %swap3A_241 = vector.shape_cast %mul3A_236 : vector<16xf32> to vector<1x16xf32>
        tpu.vector_store %arg22[%swap3A_237, %swap3A_238], %swap3A_241 {strides = array<i32>} : memref<64x144xf32, #tpu.memory_space<vmem>>, vector<1x16xf32>,
        %get3A_242 = arith.index_cast %add3A_195 : i32 to index
        %get3A_243 = arith.constant 16 : index
        %get3A_244 = tpu.vector_load %arg21[%get3A_242, %get3A_243] {strides = array<i32>} : memref<64x128xf32, #tpu.memory_space<vmem>>, vector<1x16xf32>,
        %get3A_245 = vector.shape_cast %get3A_244 : vector<1x16xf32> to vector<16xf32>
        %mul3A_246 = arith.mulf %get3A_245, %broadcast_in_dim3A_226 : vector<16xf32>
        %swap3A_247 = arith.index_cast %add3A_195 : i32 to index
        %swap3A_248 = arith.constant 16 : index
        %swap3A_249 = tpu.vector_load %arg22[%swap3A_247, %swap3A_248] {strides = array<i32>} : memref<64x144xf32, #tpu.memory_space<vmem>>, vector<1x16xf32>,
        %swap3A_250 = vector.shape_cast %swap3A_249 : vector<1x16xf32> to vector<16xf32>
        %swap3A_251 = vector.shape_cast %mul3A_246 : vector<16xf32> to vector<1x16xf32>
        tpu.vector_store %arg22[%swap3A_247, %swap3A_248], %swap3A_251 {strides = array<i32>} : memref<64x144xf32, #tpu.memory_space<vmem>>, vector<1x16xf32>,
        %get3A_252 = arith.index_cast %add3A_195 : i32 to index
        %get3A_253 = arith.constant 32 : index
        %get3A_254 = tpu.vector_load %arg21[%get3A_252, %get3A_253] {strides = array<i32>} : memref<64x128xf32, #tpu.memory_space<vmem>>, vector<1x16xf32>,
        %get3A_255 = vector.shape_cast %get3A_254 : vector<1x16xf32> to vector<16xf32>
        %mul3A_256 = arith.mulf %get3A_255, %broadcast_in_dim3A_226 : vector<16xf32>
        %swap3A_257 = arith.index_cast %add3A_195 : i32 to index
        %swap3A_258 = arith.constant 32 : index
        %swap3A_259 = tpu.vector_load %arg22[%swap3A_257, %swap3A_258] {strides = array<i32>} : memref<64x144xf32, #tpu.memory_space<vmem>>, vector<1x16xf32>,
        %swap3A_260 = vector.shape_cast %swap3A_259 : vector<1x16xf32> to vector<16xf32>
        %swap3A_261 = vector.shape_cast %mul3A_256 : vector<16xf32> to vector<1x16xf32>
        tpu.vector_store %arg22[%swap3A_257, %swap3A_258], %swap3A_261 {strides = array<i32>} : memref<64x144xf32, #tpu.memory_space<vmem>>, vector<1x16xf32>,
        %get3A_262 = arith.index_cast %add3A_195 : i32 to index
        %get3A_263 = arith.constant 48 : index
        %get3A_264 = tpu.vector_load %arg21[%get3A_262, %get3A_263] {strides = array<i32>} : memref<64x128xf32, #tpu.memory_space<vmem>>, vector<1x16xf32>,
        %get3A_265 = vector.shape_cast %get3A_264 : vector<1x16xf32> to vector<16xf32>
        %mul3A_266 = arith.mulf %get3A_265, %broadcast_in_dim3A_226 : vector<16xf32>
        %swap3A_267 = arith.index_cast %add3A_195 : i32 to index
        %swap3A_268 = arith.constant 48 : index
        %swap3A_269 = tpu.vector_load %arg22[%swap3A_267, %swap3A_268] {strides = array<i32>} : memref<64x144xf32, #tpu.memory_space<vmem>>, vector<1x16xf32>,
        %swap3A_270 = vector.shape_cast %swap3A_269 : vector<1x16xf32> to vector<16xf32>
        %swap3A_271 = vector.shape_cast %mul3A_266 : vector<16xf32> to vector<1x16xf32>
        tpu.vector_store %arg22[%swap3A_267, %swap3A_268], %swap3A_271 {strides = array<i32>} : memref<64x144xf32, #tpu.memory_space<vmem>>, vector<1x16xf32>,
        %get3A_272 = arith.index_cast %add3A_195 : i32 to index
        %get3A_273 = arith.constant 64 : index
        %get3A_274 = tpu.vector_load %arg21[%get3A_272, %get3A_273] {strides = array<i32>} : memref<64x128xf32, #tpu.memory_space<vmem>>, vector<1x16xf32>,
        %get3A_275 = vector.shape_cast %get3A_274 : vector<1x16xf32> to vector<16xf32>
        %mul3A_276 = arith.mulf %get3A_275, %broadcast_in_dim3A_226 : vector<16xf32>
        %swap3A_277 = arith.index_cast %add3A_195 : i32 to index
        %swap3A_278 = arith.constant 64 : index
        %swap3A_279 = tpu.vector_load %arg22[%swap3A_277, %swap3A_278] {strides = array<i32>} : memref<64x144xf32, #tpu.memory_space<vmem>>, vector<1x16xf32>,
        %swap3A_280 = vector.shape_cast %swap3A_279 : vector<1x16xf32> to vector<16xf32>
        %swap3A_281 = vector.shape_cast %mul3A_276 : vector<16xf32> to vector<1x16xf32>
        tpu.vector_store %arg22[%swap3A_277, %swap3A_278], %swap3A_281 {strides = array<i32>} : memref<64x144xf32, #tpu.memory_space<vmem>>, vector<1x16xf32>,
        %get3A_282 = arith.index_cast %add3A_195 : i32 to index
        %get3A_283 = arith.constant 80 : index
        %get3A_284 = tpu.vector_load %arg21[%get3A_282, %get3A_283] {strides = array<i32>} : memref<64x128xf32, #tpu.memory_space<vmem>>, vector<1x16xf32>,
        %get3A_285 = vector.shape_cast %get3A_284 : vector<1x16xf32> to vector<16xf32>
        %mul3A_286 = arith.mulf %get3A_285, %broadcast_in_dim3A_226 : vector<16xf32>
        %swap3A_287 = arith.index_cast %add3A_195 : i32 to index
        %swap3A_288 = arith.constant 80 : index
        %swap3A_289 = tpu.vector_load %arg22[%swap3A_287, %swap3A_288] {strides = array<i32>} : memref<64x144xf32, #tpu.memory_space<vmem>>, vector<1x16xf32>,
        %swap3A_290 = vector.shape_cast %swap3A_289 : vector<1x16xf32> to vector<16xf32>
        %swap3A_291 = vector.shape_cast %mul3A_286 : vector<16xf32> to vector<1x16xf32>
        tpu.vector_store %arg22[%swap3A_287, %swap3A_288], %swap3A_291 {strides = array<i32>} : memref<64x144xf32, #tpu.memory_space<vmem>>, vector<1x16xf32>,
        %get3A_292 = arith.index_cast %add3A_195 : i32 to index
        %get3A_293 = arith.constant 96 : index
        %get3A_294 = tpu.vector_load %arg21[%get3A_292, %get3A_293] {strides = array<i32>} : memref<64x128xf32, #tpu.memory_space<vmem>>, vector<1x16xf32>,
        %get3A_295 = vector.shape_cast %get3A_294 : vector<1x16xf32> to vector<16xf32>
        %mul3A_296 = arith.mulf %get3A_295, %broadcast_in_dim3A_226 : vector<16xf32>
        %swap3A_297 = arith.index_cast %add3A_195 : i32 to index
        %swap3A_298 = arith.constant 96 : index
        %swap3A_299 = tpu.vector_load %arg22[%swap3A_297, %swap3A_298] {strides = array<i32>} : memref<64x144xf32, #tpu.memory_space<vmem>>, vector<1x16xf32>,
        %swap3A_300 = vector.shape_cast %swap3A_299 : vector<1x16xf32> to vector<16xf32>
        %swap3A_301 = vector.shape_cast %mul3A_296 : vector<16xf32> to vector<1x16xf32>
        tpu.vector_store %arg22[%swap3A_297, %swap3A_298], %swap3A_301 {strides = array<i32>} : memref<64x144xf32, #tpu.memory_space<vmem>>, vector<1x16xf32>,
        %get3A_302 = arith.index_cast %add3A_195 : i32 to index
        %get3A_303 = arith.constant 112 : index
        %get3A_304 = tpu.vector_load %arg21[%get3A_302, %get3A_303] {strides = array<i32>} : memref<64x128xf32, #tpu.memory_space<vmem>>, vector<1x16xf32>,
        %get3A_305 = vector.shape_cast %get3A_304 : vector<1x16xf32> to vector<16xf32>
        %mul3A_306 = arith.mulf %get3A_305, %broadcast_in_dim3A_226 : vector<16xf32>
        %swap3A_307 = arith.index_cast %add3A_195 : i32 to index
        %swap3A_308 = arith.constant 112 : index
        %swap3A_309 = tpu.vector_load %arg22[%swap3A_307, %swap3A_308] {strides = array<i32>} : memref<64x144xf32, #tpu.memory_space<vmem>>, vector<1x16xf32>,
        %swap3A_310 = vector.shape_cast %swap3A_309 : vector<1x16xf32> to vector<16xf32>
        %swap3A_311 = vector.shape_cast %mul3A_306 : vector<16xf32> to vector<1x16xf32>
        tpu.vector_store %arg22[%swap3A_307, %swap3A_308], %swap3A_311 {strides = array<i32>} : memref<64x144xf32, #tpu.memory_space<vmem>>, vector<1x16xf32>,
      }
      %scan3A_81 = arith.constant 32 : i32
      "tpu.region"() ({
        %run_scoped3A = tpu.sem_alloc : memref<!tpu.dma_semaphore, #tpu.memory_space<semaphore_mem>>
        %dma_start3A_82 = arith.constant 0 : i32
        %dma_start3A_83 = arith.constant 0 : i32
        %dma_start3A_84 = tpu.memref_slice %arg23[%dma_start3A_82, %dma_start3A_83] : memref<10112x144xf32, #tpu.memory_space<vmem_shared>> -> memref<10112x144xf32, #tpu.memory_space<vmem_shared>>
        tpu.enqueue_indirect_dma source(%arg22 : memref<64x144xf32, #tpu.memory_space<vmem>>) target(%dma_start3A_84 : memref<10112x144xf32, #tpu.memory_space<vmem_shared>>) offsets(%arg13 : memref<64xi32, #tpu.memory_space<vmem>>) semaphore(%run_scoped3A : memref<!tpu.dma_semaphore, #tpu.memory_space<semaphore_mem>>) {add = true}
        %dma_wait3A_85 = arith.constant 0 : i32
        %dma_wait3A_86 = arith.constant 0 : i32
        %dma_wait3A_87 = tpu.memref_slice %arg23[%dma_wait3A_85, %dma_wait3A_86] : memref<10112x144xf32, #tpu.memory_space<vmem_shared>> -> memref<10112x144xf32, #tpu.memory_space<vmem_shared>>
        tpu.wait_indirect_dma semaphore(%run_scoped3A : memref<!tpu.dma_semaphore, #tpu.memory_space<semaphore_mem>>) src(%arg22 : memref<64x144xf32, #tpu.memory_space<vmem>>) dst(%dma_wait3A_87 : memref<10112x144xf32, #tpu.memory_space<vmem_shared>>)
        tpu.yield
      }) : () -> ()
    }
    %scan3A_20 = arith.constant 79 : i32
    %barrier3A_21 = arith.constant 0 : index
    tpu.barrier barrier_id(%barrier3A_21)
    %mul3A_22 = arith.constant 632 : i32
    %mul3A_23 = arith.muli %arg1, %mul3A_22 : i32
    %mul3A_24 = arith.constant 632 : i32
    %mul3A_25 = arith.muli %arg1, %mul3A_24 : i32
    "tpu.region"() ({
      %run_scoped3A = tpu.sem_alloc : memref<!tpu.dma_semaphore, #tpu.memory_space<semaphore_mem>>
      %dma_start3A_26 = arith.constant 0 : i32
      %dma_start3A_27 = arith.constant 0 : i32
      %dma_start3A_28 = tpu.memref_slice %arg9[%arg0, %dma_start3A_26, %dma_start3A_27] : memref<2x10112x144xf32, #tpu.memory_space<hbm>> -> memref<1x10112x144xf32, #tpu.memory_space<hbm>>
      %dma_start3A_29 = tpu.memref_squeeze %dma_start3A_28 : memref<1x10112x144xf32, #tpu.memory_space<hbm>> -> memref<10112x144xf32, #tpu.memory_space<hbm>>
      %dma_start3A_30 = arith.constant 0 : i32
      %dma_start3A_31 = tpu.memref_slice %dma_start3A_29[%mul3A_25, %dma_start3A_30] : memref<10112x144xf32, #tpu.memory_space<hbm>> -> memref<632x144xf32, #tpu.memory_space<hbm>>
      %dma_start3A_32 = arith.constant 0 : i32
      %dma_start3A_33 = tpu.memref_slice %arg23[%mul3A_23, %dma_start3A_32] : memref<10112x144xf32, #tpu.memory_space<vmem_shared>> -> memref<632x144xf32, #tpu.memory_space<vmem_shared>>
      tpu.enqueue_dma source(%dma_start3A_33 : memref<632x144xf32, #tpu.memory_space<vmem_shared>>) target(%dma_start3A_31 : memref<632x144xf32, #tpu.memory_space<hbm>>) target_semaphore(%run_scoped3A : memref<!tpu.dma_semaphore, #tpu.memory_space<semaphore_mem>>)
      %dma_wait3A = arith.constant 0 : i32
      %dma_wait3A_34 = arith.constant 0 : i32
      %dma_wait3A_35 = tpu.memref_slice %arg9[%arg0, %dma_wait3A, %dma_wait3A_34] : memref<2x10112x144xf32, #tpu.memory_space<hbm>> -> memref<1x10112x144xf32, #tpu.memory_space<hbm>>
      %dma_wait3A_36 = tpu.memref_squeeze %dma_wait3A_35 : memref<1x10112x144xf32, #tpu.memory_space<hbm>> -> memref<10112x144xf32, #tpu.memory_space<hbm>>
      %dma_wait3A_37 = arith.constant 0 : i32
      %dma_wait3A_38 = tpu.memref_slice %dma_wait3A_36[%mul3A_25, %dma_wait3A_37] : memref<10112x144xf32, #tpu.memory_space<hbm>> -> memref<632x144xf32, #tpu.memory_space<hbm>>
      %dma_wait3A_39 = arith.constant 0 : i32
      %dma_wait3A_40 = tpu.memref_slice %arg23[%mul3A_23, %dma_wait3A_39] : memref<10112x144xf32, #tpu.memory_space<vmem_shared>> -> memref<632x144xf32, #tpu.memory_space<vmem_shared>>
      tpu.wait_dma2 semaphore(%run_scoped3A : memref<!tpu.dma_semaphore, #tpu.memory_space<semaphore_mem>>) src(%dma_wait3A_40 : memref<632x144xf32, #tpu.memory_space<vmem_shared>>) dst(%dma_wait3A_38 : memref<632x144xf32, #tpu.memory_space<hbm>>)
      tpu.yield
    }) : () -> ()
    return
  }
}

module attributes {stable_mosaic.version = 14 : i64} {
  func.func @_edge_body(%arg0: i32, %arg1: memref<2048x16xf32, #tpu.memory_space<vmem>>, %arg2: memref<16x128xf32, #tpu.memory_space<vmem>>, %arg3: memref<128x4xf32, #tpu.memory_space<vmem>>, %arg4: memref<16x128xf32, #tpu.memory_space<vmem>>, %arg5: memref<128x1xf32, #tpu.memory_space<vmem>>, %arg6: memref<2048x16xf32, #tpu.memory_space<vmem>>) attributes {dimension_semantics = [#tpu.dimension_semantics<arbitrary>], iteration_bounds = array<i64: 158>, scalar_prefetch = 0 : i64, scratch_operands = 0 : i64, tpu.core_type = #tpu.core_type<tc>, window_params = [{transform_indices = @transform_0, window_bounds = array<i64: 2048, 16>}, {pipeline_mode = #tpu.pipeline_mode<synchronous>, transform_indices = @transform_1, window_bounds = array<i64: 16, 128>}, {pipeline_mode = #tpu.pipeline_mode<synchronous>, transform_indices = @transform_2, window_bounds = array<i64: 128, 4>}, {pipeline_mode = #tpu.pipeline_mode<synchronous>, transform_indices = @transform_3, window_bounds = array<i64: 16, 128>}, {pipeline_mode = #tpu.pipeline_mode<synchronous>, transform_indices = @transform_4, window_bounds = array<i64: 128, 1>}, {transform_indices = @transform_5, window_bounds = array<i64: 2048, 16>}]} {
    %get3A = arith.constant 0 : index
    %get3A_0 = arith.constant 0 : index
    %get3A_1 = vector.load %arg2[%get3A, %get3A_0] : memref<16x128xf32, #tpu.memory_space<vmem>>, vector<16x128xf32>
    %get3A_2 = arith.constant 0 : index
    %get3A_3 = arith.constant 0 : index
    %get3A_4 = vector.load %arg3[%get3A_2, %get3A_3] : memref<128x4xf32, #tpu.memory_space<vmem>>, vector<128x4xf32>
    %dot_general3A = arith.constant dense<0.000000e+00> : vector<16x4xf32>
    %dot_general3A_5 = tpu.matmul %get3A_1, %get3A_4, %dot_general3A {dimension_numbers = #tpu.dot_dimension_numbers<[1], [0], [0], [1], [0, 0, 1, 1], [], []>, transpose_lhs_hint = false} : vector<16x128xf32>, vector<128x4xf32>, vector<16x4xf32> -> vector<16x4xf32>
    %get3A_6 = arith.constant 0 : index
    %get3A_7 = arith.constant 0 : index
    %get3A_8 = vector.load %arg4[%get3A_6, %get3A_7] : memref<16x128xf32, #tpu.memory_space<vmem>>, vector<16x128xf32>
    %get3A_9 = arith.constant 0 : index
    %get3A_10 = arith.constant 0 : index
    %get3A_11 = vector.load %arg5[%get3A_9, %get3A_10] : memref<128x1xf32, #tpu.memory_space<vmem>>, vector<128x1xf32>
    %dot_general3A_12 = arith.constant dense<0.000000e+00> : vector<16x1xf32>
    %dot_general3A_13 = tpu.matmul %get3A_8, %get3A_11, %dot_general3A_12 {dimension_numbers = #tpu.dot_dimension_numbers<[1], [0], [0], [1], [0, 0, 1, 1], [], []>, transpose_lhs_hint = false} : vector<16x128xf32>, vector<128x1xf32>, vector<16x1xf32> -> vector<16x1xf32>
    %get3A_14 = arith.constant 0 : index
    %get3A_15 = arith.constant 0 : index
    %get3A_16 = vector.load %arg1[%get3A_14, %get3A_15] : memref<2048x16xf32, #tpu.memory_space<vmem>>, vector<2048x16xf32>
    %dot_general3A_17 = arith.constant dense<0.000000e+00> : vector<2048x4xf32>
    %dot_general3A_18 = tpu.matmul %get3A_16, %dot_general3A_5, %dot_general3A_17 {dimension_numbers = #tpu.dot_dimension_numbers<[1], [0], [0], [1], [0, 0, 1, 1], [], []>, transpose_lhs_hint = false} : vector<2048x16xf32>, vector<16x4xf32>, vector<2048x4xf32> -> vector<2048x4xf32>
    %dot_general3A_19 = arith.constant dense<0.000000e+00> : vector<2048x1xf32>
    %dot_general3A_20 = tpu.matmul %get3A_16, %dot_general3A_13, %dot_general3A_19 {dimension_numbers = #tpu.dot_dimension_numbers<[1], [0], [0], [1], [0, 0, 1, 1], [], []>, transpose_lhs_hint = false} : vector<2048x16xf32>, vector<16x1xf32>, vector<2048x1xf32> -> vector<2048x1xf32>
    %broadcast_in_dim3A = arith.constant 1.000000e+00 : f32
    %broadcast_in_dim3A_21 = vector.broadcast %broadcast_in_dim3A : f32 to vector<2048x1xf32>
    %broadcast_in_dim3A_22 = arith.constant 0.000000e+00 : f32
    %broadcast_in_dim3A_23 = vector.broadcast %broadcast_in_dim3A_22 : f32 to vector<2048x6xf32>
    %concatenate3A = tpu.concatenate %dot_general3A_18, %dot_general3A_18, %dot_general3A_20, %broadcast_in_dim3A_21, %broadcast_in_dim3A_23 in 1 : vector<2048x4xf32>, vector<2048x4xf32>, vector<2048x1xf32>, vector<2048x1xf32>, vector<2048x6xf32> -> vector<2048x16xf32>
    %swap3A = arith.constant 0 : index
    %swap3A_24 = arith.constant 0 : index
    %swap3A_25 = vector.load %arg6[%swap3A, %swap3A_24] : memref<2048x16xf32, #tpu.memory_space<vmem>>, vector<2048x16xf32>
    tpu.vector_store %arg6[%swap3A, %swap3A_24], %concatenate3A {strides = array<i32>} : memref<2048x16xf32, #tpu.memory_space<vmem>>, vector<2048x16xf32>,
    return
  }
  func.func @transform_0(%arg0: i32) -> (i32, i32) {
    %c0_i32 = arith.constant 0 : i32
    %c0_i32_0 = arith.constant 0 : i32
    return %arg0, %c0_i32 : i32, i32
  }
  func.func @transform_1(%arg0: i32) -> (i32, i32) {
    %c0_i32 = arith.constant 0 : i32
    %c0_i32_0 = arith.constant 0 : i32
    %c0_i32_1 = arith.constant 0 : i32
    return %c0_i32, %c0_i32_0 : i32, i32
  }
  func.func @transform_2(%arg0: i32) -> (i32, i32) {
    %c0_i32 = arith.constant 0 : i32
    %c0_i32_0 = arith.constant 0 : i32
    %c0_i32_1 = arith.constant 0 : i32
    return %c0_i32, %c0_i32_0 : i32, i32
  }
  func.func @transform_3(%arg0: i32) -> (i32, i32) {
    %c0_i32 = arith.constant 0 : i32
    %c0_i32_0 = arith.constant 0 : i32
    %c0_i32_1 = arith.constant 0 : i32
    return %c0_i32, %c0_i32_0 : i32, i32
  }
  func.func @transform_4(%arg0: i32) -> (i32, i32) {
    %c0_i32 = arith.constant 0 : i32
    %c0_i32_0 = arith.constant 0 : i32
    %c0_i32_1 = arith.constant 0 : i32
    return %c0_i32, %c0_i32_0 : i32, i32
  }
  func.func @transform_5(%arg0: i32) -> (i32, i32) {
    %c0_i32 = arith.constant 0 : i32
    %c0_i32_0 = arith.constant 0 : i32
    return %arg0, %c0_i32 : i32, i32
  }
}

module attributes {stable_mosaic.version = 14 : i64} {
  func.func @_node1_body(%arg0: i32, %arg1: memref<1000x128xf32, #tpu.memory_space<vmem>>, %arg2: memref<128x128xf32, #tpu.memory_space<vmem>>, %arg3: memref<128x4xf32, #tpu.memory_space<vmem>>, %arg4: memref<128x4xf32, #tpu.memory_space<vmem>>, %arg5: memref<1000x128xf32, #tpu.memory_space<vmem>>, %arg6: memref<1000x16xf32, #tpu.memory_space<vmem>>, %arg7: memref<1000x16xf32, #tpu.memory_space<vmem>>) attributes {dimension_semantics = [#tpu.dimension_semantics<arbitrary>], iteration_bounds = array<i64: 10>, scalar_prefetch = 0 : i64, scratch_operands = 0 : i64, tpu.core_type = #tpu.core_type<tc>, window_params = [{transform_indices = @transform_0, window_bounds = array<i64: 1000, 128>}, {pipeline_mode = #tpu.pipeline_mode<synchronous>, transform_indices = @transform_1, window_bounds = array<i64: 128, 128>}, {pipeline_mode = #tpu.pipeline_mode<synchronous>, transform_indices = @transform_2, window_bounds = array<i64: 128, 4>}, {pipeline_mode = #tpu.pipeline_mode<synchronous>, transform_indices = @transform_3, window_bounds = array<i64: 128, 4>}, {transform_indices = @transform_4, window_bounds = array<i64: 1000, 128>}, {transform_indices = @transform_5, window_bounds = array<i64: 1000, 16>}, {transform_indices = @transform_6, window_bounds = array<i64: 1000, 16>}]} {
    %get3A = arith.constant 0 : index
    %get3A_0 = arith.constant 0 : index
    %get3A_1 = vector.load %arg1[%get3A, %get3A_0] : memref<1000x128xf32, #tpu.memory_space<vmem>>, vector<1000x128xf32>
    %get3A_2 = arith.constant 0 : index
    %get3A_3 = arith.constant 0 : index
    %get3A_4 = vector.load %arg2[%get3A_2, %get3A_3] : memref<128x128xf32, #tpu.memory_space<vmem>>, vector<128x128xf32>
    %dot_general3A = arith.constant dense<0.000000e+00> : vector<1000x128xf32>
    %dot_general3A_5 = tpu.matmul %get3A_1, %get3A_4, %dot_general3A {dimension_numbers = #tpu.dot_dimension_numbers<[1], [0], [0], [1], [0, 0, 1, 1], [], []>, transpose_lhs_hint = false} : vector<1000x128xf32>, vector<128x128xf32>, vector<1000x128xf32> -> vector<1000x128xf32>
    %swap3A = arith.constant 0 : index
    %swap3A_6 = arith.constant 0 : index
    %swap3A_7 = vector.load %arg5[%swap3A, %swap3A_6] : memref<1000x128xf32, #tpu.memory_space<vmem>>, vector<1000x128xf32>
    tpu.vector_store %arg5[%swap3A, %swap3A_6], %dot_general3A_5 {strides = array<i32>} : memref<1000x128xf32, #tpu.memory_space<vmem>>, vector<1000x128xf32>,
    %get3A_8 = arith.constant 0 : index
    %get3A_9 = arith.constant 0 : index
    %get3A_10 = vector.load %arg3[%get3A_8, %get3A_9] : memref<128x4xf32, #tpu.memory_space<vmem>>, vector<128x4xf32>
    %dot_general3A_11 = arith.constant dense<0.000000e+00> : vector<1000x4xf32>
    %dot_general3A_12 = tpu.matmul %dot_general3A_5, %get3A_10, %dot_general3A_11 {dimension_numbers = #tpu.dot_dimension_numbers<[1], [0], [0], [1], [0, 0, 1, 1], [], []>, transpose_lhs_hint = false} : vector<1000x128xf32>, vector<128x4xf32>, vector<1000x4xf32> -> vector<1000x4xf32>
    %get3A_13 = arith.constant 0 : index
    %get3A_14 = arith.constant 0 : index
    %get3A_15 = vector.load %arg4[%get3A_13, %get3A_14] : memref<128x4xf32, #tpu.memory_space<vmem>>, vector<128x4xf32>
    %dot_general3A_16 = arith.constant dense<0.000000e+00> : vector<1000x4xf32>
    %dot_general3A_17 = tpu.matmul %dot_general3A_5, %get3A_15, %dot_general3A_16 {dimension_numbers = #tpu.dot_dimension_numbers<[1], [0], [0], [1], [0, 0, 1, 1], [], []>, transpose_lhs_hint = false} : vector<1000x128xf32>, vector<128x4xf32>, vector<1000x4xf32> -> vector<1000x4xf32>
    %broadcast_in_dim3A = arith.constant 0.000000e+00 : f32
    %broadcast_in_dim3A_18 = vector.broadcast %broadcast_in_dim3A : f32 to vector<1000x12xf32>
    %concatenate3A = tpu.concatenate %dot_general3A_12, %broadcast_in_dim3A_18 in 1 : vector<1000x4xf32>, vector<1000x12xf32> -> vector<1000x16xf32>
    %swap3A_19 = arith.constant 0 : index
    %swap3A_20 = arith.constant 0 : index
    %swap3A_21 = vector.load %arg6[%swap3A_19, %swap3A_20] : memref<1000x16xf32, #tpu.memory_space<vmem>>, vector<1000x16xf32>
    tpu.vector_store %arg6[%swap3A_19, %swap3A_20], %concatenate3A {strides = array<i32>} : memref<1000x16xf32, #tpu.memory_space<vmem>>, vector<1000x16xf32>,
    %concatenate3A_22 = tpu.concatenate %dot_general3A_17, %broadcast_in_dim3A_18 in 1 : vector<1000x4xf32>, vector<1000x12xf32> -> vector<1000x16xf32>
    %swap3A_23 = arith.constant 0 : index
    %swap3A_24 = arith.constant 0 : index
    %swap3A_25 = vector.load %arg7[%swap3A_23, %swap3A_24] : memref<1000x16xf32, #tpu.memory_space<vmem>>, vector<1000x16xf32>
    tpu.vector_store %arg7[%swap3A_23, %swap3A_24], %concatenate3A_22 {strides = array<i32>} : memref<1000x16xf32, #tpu.memory_space<vmem>>, vector<1000x16xf32>,
    return
  }
  func.func @transform_0(%arg0: i32) -> (i32, i32) {
    %c0_i32 = arith.constant 0 : i32
    %c0_i32_0 = arith.constant 0 : i32
    return %arg0, %c0_i32 : i32, i32
  }
  func.func @transform_1(%arg0: i32) -> (i32, i32) {
    %c0_i32 = arith.constant 0 : i32
    %c0_i32_0 = arith.constant 0 : i32
    %c0_i32_1 = arith.constant 0 : i32
    return %c0_i32, %c0_i32_0 : i32, i32
  }
  func.func @transform_2(%arg0: i32) -> (i32, i32) {
    %c0_i32 = arith.constant 0 : i32
    %c0_i32_0 = arith.constant 0 : i32
    %c0_i32_1 = arith.constant 0 : i32
    return %c0_i32, %c0_i32_0 : i32, i32
  }
  func.func @transform_3(%arg0: i32) -> (i32, i32) {
    %c0_i32 = arith.constant 0 : i32
    %c0_i32_0 = arith.constant 0 : i32
    %c0_i32_1 = arith.constant 0 : i32
    return %c0_i32, %c0_i32_0 : i32, i32
  }
  func.func @transform_4(%arg0: i32) -> (i32, i32) {
    %c0_i32 = arith.constant 0 : i32
    %c0_i32_0 = arith.constant 0 : i32
    return %arg0, %c0_i32 : i32, i32
  }
  func.func @transform_5(%arg0: i32) -> (i32, i32) {
    %c0_i32 = arith.constant 0 : i32
    %c0_i32_0 = arith.constant 0 : i32
    return %arg0, %c0_i32 : i32, i32
  }
  func.func @transform_6(%arg0: i32) -> (i32, i32) {
    %c0_i32 = arith.constant 0 : i32
    %c0_i32_0 = arith.constant 0 : i32
    return %arg0, %c0_i32 : i32, i32
  }
}

module attributes {stable_mosaic.version = 14 : i64} {
  func.func @_mid_body(%arg0: i32, %arg1: memref<1000x144xf32, #tpu.memory_space<vmem>>, %arg2: memref<1000x144xf32, #tpu.memory_space<vmem>>, %arg3: memref<1000x128xf32, #tpu.memory_space<vmem>>, %arg4: memref<1000x16xf32, #tpu.memory_space<vmem>>, %arg5: memref<1000x16xf32, #tpu.memory_space<vmem>>, %arg6: memref<128x128xf32, #tpu.memory_space<vmem>>, %arg7: memref<128x1xf32, #tpu.memory_space<vmem>>, %arg8: memref<128x1xf32, #tpu.memory_space<vmem>>, %arg9: memref<1x128xf32, #tpu.memory_space<vmem>>, %arg10: memref<1000x128xf32, #tpu.memory_space<vmem>>, %arg11: memref<1000x16xf32, #tpu.memory_space<vmem>>, %arg12: memref<1000x16xf32, #tpu.memory_space<vmem>>, %arg13: memref<1000x16xf32, #tpu.memory_space<vmem>>) attributes {dimension_semantics = [#tpu.dimension_semantics<arbitrary>], iteration_bounds = array<i64: 10>, scalar_prefetch = 0 : i64, scratch_operands = 0 : i64, tpu.core_type = #tpu.core_type<tc>, window_params = [{transform_indices = @transform_0, window_bounds = array<i64: 1000, 144>}, {transform_indices = @transform_1, window_bounds = array<i64: 1000, 144>}, {transform_indices = @transform_2, window_bounds = array<i64: 1000, 128>}, {transform_indices = @transform_3, window_bounds = array<i64: 1000, 16>}, {transform_indices = @transform_4, window_bounds = array<i64: 1000, 16>}, {pipeline_mode = #tpu.pipeline_mode<synchronous>, transform_indices = @transform_5, window_bounds = array<i64: 128, 128>}, {pipeline_mode = #tpu.pipeline_mode<synchronous>, transform_indices = @transform_6, window_bounds = array<i64: 128, 1>}, {pipeline_mode = #tpu.pipeline_mode<synchronous>, transform_indices = @transform_7, window_bounds = array<i64: 128, 1>}, {pipeline_mode = #tpu.pipeline_mode<synchronous>, transform_indices = @transform_8, window_bounds = array<i64: 1, 128>}, {transform_indices = @transform_9, window_bounds = array<i64: 1000, 128>}, {transform_indices = @transform_10, window_bounds = array<i64: 1000, 16>}, {transform_indices = @transform_11, window_bounds = array<i64: 1000, 16>}, {transform_indices = @transform_12, window_bounds = array<i64: 1000, 16>}]} {
    %get3A = arith.constant 0 : index
    %get3A_0 = arith.constant 0 : index
    %get3A_1 = vector.load %arg1[%get3A, %get3A_0] : memref<1000x144xf32, #tpu.memory_space<vmem>>, vector<1000x144xf32>
    %get3A_2 = arith.constant 0 : index
    %get3A_3 = arith.constant 0 : index
    %get3A_4 = vector.load %arg2[%get3A_2, %get3A_3] : memref<1000x144xf32, #tpu.memory_space<vmem>>, vector<1000x144xf32>
    %add3A = arith.addf %get3A_1, %get3A_4 : vector<1000x144xf32>
    %slice3A = vector.extract_strided_slice %add3A {offsets = [0, 128], sizes = [1000, 4], strides = [1, 1]} : vector<1000x144xf32> to vector<1000x4xf32>
    %slice3A_5 = vector.extract_strided_slice %add3A {offsets = [0, 132], sizes = [1000, 4], strides = [1, 1]} : vector<1000x144xf32> to vector<1000x4xf32>
    %slice3A_6 = vector.extract_strided_slice %add3A {offsets = [0, 136], sizes = [1000, 1], strides = [1, 1]} : vector<1000x144xf32> to vector<1000x1xf32>
    %slice3A_7 = vector.extract_strided_slice %add3A {offsets = [0, 137], sizes = [1000, 1], strides = [1, 1]} : vector<1000x144xf32> to vector<1000x1xf32>
    %max3A = arith.constant 1.000000e+00 : f32
    %max3A_8 = vector.broadcast %max3A : f32 to vector<1000x1xf32>
    %max3A_9 = arith.maximumf %slice3A_7, %max3A_8 : vector<1000x1xf32>
    %get3A_10 = arith.constant 0 : index
    %get3A_11 = arith.constant 0 : index
    %get3A_12 = vector.load %arg4[%get3A_10, %get3A_11] : memref<1000x16xf32, #tpu.memory_space<vmem>>, vector<1000x16xf32>
    %slice3A_13 = vector.extract_strided_slice %get3A_12 {offsets = [0, 0], sizes = [1000, 4], strides = [1, 1]} : vector<1000x16xf32> to vector<1000x4xf32>
    %get3A_14 = arith.constant 0 : index
    %get3A_15 = arith.constant 0 : index
    %get3A_16 = vector.load %arg5[%get3A_14, %get3A_15] : memref<1000x16xf32, #tpu.memory_space<vmem>>, vector<1000x16xf32>
    %slice3A_17 = vector.extract_strided_slice %get3A_16 {offsets = [0, 0], sizes = [1000, 4], strides = [1, 1]} : vector<1000x16xf32> to vector<1000x4xf32>
    %add3A_18 = arith.addf %slice3A_13, %slice3A_17 : vector<1000x4xf32>
    %div3A = vector.broadcast %max3A_9 : vector<1000x1xf32> to vector<1000x4xf32>
    %div3A_19 = arith.divf %slice3A_5, %div3A : vector<1000x4xf32>
    %add3A_20 = arith.addf %add3A_18, %div3A_19 : vector<1000x4xf32>
    %ge3A = arith.constant 0.000000e+00 : f32
    %ge3A_21 = vector.broadcast %ge3A : f32 to vector<1000x4xf32>
    %ge3A_22 = arith.cmpf oge, %add3A_20, %ge3A_21 : vector<1000x4xf32>
    %mul3A = arith.constant 2.000000e-01 : f32
    %mul3A_23 = vector.broadcast %mul3A : f32 to vector<1000x4xf32>
    %mul3A_24 = arith.mulf %mul3A_23, %add3A_20 : vector<1000x4xf32>
    %select_n3A = arith.select %ge3A_22, %add3A_20, %mul3A_24 : vector<1000x4xi1>, vector<1000x4xf32>
    %exp3A = math.exp %select_n3A : vector<1000x4xf32>
    %add3A_25 = arith.addf %slice3A, %exp3A : vector<1000x4xf32>
    %add3A_26 = arith.constant 1.000000e-16 : f32
    %add3A_27 = vector.broadcast %add3A_26 : f32 to vector<1000x4xf32>
    %add3A_28 = arith.addf %add3A_25, %add3A_27 : vector<1000x4xf32>
    %get3A_29 = arith.constant 0 : index
    %get3A_30 = arith.constant 0 : index
    %get3A_31 = vector.load %arg3[%get3A_29, %get3A_30] : memref<1000x128xf32, #tpu.memory_space<vmem>>, vector<1000x128xf32>
    %slice3A_32 = vector.extract_strided_slice %add3A {offsets = [0, 0], sizes = [1000, 32], strides = [1, 1]} : vector<1000x144xf32> to vector<1000x32xf32>
    %slice3A_33 = vector.extract_strided_slice %exp3A {offsets = [0, 0], sizes = [1000, 1], strides = [1, 1]} : vector<1000x4xf32> to vector<1000x1xf32>
    %slice3A_34 = vector.extract_strided_slice %get3A_31 {offsets = [0, 0], sizes = [1000, 32], strides = [1, 1]} : vector<1000x128xf32> to vector<1000x32xf32>
    %mul3A_35 = vector.broadcast %slice3A_33 : vector<1000x1xf32> to vector<1000x32xf32>
    %mul3A_36 = arith.mulf %mul3A_35, %slice3A_34 : vector<1000x32xf32>
    %add3A_37 = arith.addf %slice3A_32, %mul3A_36 : vector<1000x32xf32>
    %slice3A_38 = vector.extract_strided_slice %add3A_28 {offsets = [0, 0], sizes = [1000, 1], strides = [1, 1]} : vector<1000x4xf32> to vector<1000x1xf32>
    %div3A_39 = vector.broadcast %slice3A_38 : vector<1000x1xf32> to vector<1000x32xf32>
    %div3A_40 = arith.divf %add3A_37, %div3A_39 : vector<1000x32xf32>
    %slice3A_41 = vector.extract_strided_slice %add3A {offsets = [0, 32], sizes = [1000, 32], strides = [1, 1]} : vector<1000x144xf32> to vector<1000x32xf32>
    %slice3A_42 = vector.extract_strided_slice %exp3A {offsets = [0, 1], sizes = [1000, 1], strides = [1, 1]} : vector<1000x4xf32> to vector<1000x1xf32>
    %slice3A_43 = vector.extract_strided_slice %get3A_31 {offsets = [0, 32], sizes = [1000, 32], strides = [1, 1]} : vector<1000x128xf32> to vector<1000x32xf32>
    %mul3A_44 = vector.broadcast %slice3A_42 : vector<1000x1xf32> to vector<1000x32xf32>
    %mul3A_45 = arith.mulf %mul3A_44, %slice3A_43 : vector<1000x32xf32>
    %add3A_46 = arith.addf %slice3A_41, %mul3A_45 : vector<1000x32xf32>
    %slice3A_47 = vector.extract_strided_slice %add3A_28 {offsets = [0, 1], sizes = [1000, 1], strides = [1, 1]} : vector<1000x4xf32> to vector<1000x1xf32>
    %div3A_48 = vector.broadcast %slice3A_47 : vector<1000x1xf32> to vector<1000x32xf32>
    %div3A_49 = arith.divf %add3A_46, %div3A_48 : vector<1000x32xf32>
    %slice3A_50 = vector.extract_strided_slice %add3A {offsets = [0, 64], sizes = [1000, 32], strides = [1, 1]} : vector<1000x144xf32> to vector<1000x32xf32>
    %slice3A_51 = vector.extract_strided_slice %exp3A {offsets = [0, 2], sizes = [1000, 1], strides = [1, 1]} : vector<1000x4xf32> to vector<1000x1xf32>
    %slice3A_52 = vector.extract_strided_slice %get3A_31 {offsets = [0, 64], sizes = [1000, 32], strides = [1, 1]} : vector<1000x128xf32> to vector<1000x32xf32>
    %mul3A_53 = vector.broadcast %slice3A_51 : vector<1000x1xf32> to vector<1000x32xf32>
    %mul3A_54 = arith.mulf %mul3A_53, %slice3A_52 : vector<1000x32xf32>
    %add3A_55 = arith.addf %slice3A_50, %mul3A_54 : vector<1000x32xf32>
    %slice3A_56 = vector.extract_strided_slice %add3A_28 {offsets = [0, 2], sizes = [1000, 1], strides = [1, 1]} : vector<1000x4xf32> to vector<1000x1xf32>
    %div3A_57 = vector.broadcast %slice3A_56 : vector<1000x1xf32> to vector<1000x32xf32>
    %div3A_58 = arith.divf %add3A_55, %div3A_57 : vector<1000x32xf32>
    %slice3A_59 = vector.extract_strided_slice %add3A {offsets = [0, 96], sizes = [1000, 32], strides = [1, 1]} : vector<1000x144xf32> to vector<1000x32xf32>
    %slice3A_60 = vector.extract_strided_slice %exp3A {offsets = [0, 3], sizes = [1000, 1], strides = [1, 1]} : vector<1000x4xf32> to vector<1000x1xf32>
    %slice3A_61 = vector.extract_strided_slice %get3A_31 {offsets = [0, 96], sizes = [1000, 32], strides = [1, 1]} : vector<1000x128xf32> to vector<1000x32xf32>
    %mul3A_62 = vector.broadcast %slice3A_60 : vector<1000x1xf32> to vector<1000x32xf32>
    %mul3A_63 = arith.mulf %mul3A_62, %slice3A_61 : vector<1000x32xf32>
    %add3A_64 = arith.addf %slice3A_59, %mul3A_63 : vector<1000x32xf32>
    %slice3A_65 = vector.extract_strided_slice %add3A_28 {offsets = [0, 3], sizes = [1000, 1], strides = [1, 1]} : vector<1000x4xf32> to vector<1000x1xf32>
    %div3A_66 = vector.broadcast %slice3A_65 : vector<1000x1xf32> to vector<1000x32xf32>
    %div3A_67 = arith.divf %add3A_64, %div3A_66 : vector<1000x32xf32>
    %concatenate3A = tpu.concatenate %div3A_40, %div3A_49, %div3A_58, %div3A_67 in 1 : vector<1000x32xf32>, vector<1000x32xf32>, vector<1000x32xf32>, vector<1000x32xf32> -> vector<1000x128xf32>
    %get3A_68 = arith.constant 0 : index
    %get3A_69 = arith.constant 0 : index
    %get3A_70 = vector.load %arg9[%get3A_68, %get3A_69] : memref<1x128xf32, #tpu.memory_space<vmem>>, vector<1x128xf32>
    %add3A_71 = vector.broadcast %get3A_70 : vector<1x128xf32> to vector<1000x128xf32>
    %add3A_72 = arith.addf %concatenate3A, %add3A_71 : vector<1000x128xf32>
    %max3A_73 = arith.constant 0.000000e+00 : f32
    %max3A_74 = vector.broadcast %max3A_73 : f32 to vector<1000x128xf32>
    %max3A_75 = arith.maximumf %add3A_72, %max3A_74 : vector<1000x128xf32>
    %get3A_76 = arith.constant 0 : index
    %get3A_77 = arith.constant 0 : index
    %get3A_78 = vector.load %arg6[%get3A_76, %get3A_77] : memref<128x128xf32, #tpu.memory_space<vmem>>, vector<128x128xf32>
    %dot_general3A = arith.constant dense<0.000000e+00> : vector<1000x128xf32>
    %dot_general3A_79 = tpu.matmul %max3A_75, %get3A_78, %dot_general3A {dimension_numbers = #tpu.dot_dimension_numbers<[1], [0], [0], [1], [0, 0, 1, 1], [], []>, transpose_lhs_hint = false} : vector<1000x128xf32>, vector<128x128xf32>, vector<1000x128xf32> -> vector<1000x128xf32>
    %swap3A = arith.constant 0 : index
    %swap3A_80 = arith.constant 0 : index
    %swap3A_81 = vector.load %arg10[%swap3A, %swap3A_80] : memref<1000x128xf32, #tpu.memory_space<vmem>>, vector<1000x128xf32>
    tpu.vector_store %arg10[%swap3A, %swap3A_80], %dot_general3A_79 {strides = array<i32>} : memref<1000x128xf32, #tpu.memory_space<vmem>>, vector<1000x128xf32>,
    %get3A_82 = arith.constant 0 : index
    %get3A_83 = arith.constant 0 : index
    %get3A_84 = vector.load %arg7[%get3A_82, %get3A_83] : memref<128x1xf32, #tpu.memory_space<vmem>>, vector<128x1xf32>
    %dot_general3A_85 = arith.constant dense<0.000000e+00> : vector<1000x1xf32>
    %dot_general3A_86 = tpu.matmul %dot_general3A_79, %get3A_84, %dot_general3A_85 {dimension_numbers = #tpu.dot_dimension_numbers<[1], [0], [0], [1], [0, 0, 1, 1], [], []>, transpose_lhs_hint = false} : vector<1000x128xf32>, vector<128x1xf32>, vector<1000x1xf32> -> vector<1000x1xf32>
    %get3A_87 = arith.constant 0 : index
    %get3A_88 = arith.constant 0 : index
    %get3A_89 = vector.load %arg8[%get3A_87, %get3A_88] : memref<128x1xf32, #tpu.memory_space<vmem>>, vector<128x1xf32>
    %dot_general3A_90 = arith.constant dense<0.000000e+00> : vector<1000x1xf32>
    %dot_general3A_91 = tpu.matmul %dot_general3A_79, %get3A_89, %dot_general3A_90 {dimension_numbers = #tpu.dot_dimension_numbers<[1], [0], [0], [1], [0, 0, 1, 1], [], []>, transpose_lhs_hint = false} : vector<1000x128xf32>, vector<128x1xf32>, vector<1000x1xf32> -> vector<1000x1xf32>
    %add3A_92 = arith.addf %dot_general3A_86, %dot_general3A_91 : vector<1000x1xf32>
    %div3A_93 = arith.divf %slice3A_6, %max3A_9 : vector<1000x1xf32>
    %add3A_94 = arith.addf %add3A_92, %div3A_93 : vector<1000x1xf32>
    %ge3A_95 = arith.constant 0.000000e+00 : f32
    %ge3A_96 = vector.broadcast %ge3A_95 : f32 to vector<1000x1xf32>
    %ge3A_97 = arith.cmpf oge, %add3A_94, %ge3A_96 : vector<1000x1xf32>
    %mul3A_98 = arith.constant 2.000000e-01 : f32
    %mul3A_99 = vector.broadcast %mul3A_98 : f32 to vector<1000x1xf32>
    %mul3A_100 = arith.mulf %mul3A_99, %add3A_94 : vector<1000x1xf32>
    %select_n3A_101 = arith.select %ge3A_97, %add3A_94, %mul3A_100 : vector<1000x1xi1>, vector<1000x1xf32>
    %exp3A_102 = math.exp %select_n3A_101 : vector<1000x1xf32>
    %broadcast_in_dim3A = arith.constant 0.000000e+00 : f32
    %broadcast_in_dim3A_103 = vector.broadcast %broadcast_in_dim3A : f32 to vector<1000x8xf32>
    %broadcast_in_dim3A_104 = arith.constant 0.000000e+00 : f32
    %broadcast_in_dim3A_105 = vector.broadcast %broadcast_in_dim3A_104 : f32 to vector<1000x7xf32>
    %concatenate3A_106 = tpu.concatenate %broadcast_in_dim3A_103, %dot_general3A_86, %broadcast_in_dim3A_105 in 1 : vector<1000x8xf32>, vector<1000x1xf32>, vector<1000x7xf32> -> vector<1000x16xf32>
    %swap3A_107 = arith.constant 0 : index
    %swap3A_108 = arith.constant 0 : index
    %swap3A_109 = vector.load %arg11[%swap3A_107, %swap3A_108] : memref<1000x16xf32, #tpu.memory_space<vmem>>, vector<1000x16xf32>
    tpu.vector_store %arg11[%swap3A_107, %swap3A_108], %concatenate3A_106 {strides = array<i32>} : memref<1000x16xf32, #tpu.memory_space<vmem>>, vector<1000x16xf32>,
    %concatenate3A_110 = tpu.concatenate %broadcast_in_dim3A_103, %dot_general3A_91, %broadcast_in_dim3A_105 in 1 : vector<1000x8xf32>, vector<1000x1xf32>, vector<1000x7xf32> -> vector<1000x16xf32>
    %swap3A_111 = arith.constant 0 : index
    %swap3A_112 = arith.constant 0 : index
    %swap3A_113 = vector.load %arg12[%swap3A_111, %swap3A_112] : memref<1000x16xf32, #tpu.memory_space<vmem>>, vector<1000x16xf32>
    tpu.vector_store %arg12[%swap3A_111, %swap3A_112], %concatenate3A_110 {strides = array<i32>} : memref<1000x16xf32, #tpu.memory_space<vmem>>, vector<1000x16xf32>,
    %concatenate3A_114 = tpu.concatenate %exp3A_102, %broadcast_in_dim3A_103, %broadcast_in_dim3A_105 in 1 : vector<1000x1xf32>, vector<1000x8xf32>, vector<1000x7xf32> -> vector<1000x16xf32>
    %swap3A_115 = arith.constant 0 : index
    %swap3A_116 = arith.constant 0 : index
    %swap3A_117 = vector.load %arg13[%swap3A_115, %swap3A_116] : memref<1000x16xf32, #tpu.memory_space<vmem>>, vector<1000x16xf32>
    tpu.vector_store %arg13[%swap3A_115, %swap3A_116], %concatenate3A_114 {strides = array<i32>} : memref<1000x16xf32, #tpu.memory_space<vmem>>, vector<1000x16xf32>,
    return
  }
  func.func @transform_0(%arg0: i32) -> (i32, i32) {
    %c0_i32 = arith.constant 0 : i32
    %c0_i32_0 = arith.constant 0 : i32
    return %arg0, %c0_i32 : i32, i32
  }
  func.func @transform_1(%arg0: i32) -> (i32, i32) {
    %c0_i32 = arith.constant 0 : i32
    %c0_i32_0 = arith.constant 0 : i32
    return %arg0, %c0_i32 : i32, i32
  }
  func.func @transform_2(%arg0: i32) -> (i32, i32) {
    %c0_i32 = arith.constant 0 : i32
    %c0_i32_0 = arith.constant 0 : i32
    return %arg0, %c0_i32 : i32, i32
  }
  func.func @transform_3(%arg0: i32) -> (i32, i32) {
    %c0_i32 = arith.constant 0 : i32
    %c0_i32_0 = arith.constant 0 : i32
    return %arg0, %c0_i32 : i32, i32
  }
  func.func @transform_4(%arg0: i32) -> (i32, i32) {
    %c0_i32 = arith.constant 0 : i32
    %c0_i32_0 = arith.constant 0 : i32
    return %arg0, %c0_i32 : i32, i32
  }
  func.func @transform_5(%arg0: i32) -> (i32, i32) {
    %c0_i32 = arith.constant 0 : i32
    %c0_i32_0 = arith.constant 0 : i32
    %c0_i32_1 = arith.constant 0 : i32
    return %c0_i32, %c0_i32_0 : i32, i32
  }
  func.func @transform_6(%arg0: i32) -> (i32, i32) {
    %c0_i32 = arith.constant 0 : i32
    %c0_i32_0 = arith.constant 0 : i32
    %c0_i32_1 = arith.constant 0 : i32
    return %c0_i32, %c0_i32_0 : i32, i32
  }
  func.func @transform_7(%arg0: i32) -> (i32, i32) {
    %c0_i32 = arith.constant 0 : i32
    %c0_i32_0 = arith.constant 0 : i32
    %c0_i32_1 = arith.constant 0 : i32
    return %c0_i32, %c0_i32_0 : i32, i32
  }
  func.func @transform_8(%arg0: i32) -> (i32, i32) {
    %c0_i32 = arith.constant 0 : i32
    %c0_i32_0 = arith.constant 0 : i32
    %c0_i32_1 = arith.constant 0 : i32
    return %c0_i32, %c0_i32_0 : i32, i32
  }
  func.func @transform_9(%arg0: i32) -> (i32, i32) {
    %c0_i32 = arith.constant 0 : i32
    %c0_i32_0 = arith.constant 0 : i32
    return %arg0, %c0_i32 : i32, i32
  }
  func.func @transform_10(%arg0: i32) -> (i32, i32) {
    %c0_i32 = arith.constant 0 : i32
    %c0_i32_0 = arith.constant 0 : i32
    return %arg0, %c0_i32 : i32, i32
  }
  func.func @transform_11(%arg0: i32) -> (i32, i32) {
    %c0_i32 = arith.constant 0 : i32
    %c0_i32_0 = arith.constant 0 : i32
    return %arg0, %c0_i32 : i32, i32
  }
  func.func @transform_12(%arg0: i32) -> (i32, i32) {
    %c0_i32 = arith.constant 0 : i32
    %c0_i32_0 = arith.constant 0 : i32
    return %arg0, %c0_i32 : i32, i32
  }
}

module attributes {stable_mosaic.version = 14 : i64} {
  func.func @_final_body(%arg0: i32, %arg1: memref<1000x144xf32, #tpu.memory_space<vmem>>, %arg2: memref<1000x144xf32, #tpu.memory_space<vmem>>, %arg3: memref<1000x128xf32, #tpu.memory_space<vmem>>, %arg4: memref<1000x16xf32, #tpu.memory_space<vmem>>, %arg5: memref<1x128xf32, #tpu.memory_space<vmem>>, %arg6: memref<1000x128xf32, #tpu.memory_space<vmem>>) attributes {dimension_semantics = [#tpu.dimension_semantics<arbitrary>], iteration_bounds = array<i64: 10>, scalar_prefetch = 0 : i64, scratch_operands = 0 : i64, tpu.core_type = #tpu.core_type<tc>, window_params = [{transform_indices = @transform_0, window_bounds = array<i64: 1000, 144>}, {transform_indices = @transform_1, window_bounds = array<i64: 1000, 144>}, {transform_indices = @transform_2, window_bounds = array<i64: 1000, 128>}, {transform_indices = @transform_3, window_bounds = array<i64: 1000, 16>}, {pipeline_mode = #tpu.pipeline_mode<synchronous>, transform_indices = @transform_4, window_bounds = array<i64: 1, 128>}, {transform_indices = @transform_5, window_bounds = array<i64: 1000, 128>}]} {
    %get3A = arith.constant 0 : index
    %get3A_0 = arith.constant 0 : index
    %get3A_1 = vector.load %arg1[%get3A, %get3A_0] : memref<1000x144xf32, #tpu.memory_space<vmem>>, vector<1000x144xf32>
    %get3A_2 = arith.constant 0 : index
    %get3A_3 = arith.constant 0 : index
    %get3A_4 = vector.load %arg2[%get3A_2, %get3A_3] : memref<1000x144xf32, #tpu.memory_space<vmem>>, vector<1000x144xf32>
    %add3A = arith.addf %get3A_1, %get3A_4 : vector<1000x144xf32>
    %slice3A = vector.extract_strided_slice %add3A {offsets = [0, 136], sizes = [1000, 1], strides = [1, 1]} : vector<1000x144xf32> to vector<1000x1xf32>
    %get3A_5 = arith.constant 0 : index
    %get3A_6 = arith.constant 0 : index
    %get3A_7 = vector.load %arg4[%get3A_5, %get3A_6] : memref<1000x16xf32, #tpu.memory_space<vmem>>, vector<1000x16xf32>
    %slice3A_8 = vector.extract_strided_slice %get3A_7 {offsets = [0, 0], sizes = [1000, 1], strides = [1, 1]} : vector<1000x16xf32> to vector<1000x1xf32>
    %get3A_9 = arith.constant 0 : index
    %get3A_10 = arith.constant 0 : index
    %get3A_11 = vector.load %arg3[%get3A_9, %get3A_10] : memref<1000x128xf32, #tpu.memory_space<vmem>>, vector<1000x128xf32>
    %slice3A_12 = vector.extract_strided_slice %add3A {offsets = [0, 0], sizes = [1000, 128], strides = [1, 1]} : vector<1000x144xf32> to vector<1000x128xf32>
    %mul3A = vector.broadcast %slice3A_8 : vector<1000x1xf32> to vector<1000x128xf32>
    %mul3A_13 = arith.mulf %mul3A, %get3A_11 : vector<1000x128xf32>
    %add3A_14 = arith.addf %slice3A_12, %mul3A_13 : vector<1000x128xf32>
    %add3A_15 = arith.addf %slice3A, %slice3A_8 : vector<1000x1xf32>
    %add3A_16 = arith.constant 1.000000e-16 : f32
    %add3A_17 = vector.broadcast %add3A_16 : f32 to vector<1000x1xf32>
    %add3A_18 = arith.addf %add3A_15, %add3A_17 : vector<1000x1xf32>
    %div3A = vector.broadcast %add3A_18 : vector<1000x1xf32> to vector<1000x128xf32>
    %div3A_19 = arith.divf %add3A_14, %div3A : vector<1000x128xf32>
    %get3A_20 = arith.constant 0 : index
    %get3A_21 = arith.constant 0 : index
    %get3A_22 = vector.load %arg5[%get3A_20, %get3A_21] : memref<1x128xf32, #tpu.memory_space<vmem>>, vector<1x128xf32>
    %add3A_23 = vector.broadcast %get3A_22 : vector<1x128xf32> to vector<1000x128xf32>
    %add3A_24 = arith.addf %div3A_19, %add3A_23 : vector<1000x128xf32>
    %swap3A = arith.constant 0 : index
    %swap3A_25 = arith.constant 0 : index
    %swap3A_26 = vector.load %arg6[%swap3A, %swap3A_25] : memref<1000x128xf32, #tpu.memory_space<vmem>>, vector<1000x128xf32>
    tpu.vector_store %arg6[%swap3A, %swap3A_25], %add3A_24 {strides = array<i32>} : memref<1000x128xf32, #tpu.memory_space<vmem>>, vector<1000x128xf32>,
    return
  }
  func.func @transform_0(%arg0: i32) -> (i32, i32) {
    %c0_i32 = arith.constant 0 : i32
    %c0_i32_0 = arith.constant 0 : i32
    return %arg0, %c0_i32 : i32, i32
  }
  func.func @transform_1(%arg0: i32) -> (i32, i32) {
    %c0_i32 = arith.constant 0 : i32
    %c0_i32_0 = arith.constant 0 : i32
    return %arg0, %c0_i32 : i32, i32
  }
  func.func @transform_2(%arg0: i32) -> (i32, i32) {
    %c0_i32 = arith.constant 0 : i32
    %c0_i32_0 = arith.constant 0 : i32
    return %arg0, %c0_i32 : i32, i32
  }
  func.func @transform_3(%arg0: i32) -> (i32, i32) {
    %c0_i32 = arith.constant 0 : i32
    %c0_i32_0 = arith.constant 0 : i32
    return %arg0, %c0_i32 : i32, i32
  }
  func.func @transform_4(%arg0: i32) -> (i32, i32) {
    %c0_i32 = arith.constant 0 : i32
    %c0_i32_0 = arith.constant 0 : i32
    %c0_i32_1 = arith.constant 0 : i32
    return %c0_i32, %c0_i32_0 : i32, i32
  }
  func.func @transform_5(%arg0: i32) -> (i32, i32) {
    %c0_i32 = arith.constant 0 : i32
    %c0_i32_0 = arith.constant 0 : i32
    return %arg0, %c0_i32 : i32, i32
  }
}

</mosaic_0001>

<sc_bundles>
// kernel: kernel.11.cloned.1.call-start
scs
__scs_entry_jumppad:
0x0: {  	(pc) =	sbr.rel $0x88, $3  }
0x1: {  	(tag) =	ssettag $0x0;
	lr =	simm.s32 $0x1  }
0x2: {  	[smem:$0x3F92] =	sst lr;
	_ =	strace $0xD0000000  }
0x3: {  	_ = 	snop  }
0x4: {  	_ = 	snop  }
0x5: {  	_ = 	snop  }
0x6: {  	_ = 	snop  }
0x7: {  	_ = 	snop  }
__scs_overlays_trampoline_lowered:
0x8: {  	[smem:$0x3FA1] =	sst s0  }
0x9: {  	[smem:$0x3FA2] =	sst s1  }
0xa: {  	[smem:$0x3FA3] =	sst s2  }
0xb: {  	[smem:$0x3FA4] =	sst s3  }
0xc: {  	[smem:$0x3FA5] =	sst s4  }
0xd: {  	[smem:$0x3FA6] =	sst s5  }
0xe: {  	[smem:$0x3FA7] =	sst s6  }
0xf: {  	[smem:$0x3FA8] =	sst s7  }
0x10: {  	[smem:$0x3FA9] =	sst s8  }
0x11: {  	[smem:$0x3FAA] =	sst s9;
	s0 =	simm.s32 @!p0 $0x0  }
0x12: {  	s1 =	sld [smem:$0x3F90];
	s0 =	simm.s32 @p0 $0x1  }
0x13: {  	[smem:$0x3FAB] =	sst s0;
	s0 =	simm.s32 @!p1 $0x0  }
0x14: {  	s2 =	sld [smem:$0x3F8F];
	s0 =	simm.s32 @p1 $0x1  }
0x15: {  	[smem:$0x3FAC] =	sst s0;
	s0 =	simm.s32 @!p2 $0x0  }
0x16: {  	s3 =	sld [smem:$0x3FDB];
	s0 =	simm.s32 @p2 $0x1  }
0x17: {  	s4 =	simm.s32 $0x1BF5;
	[smem:$0x3FAE] =	sst s0  }
0x18: {  	s0 =	sld [smem:$0x3F91];
	_ =	swait.ge [sflag:s4], $0x0  }
0x19: {  	s7 =	sld [smem:$0x3F92]  }
0x1a: {  	s8 =	sadd.s32 $0xFFFFE003, lr  }
0x1b: {  	s9 =	sadd.s32 $0xFFFFFEF7, lr;
	s5 =	simm.s32 $0xFFFFFFFF;
	p2 =	slt.u32 s8, $0xFFFFF086  }
0x1c: {  	p1 =	slt.u32 s9, $0xF7A;
	s5 =	simm.s32 @!p2 $0x0  }
0x1d: {  	s5 =	simm.s32 @p1 $0x1;
	p0 =	seq.s32 s7, s2  }
0x1e: {  	s7 =	smul.u32 @!p0 $0xF7A, s2;
	p2 =	seq.s32 @!p0 s5, $0x0  }
0x1f: {  	s9 =	smul.u32 $0xF7A, s1;
	s8 =	simm.s32 @!p0 $0x1BF5;
	p2 =	por !p2, p0  }
0x20: {  	[sflag:s8] =	ssyncset.s32 @!p0 $0xFFFFF086;
	s6 =	sadd.s32 @!p0 s3, s7;
	s7 =	simm.s32 @!p0 $0x108  }
0x21: {  	s3 =	sadd.s32 s3, s9;
	s6 =	sadd.s32 @!p0 $0x88, s6;
	s7 =	simm.s32 @p2 $0x1082  }
0x22: {  	[simem:s7], [sflag:s8] =	dma.local @!p0 [hbm:s6], $0xF7A  }
0x23: {  	s9 =	sor.u32 $0xD0000000, s2;
	s6 =	simm.s32 $0x108;
	_ =	swait.ge @!p0 [sflag:s8], $0x0  }
0x24: {  	s3 =	sadd.s32 $0x88, s3;
	s6 =	simm.s32 @!p1 $0x1082;
	[sflag:s4] =	ssyncset.s32 $0xFFFFF086  }
0x25: {  	[simem:s6], [sflag:s4] =	dma.local [hbm:s3], $0xF7A  }
0x26: {  	[smem:$0x3F92] =	sst s1;
	(tag) =	ssettag s2;
	_ =	strace s9  }
0x27: {  	s1 =	sld [smem:$0x3FA2]  }
0x28: {  	s2 =	sld [smem:$0x3FA3]  }
0x29: {  	s4 =	sld [smem:$0x3FA5]  }
0x2a: {  	p0 =	seq.s32 s5, $0x0;
	s5 =	sld [smem:$0x3FA6]  }
0x2b: {  	s6 =	sld [smem:$0x3FA7]  }
0x2c: {  	s7 =	sld [smem:$0x3FA8]  }
0x2d: {  	s3 =	simm.s32 $0x108;
	s8 =	sld [smem:$0x3FA9]  }
0x2e: {  	s3 =	simm.s32 @!p0 $0x1082;
	s9 =	sld [smem:$0x3FAA]  }
0x2f: {  	lr =	sadd.s32 s0, s3;
	s0 =	sld [smem:$0x3FA1]  }
0x30: {  	s3 =	sld [smem:$0x3FA4]  }
0x31: {  	[smem:$0x3FAD] =	sst s10  }
0x32: {  	s10 =	sld [smem:$0x3FAB];
	_ =	sdelay $0x3  }
0x33: {  	p0 =	seq.s32 s10, $0x1;
	s10 =	sld [smem:$0x3FAD];
	_ =	sdelay $0x3  }
0x34: {  	[smem:$0x3FAD] =	sst s10  }
0x35: {  	s10 =	sld [smem:$0x3FAC];
	_ =	sdelay $0x3  }
0x36: {  	p1 =	seq.s32 s10, $0x1;
	s10 =	sld [smem:$0x3FAD];
	_ =	sdelay $0x3  }
0x37: {  	[smem:$0x3FAD] =	sst s10  }
0x38: {  	s10 =	sld [smem:$0x3FAE]  }
0x39: {  	_ = 	snop;
	(pc) =	sbr.ind lr, $3  }
0x3a: {  	_ = 	snop  }
0x3b: {  	_ = 	snop  }
0x3c: {  	p2 =	seq.s32 s10, $0x1;
	s10 =	sld [smem:$0x3FAD]  }
0x3d: {  	_ =	shalt  }
0x3e: {  	_ =	shalt  }
0x3f: {  	_ =	shalt  }
0x40: {  	_ =	shalt  }
0x41: {  	_ =	shalt  }
0x42: {  	_ =	shalt  }
0x43: {  	_ =	shalt  }
0x44: {  	_ =	shalt  }
0x45: {  	_ =	shalt  }
0x46: {  	_ =	shalt  }
0x47: {  	_ =	shalt  }
0x48: {  	_ =	shalt  }
0x49: {  	_ =	shalt  }
0x4a: {  	_ =	shalt  }
0x4b: {  	_ =	shalt  }
0x4c: {  	_ =	shalt  }
0x4d: {  	_ =	shalt  }
0x4e: {  	_ =	shalt  }
0x4f: {  	_ =	shalt  }
0x50: {  	_ =	shalt  }
0x51: {  	_ =	shalt  }
0x52: {  	_ =	shalt  }
0x53: {  	_ =	shalt  }
0x54: {  	_ =	shalt  }
0x55: {  	_ =	shalt  }
0x56: {  	_ =	shalt  }
0x57: {  	_ =	shalt  }
0x58: {  	_ =	shalt  }
0x59: {  	_ =	shalt  }
0x5a: {  	_ =	shalt  }
0x5b: {  	_ =	shalt  }
0x5c: {  	_ =	shalt  }
0x5d: {  	_ =	shalt  }
0x5e: {  	_ =	shalt  }
0x5f: {  	_ =	shalt  }
0x60: {  	_ =	shalt  }
0x61: {  	_ =	shalt  }
0x62: {  	_ =	shalt  }
0x63: {  	_ =	shalt  }
0x64: {  	_ =	shalt  }
0x65: {  	_ =	shalt  }
0x66: {  	_ =	shalt  }
0x67: {  	_ =	shalt  }
0x68: {  	_ =	shalt  }
0x69: {  	_ =	shalt  }
0x6a: {  	_ =	shalt  }
0x6b: {  	_ =	shalt  }
0x6c: {  	_ =	shalt  }
0x6d: {  	_ =	shalt  }
0x6e: {  	_ =	shalt  }
0x6f: {  	_ =	shalt  }
0x70: {  	_ =	shalt  }
0x71: {  	_ =	shalt  }
0x72: {  	_ =	shalt  }
0x73: {  	_ =	shalt  }
0x74: {  	_ =	shalt  }
0x75: {  	_ =	shalt  }
0x76: {  	_ =	shalt  }
0x77: {  	_ =	shalt  }
0x78: {  	_ =	shalt  }
0x79: {  	_ =	shalt  }
0x7a: {  	_ =	shalt  }
0x7b: {  	_ =	shalt  }
0x7c: {  	_ =	shalt  }
0x7d: {  	_ =	shalt  }
0x7e: {  	_ =	shalt  }
0x7f: {  	_ =	shalt  }
0x80: {  	_ =	shalt  }
0x81: {  	_ =	shalt  }
0x82: {  	_ =	shalt  }
0x83: {  	_ =	shalt  }
0x84: {  	_ =	shalt  }
0x85: {  	_ =	shalt  }
0x86: {  	_ =	shalt  }
0x87: {  	_ =	shalt  }
.Lfunc_end0:
.L_simem_size_0:
called_computation.1_lowered:
.L_overlay_start_0:
0x88: {  	s2 =	sld [smem:$0x3FD9]  }
0x89: {  	s3 =	sld [smem:$0x3FFE];
	_ =	sdelay $0x1  }
0x8a: {  	s1 =	srdreg.scid  }
0x8b: {  	s0 =	sand.u32 $0x1, s1  }
0x8c: {  	s17 =	sshll.u32 s0, $0xA;
	s2 =	sadd.s32 s3, s2  }
0x8d: {  	s2 =	sadd.s32 s2, s17  }
0x8e: {  	[smem:$0x3FB9] =	sst s2  }
0x8f: {  	_ = 	snop  }
0x90: {  	s2 =	sld [smem:$0x3FD0];
	(tm) =	ssettm $0x1  }
0x91: {  	s18 =	sld [smem:$0x3FFB];
	_ =	sdelay $0x3  }
0x92: {  	_ =	strace s18  }
0x93: {  	s3 =	sld [smem:$0x3FFC];
	_ =	sdelay $0x3  }
0x94: {  	_ =	strace s3  }
0x95: {  	s3 =	sld [smem:$0x3FFD];
	_ =	sdelay $0x3  }
0x96: {  	_ =	strace s3  }
0x97: {  	_ =	strace $0x8FFFFFFF  }
0x98: {  	s19 =	sld [smem:$0x3FDB];
	_ =	sdelay $0x1  }
0x99: {  	s4 =	simm.s32 $_scs_section_size  }
0x9a: {  	s5 =	simm.s32 $_size__tile_overlayer_lowered;
	s6 =	simm.s32 $_tile_overlayer_lowered  }
0x9b: {  	s22 =	simm.s32 $0x1BFF;
	s21 =	sshll.u32 s6, $0x1;
	s3 =	sadd.s32 s4, s19  }
0x9c: {  	s7 =	simm.s32 $0x0;
	s20 =	sshll.u32 s5, $0x1;
	s5 =	sadd.s32 s21, s3  }
0x9d: {  	[timem:s7], [sflag:s22] =	dma.local [hbm:s5], s20  }
0x9e: {  	_ =	swait.ge [sflag:s22], s20  }
0x9f: {  	s4 =	ssub.s32 $0x0, s20;
	[sflag:s22] =	ssyncset.done $0x0  }
0xa0: {  	[sflag:s22] =	ssyncadd.s32 s4;
	_ =	sdelay $0x1  }
0xa1: {  	s23 =	simm.s32 $0x1B8B  }
0xa2: {  	_ =	swait.ge [sflag:s23], $0x1  }
0xa3: {  	[sflag:s23] =	ssyncset.done $0x0  }
0xa4: {  	s25 =	simm.s32 $0x1B8E;
	s24 =	sld [smem:$0x3FFE];
	[sflag:s23] =	ssyncadd.s32 $0xFFFFFFFF  }
0xa5: {  	s26 =	simm.s32 $execute0_lowered;
	[smem:$0x3FD2] =	sst s25  }
0xa6: {  	s5 =	sshll.u32 s26, $0x1;
	_ =	strace $0x80000049;
	[dreg:$0x1] =	wrdreg $0xFFFFFFFF  }
0xa7: {  	s28 =	simm.s32 $_size_execute0_lowered;
	s3 =	sadd.s32 s3, s5;
	[dreg:$0x0] =	wrdreg $0x0  }
0xa8: {  	s5 =	sshll.u32 s28, $0x1;
	[dreg:$0x2] =	wrdreg s3  }
0xa9: {  	[dreg:$0x3] =	wrdreg s5  }
0xaa: {  	[dreg:$0x4] =	wrdreg $0xC0  }
0xab: {  	_ =	task [dreg:s7], $0x5FFFF  }
0xac: {  	[dreg:$0x1] =	wrdreg $0xFFFFFFFF  }
0xad: {  	[dreg:$0x0] =	wrdreg $0x60  }
0xae: {  	[dreg:$0x2] =	wrdreg s24  }
0xaf: {  	[dreg:$0x3] =	wrdreg s2  }
0xb0: {  	[dreg:$0x4] =	wrdreg $0x7D000  }
0xb1: {  	[dreg:$0x5] =	wrdreg $0x9  }
0xb2: {  	_ =	task.clear_ibuf [dreg:s7], $0x6FFFF;
	_ =	strace $0x90000049  }
0xb3: {  	s29 =	simm.s32 $0x9;
	_ =	strace $0x8000004B  }
0xb4: {  	_ =	swait.ge [sflag:s29], $0x1  }
0xb5: {  	[sflag:s29] =	ssyncadd.s32 $0xFFFFFFFF  }
0xb6: {  	_ =	strace $0x9000004B  }
0xb7: {  	_ =	sfence  }
0xb8: {  	s30 =	sld [smem:$0x0];
	_ =	sdelay $0x2  }
0xb9: {  	s31 =	sshll.u32 s1, $0xD;
	s1 =	sshrl.u32 s1, $0x2  }
0xba: {  	s3 =	sand.u32 $0x4000, s31;
	s1 =	sadd.s32 s1, s30  }
0xbb: {  	s0 =	sor.u32 s3, s0;
	s1 =	sshll.u32 s1, $0x11  }
0xbc: {  	s0 =	sor.u32 s1, s0  }
0xbd: {  	s0 =	sadd.s32 $0x8F2B, s0  }
0xbe: {  	[sflag:s0] =	ssyncadd.remote.s32 $0x1  }
0xbf: {  	_ =	sfence.sel $0xFFFF  }
0xc0: {  	[dreg:$0x0] =	wrdreg $0xFFFFFFFF;
	(pc) =	sbr.abs _section_cstart, $3  }
0xc1: {  	[dreg:$0x1] =	wrdreg $0xFFFFFFFF  }
0xc2: {  	_ =	task.clear_ibuf [dreg:s7], $0x2FFFF;
	_ =	strace $0x9FFFFFFF  }
0xc3: {  	(tm) =	ssettm $0x7FFFFFFF  }
tec
execute0_lowered:
.L_overlay_start_1:
0x0: {  	(tag) =	ssettag $0x1  }
0x1: {  	s0 =	rddreg [dreg:$0x0]  }
0x2: {  	s1 =	rddreg [dreg:$0x1]  }
0x3: {  	s2 =	rddreg [dreg:$0x2];
	s3 =	simm.s32 $0x0  }
0x4: {  	s16 =	stileid.u32;
	s4 =	srdreg.scid;
	s28 =	simm.s32 $0xC0  }
0x5: {  	s29 =	simm.s32 $0x1500;
	s30 =	simm.s32 $0x500;
	s31 =	simm.s32 $0xD00  }
0x6: {  	[smem:$0x7FF] =	sst s3;
	s5 =	sadd.s32 $0x10C400, s0;
	s6 =	sadd.s32 $0x2400, s0  }
0x7: {  	s7 =	sadd.s32 $0x16000, s0;
	s18 =	smul.u32 $0x16380, s16;
	s8 =	sadd.s32 $0xC200, s0  }
0x8: {  	s9 =	sadd.s32 $0x116200, s0;
	s4 =	sand.u32 $0x1, s4;
	s15 =	sshll.u32 s16, $0x1  }
0x9: {  	s20 =	sshll.u32 s16, $0x6;
	_ =	strace $0x8000004A;
	s11 =	smul.u32 $0x2C700, s4  }
0xa: {  	s12 =	ssub.s32 $0x2, s4;
	s4 =	sor.u32 s4, s15;
	s17 =	sor.u32 $0x1C07, s20  }
0xb: {  	s20 =	simm.s32 $0x80;
	s10 =	sshrl.u32 s18, $0x3;
	s14 =	sshrl.u32 s12, $0x1  }
0xc: {  	s3 =	sadd.s32 s18, s2;
	s21 =	sshll.u32 s4, $0x3;
	s24 =	sshll.u32 s4, $0x7  }
0xd: {  	s25 =	sshll.u32 s4, $0x6;
	s15 =	sor.u32 $0x20, s4;
	s4 =	simm.s32 $0x1  }
0xe: {  	[dreg:$0x5] =	wrdreg s17;
	s13 =	sadd.s32 s10, s0;
	s0 =	sadd.s32 s11, s0  }
0xf: {  	s19 =	ssub.s32 s12, s14;
	s22 =	sadd.s32 s5, s21;
	s23 =	sadd.s32 s6, s21  }
0x10: {  	s12 =	sadd.s32 s7, s24;
	s16 =	sor.u32 $0x1000, s25;
	[dreg:$0x6] =	wrdreg s22  }
0x11: {  	s11 =	sshrl.u32 s3, $0x3;
	s21 =	simm.s32 $0x3;
	[dreg:$0x7] =	wrdreg s23  }
0x12: {  	s25 =	simm.s32 $0x5900;
	s13 =	sadd.s32 $0x13DA00, s13;
	[dreg:$0x8] =	wrdreg s12  }
0x13: {  	s0 =	sadd.s32 $0x16A200, s0;
	s26 =	smax.u32 s19, $0x1;
	[dreg:$0xa] =	wrdreg s11  }
0x14: {  	s19 =	simm.s32 $0x7;
	s22 =	simm.s32 $0x40;
	[dreg:$0x4] =	wrdreg s13  }
0x15: {  	s23 =	simm.s32 $0x5;
	s12 =	simm.s32 $0x6;
	[dreg:$0x9] =	wrdreg s26  }
0x16: {  	s0 =	sadd.s32 s10, s0;
	s26 =	simm.s32 $0x2;
	s10 =	simm.s32 $0x4  }
0x17: {  	vm0 =	vcmask $0x1F24;
	s13 =	simm.s32 $0x0;
	[dreg:$0xb] =	wrdreg s0;
	s0 =	simm.s32 $0x3900  }
.LBB2_1:
0x18: {  	s3 =	rddreg [dreg:$0x4]  }
0x19: {  	[spmem:s11], [sflag:s17] =	dma.local [hbm:s3], $0x2C70  }
0x1a: {  	_ =	swait.ge [sflag:s19], $0x2C70  }
0x1b: {  	[sflag:s19] =	ssyncset.done $0x0  }
0x1c: {  	[sflag:s19] =	ssyncadd.s32 $0xFFFFD390  }
0x1d: {  	[bflag:$0x0] =	sbarrier.arrive $0xFFFF  }
0x1e: {  	s3 =	simm.s32 $0x0;
	s17 =	rddreg [dreg:$0x6]  }
0x1f: {  	[tilespmem:s3], [sflag:$0x7] =	stream.linear.gather [hbm4b:s17+s3], $0x40, $0x38;
	[tilespmem:$0x1E080] =	vst v63  }
0x20: {  	_ =	swait.ge [sflag:s19], $0x40  }
0x21: {  	[sflag:s19] =	ssyncset.done $0x0  }
0x22: {  	s18 =	rddreg [dreg:$0x7];
	[sflag:s19] =	ssyncadd.s32 $0xFFFFFFC0  }
0x23: {  	[tilespmem:s20], [sflag:$0x7] =	stream.linear.gather [hbm4b:s18+s3], $0x40, $0x38;
	[tilespmem:$0x1E080] =	vst v63  }
0x24: {  	_ =	swait.ge [sflag:s19], $0x40  }
0x25: {  	[sflag:s19] =	ssyncset.done $0x0  }
0x26: {  	s14 =	simm.s32 $0x1100;
	s24 =	rddreg [dreg:$0x8];
	[sflag:s19] =	ssyncadd.s32 $0xFFFFFFC0  }
0x27: {  	[tilespmem:s14], [sflag:$0x7] =	stream.linear.gather [hbm4b:s24+s3], $0x400, $0x38;
	[tilespmem:$0x1E080] =	vst v63  }
0x28: {  	_ =	swait.ge [sflag:s19], $0x400  }
0x29: {  	[sflag:s19] =	ssyncset.done $0x0  }
0x2a: {  	s17 =	simm.s32 $0x100;
	[sflag:s19] =	ssyncadd.s32 $0xFFFFFC00  }
0x2b: {  	[tilespmem:s17], [sflag:$0x1] =	stream.indirect.gather [hbm4b:s1+s22], $0x10, s3, s22, $0xb8;
	[tilespmem:$0x1E080] =	vst v63  }
0x2c: {  	s18 =	simm.s32 $0x900  }
0x2d: {  	[tilespmem:s18], [sflag:$0x3] =	stream.indirect.gather [hbm4b:s8+s22], $0x10, s20, s22, $0xb8;
	[tilespmem:$0x1E080] =	vst v63  }
0x2e: {  	s24 =	simm.s32 $0x1900;
	s14 =	simm.s32 $0x0  }
0x2f: {  	[tilespmem:s24], [sflag:$0x5] =	stream.indirect.gather [hbm4b:s9+s22], $0x80, s3, s22, $0xb8;
	[tilespmem:$0x1E080] =	vst v63  }
.LBB2_2:
0x30: {  	s3 =	sshll.u32 s14, $0x6  }
0x31: {  	s3 =	sor.u32 s15, s3  }
0x32: {  	s11 =	sshll.u32 s3, $0x3  }
0x33: {  	s11 =	sand.u32 $0x1FFFFFF8, s11  }
0x34: {  	s18 =	simm.s32 $0x0;
	s17 =	sadd.s32 s5, s11  }
0x35: {  	[tilespmem:s22], [sflag:$0x7] =	stream.linear.gather [hbm4b:s17+s18], $0x40, $0x38;
	[tilespmem:$0x1E080] =	vst v63  }
0x36: {  	_ =	swait.ge [sflag:s19], $0x40  }
0x37: {  	[sflag:s19] =	ssyncset.done $0x0  }
0x38: {  	s11 =	sadd.s32 s6, s11;
	[sflag:s19] =	ssyncadd.s32 $0xFFFFFFC0  }
0x39: {  	[tilespmem:s28], [sflag:$0x7] =	stream.linear.gather [hbm4b:s11+s18], $0x40, $0x38;
	[tilespmem:$0x1E080] =	vst v63  }
0x3a: {  	s3 =	sshll.u32 s3, $0x7;
	_ =	swait.ge [sflag:s19], $0x40  }
0x3b: {  	s3 =	sand.u32 $0x1FFFFF80, s3;
	[sflag:s19] =	ssyncset.done $0x0  }
0x3c: {  	s3 =	sadd.s32 s7, s3;
	[sflag:s19] =	ssyncadd.s32 $0xFFFFFFC0  }
0x3d: {  	[tilespmem:s29], [sflag:$0x7] =	stream.linear.gather [hbm4b:s3+s18], $0x400, $0x38;
	[tilespmem:$0x1E080] =	vst v63  }
0x3e: {  	_ =	swait.ge [sflag:s19], $0x400  }
0x3f: {  	[sflag:s19] =	ssyncset.done $0x0  }
0x40: {  	[sflag:s19] =	ssyncadd.s32 $0xFFFFFC00  }
0x41: {  	[tilespmem:s30], [sflag:$0x2] =	stream.indirect.gather [hbm4b:s1+s22], $0x10, s22, s22, $0xb8;
	[tilespmem:$0x1E080] =	vst v63  }
0x42: {  	_ = 	snop  }
0x43: {  	[tilespmem:s31], [sflag:$0x4] =	stream.indirect.gather [hbm4b:s8+s22], $0x10, s28, s22, $0xb8;
	[tilespmem:$0x1E080] =	vst v63  }
0x44: {  	_ = 	snop  }
0x45: {  	[tilespmem:s0], [sflag:$0x6] =	stream.indirect.gather [hbm4b:s9+s22], $0x80, s22, s22, $0xb8;
	[tilespmem:$0x1E080] =	vst v63  }
0x46: {  	_ =	swait.ge [sflag:s4], $0x400  }
0x47: {  	[sflag:s4] =	ssyncset.done $0x0  }
0x48: {  	[sflag:s4] =	ssyncadd.s32 $0xFFFFFC00  }
0x49: {  	_ =	swait.ge [sflag:s21], $0x400  }
0x4a: {  	[sflag:s21] =	ssyncset.done $0x0  }
0x4b: {  	[sflag:s21] =	ssyncadd.s32 $0xFFFFFC00  }
0x4c: {  	_ =	swait.ge [sflag:s23], $0x2000  }
0x4d: {  	[sflag:s23] =	ssyncset.done $0x0  }
0x4e: {  	s18 =	simm.s32 $0x0;
	[sflag:s23] =	ssyncadd.s32 $0xFFFFE000  }
0x4f: {  	v0 =	vld [tilespmem:s18+$0x100]  }
0x50: {  	v1 =	vld [tilespmem:s18+$0x900];
	_ =	sdelay $0x1  }
0x51: {  	v2 =	vld [tilespmem:s18+$0x1100];
	_ =	sdelay $0x2  }
0x52: {  	v0 =	vadd.f32 v1, v0;
	_ =	sdelay $0x1  }
0x53: {  	v0 =	vadd.f32 v2, v0;
	_ =	sdelay $0x1  }
0x54: {  	v1 =	vmul.f32 $2.000000030e-01, v0  }
0x55: {  	vm1 =	vge.f32 v0, $0.0e+00  }
0x56: {  	v0 =	vsel vm1, v0, v1  }
0x57: {  	v0 =	vmul.f32 $1.442695020e+00, v0;
	_ =	sdelay $0x1  }
0x58: {  	(erf) = vpow2.f32 v0;
	_ =	sdelay $0x8  }
0x59: {  	v0 =	vpop (erf)  }
0x5a: {  	s17 =	simm.s32 $0x5990;
	v1 =	vsel vm0, $0x0, v0  }
0x5b: {  	s24 =	simm.s32 $0x1980;
	[tilespmem:s17+$0xFFFFFFF0] =	vst v1  }
0x5c: {  	v1 =	vld [tilespmem:s24+$0xFFFFFF80];
	_ =	sdelay $0x2  }
0x5d: {  	v0 =	vbroadcast v0, $0x8;
	_ =	sdelay $0x1  }
0x5e: {  	v1 =	vmul.f32 v0, v1;
	_ =	sdelay $0x1  }
0x5f: {  	[tilespmem:s17+$0xFFFFFF70] =	vst v1  }
0x60: {  	v1 =	vld [tilespmem:s24+$0xFFFFFF90];
	_ =	sdelay $0x4  }
0x61: {  	v1 =	vmul.f32 v0, v1;
	_ =	sdelay $0x1  }
0x62: {  	[tilespmem:s17+$0xFFFFFF80] =	vst v1  }
0x63: {  	v1 =	vld [tilespmem:s24+$0xFFFFFFA0];
	_ =	sdelay $0x4  }
0x64: {  	v1 =	vmul.f32 v0, v1;
	_ =	sdelay $0x1  }
0x65: {  	[tilespmem:s17+$0xFFFFFF90] =	vst v1  }
0x66: {  	v1 =	vld [tilespmem:s24+$0xFFFFFFB0];
	_ =	sdelay $0x4  }
0x67: {  	v1 =	vmul.f32 v1, v0;
	_ =	sdelay $0x1  }
0x68: {  	[tilespmem:s17+$0xFFFFFFA0] =	vst v1  }
0x69: {  	v1 =	vld [tilespmem:s24+$0xFFFFFFC0];
	_ =	sdelay $0x4  }
0x6a: {  	v1 =	vmul.f32 v1, v0;
	_ =	sdelay $0x1  }
0x6b: {  	[tilespmem:s17+$0xFFFFFFB0] =	vst v1  }
0x6c: {  	v1 =	vld [tilespmem:s24+$0xFFFFFFD0];
	_ =	sdelay $0x4  }
0x6d: {  	v1 =	vmul.f32 v1, v0;
	_ =	sdelay $0x1  }
0x6e: {  	[tilespmem:s17+$0xFFFFFFC0] =	vst v1  }
0x6f: {  	v1 =	vld [tilespmem:s24+$0xFFFFFFE0];
	_ =	sdelay $0x4  }
0x70: {  	v1 =	vmul.f32 v1, v0;
	_ =	sdelay $0x1  }
0x71: {  	[tilespmem:s17+$0xFFFFFFD0] =	vst v1  }
0x72: {  	v1 =	vld [tilespmem:s24+$0xFFFFFFF0];
	_ =	sdelay $0x4  }
0x73: {  	v0 =	vmul.f32 v1, v0;
	_ =	sdelay $0x1  }
0x74: {  	[tilespmem:s17+$0xFFFFFFE0] =	vst v0  }
0x75: {  	v0 =	vld [tilespmem:s18+$0x110]  }
0x76: {  	v1 =	vld [tilespmem:s18+$0x910];
	_ =	sdelay $0x1  }
0x77: {  	v2 =	vld [tilespmem:s18+$0x1110];
	_ =	sdelay $0x2  }
0x78: {  	v0 =	vadd.f32 v1, v0;
	_ =	sdelay $0x1  }
0x79: {  	v0 =	vadd.f32 v2, v0;
	_ =	sdelay $0x1  }
0x7a: {  	v1 =	vmul.f32 $2.000000030e-01, v0  }
0x7b: {  	vm1 =	vge.f32 v0, $0.0e+00  }
0x7c: {  	v0 =	vsel vm1, v0, v1  }
0x7d: {  	v0 =	vmul.f32 $1.442695020e+00, v0;
	_ =	sdelay $0x1  }
0x7e: {  	(erf) = vpow2.f32 v0;
	_ =	sdelay $0x8  }
0x7f: {  	v0 =	vpop (erf)  }
0x80: {  	v1 =	vsel vm0, $0x0, v0  }
0x81: {  	[tilespmem:s17+$0x80] =	vst v1  }
0x82: {  	v1 =	vld [tilespmem:s24+$0x0];
	_ =	sdelay $0x2  }
0x83: {  	v0 =	vbroadcast v0, $0x8;
	_ =	sdelay $0x1  }
0x84: {  	v1 =	vmul.f32 v0, v1;
	_ =	sdelay $0x1  }
0x85: {  	[tilespmem:s17+$0x0] =	vst v1  }
0x86: {  	v1 =	vld [tilespmem:s24+$0x10];
	_ =	sdelay $0x4  }
0x87: {  	v1 =	vmul.f32 v0, v1;
	_ =	sdelay $0x1  }
0x88: {  	[tilespmem:s17+$0x10] =	vst v1  }
0x89: {  	v1 =	vld [tilespmem:s24+$0x20];
	_ =	sdelay $0x4  }
0x8a: {  	v1 =	vmul.f32 v0, v1;
	_ =	sdelay $0x1  }
0x8b: {  	[tilespmem:s17+$0x20] =	vst v1  }
0x8c: {  	v1 =	vld [tilespmem:s24+$0x30];
	_ =	sdelay $0x4  }
0x8d: {  	v1 =	vmul.f32 v1, v0;
	_ =	sdelay $0x1  }
0x8e: {  	[tilespmem:s17+$0x30] =	vst v1  }
0x8f: {  	v1 =	vld [tilespmem:s24+$0x40];
	_ =	sdelay $0x4  }
0x90: {  	v1 =	vmul.f32 v1, v0;
	_ =	sdelay $0x1  }
0x91: {  	[tilespmem:s17+$0x40] =	vst v1  }
0x92: {  	v1 =	vld [tilespmem:s24+$0x50];
	_ =	sdelay $0x4  }
0x93: {  	v1 =	vmul.f32 v1, v0;
	_ =	sdelay $0x1  }
0x94: {  	[tilespmem:s17+$0x50] =	vst v1  }
0x95: {  	v1 =	vld [tilespmem:s24+$0x60];
	_ =	sdelay $0x4  }
0x96: {  	v1 =	vmul.f32 v1, v0;
	_ =	sdelay $0x1  }
0x97: {  	[tilespmem:s17+$0x60] =	vst v1  }
0x98: {  	s11 =	simm.s32 $0x80;
	s18 =	simm.s32 $0x5990;
	v1 =	vld [tilespmem:s24+$0x70]  }
.LBB2_3:
0x99: {  	_ =	sdelay $0x2  }
0x9a: {  	p0 =	sne.s32 s11, $0xF80;
	s17 =	sadd.s32 $0x120, s17;
	s24 =	sadd.s32 $0x100, s24  }
0x9b: {  	s3 =	smov.u32 s11;
	s11 =	sadd.s32 $0x80, s11;
	v0 =	vmul.f32 v1, v0  }
0x9c: {  	s3 =	sshra.s32 s3, $0x2  }
0x9d: {  	[tilespmem:s18+$0x70] =	vst v0;
	s18 =	smov.u32 s17  }
0x9e: {  	v0 =	vld [tilespmem:s3+$0x100]  }
0x9f: {  	v1 =	vld [tilespmem:s3+$0x900];
	_ =	sdelay $0x1  }
0xa0: {  	v2 =	vld [tilespmem:s3+$0x1100];
	_ =	sdelay $0x2  }
0xa1: {  	v0 =	vadd.f32 v1, v0;
	_ =	sdelay $0x1  }
0xa2: {  	v0 =	vadd.f32 v2, v0;
	_ =	sdelay $0x1  }
0xa3: {  	v1 =	vmul.f32 $2.000000030e-01, v0  }
0xa4: {  	vm1 =	vge.f32 v0, $0.0e+00  }
0xa5: {  	v0 =	vsel vm1, v0, v1  }
0xa6: {  	v0 =	vmul.f32 $1.442695020e+00, v0;
	_ =	sdelay $0x1  }
0xa7: {  	(erf) = vpow2.f32 v0;
	_ =	sdelay $0x8  }
0xa8: {  	v0 =	vpop (erf)  }
0xa9: {  	v1 =	vsel vm0, $0x0, v0  }
0xaa: {  	[tilespmem:s17+$0xFFFFFFF0] =	vst v1  }
0xab: {  	v1 =	vld [tilespmem:s24+$0xFFFFFF80];
	_ =	sdelay $0x2  }
0xac: {  	v0 =	vbroadcast v0, $0x8;
	_ =	sdelay $0x1  }
0xad: {  	v1 =	vmul.f32 v0, v1;
	_ =	sdelay $0x1  }
0xae: {  	[tilespmem:s17+$0xFFFFFF70] =	vst v1  }
0xaf: {  	v1 =	vld [tilespmem:s24+$0xFFFFFF90];
	_ =	sdelay $0x4  }
0xb0: {  	v1 =	vmul.f32 v0, v1;
	_ =	sdelay $0x1  }
0xb1: {  	[tilespmem:s17+$0xFFFFFF80] =	vst v1  }
0xb2: {  	v1 =	vld [tilespmem:s24+$0xFFFFFFA0];
	_ =	sdelay $0x4  }
0xb3: {  	v1 =	vmul.f32 v0, v1;
	_ =	sdelay $0x1  }
0xb4: {  	[tilespmem:s17+$0xFFFFFF90] =	vst v1  }
0xb5: {  	v1 =	vld [tilespmem:s24+$0xFFFFFFB0];
	_ =	sdelay $0x4  }
0xb6: {  	v1 =	vmul.f32 v1, v0;
	_ =	sdelay $0x1  }
0xb7: {  	[tilespmem:s17+$0xFFFFFFA0] =	vst v1  }
0xb8: {  	v1 =	vld [tilespmem:s24+$0xFFFFFFC0];
	_ =	sdelay $0x4  }
0xb9: {  	v1 =	vmul.f32 v1, v0;
	_ =	sdelay $0x1  }
0xba: {  	[tilespmem:s17+$0xFFFFFFB0] =	vst v1  }
0xbb: {  	v1 =	vld [tilespmem:s24+$0xFFFFFFD0];
	_ =	sdelay $0x4  }
0xbc: {  	v1 =	vmul.f32 v1, v0;
	_ =	sdelay $0x1  }
0xbd: {  	[tilespmem:s17+$0xFFFFFFC0] =	vst v1  }
0xbe: {  	v1 =	vld [tilespmem:s24+$0xFFFFFFE0];
	_ =	sdelay $0x4  }
0xbf: {  	v1 =	vmul.f32 v1, v0;
	_ =	sdelay $0x1  }
0xc0: {  	[tilespmem:s17+$0xFFFFFFD0] =	vst v1  }
0xc1: {  	v1 =	vld [tilespmem:s24+$0xFFFFFFF0];
	_ =	sdelay $0x4  }
0xc2: {  	v0 =	vmul.f32 v1, v0;
	_ =	sdelay $0x1  }
0xc3: {  	[tilespmem:s17+$0xFFFFFFE0] =	vst v0  }
0xc4: {  	v0 =	vld [tilespmem:s3+$0x110]  }
0xc5: {  	v1 =	vld [tilespmem:s3+$0x910];
	_ =	sdelay $0x1  }
0xc6: {  	v2 =	vld [tilespmem:s3+$0x1110];
	_ =	sdelay $0x2  }
0xc7: {  	v0 =	vadd.f32 v1, v0;
	_ =	sdelay $0x1  }
0xc8: {  	v0 =	vadd.f32 v2, v0;
	_ =	sdelay $0x1  }
0xc9: {  	vm1 =	vge.f32 v0, $0.0e+00;
	v1 =	vmul.f32 $2.000000030e-01, v0;
	_ =	sdelay $0x1  }
0xca: {  	v0 =	vsel vm1, v0, v1  }
0xcb: {  	v0 =	vmul.f32 $1.442695020e+00, v0;
	_ =	sdelay $0x1  }
0xcc: {  	(erf) = vpow2.f32 v0;
	_ =	sdelay $0x8  }
0xcd: {  	v0 =	vpop (erf)  }
0xce: {  	v1 =	vsel vm0, $0x0, v0  }
0xcf: {  	[tilespmem:s17+$0x80] =	vst v1  }
0xd0: {  	v1 =	vld [tilespmem:s24+$0x0];
	_ =	sdelay $0x1  }
0xd1: {  	v0 =	vbroadcast v0, $0x8;
	_ =	sdelay $0x2  }
0xd2: {  	v1 =	vmul.f32 v0, v1;
	_ =	sdelay $0x1  }
0xd3: {  	[tilespmem:s17+$0x0] =	vst v1  }
0xd4: {  	v1 =	vld [tilespmem:s24+$0x10];
	_ =	sdelay $0x4  }
0xd5: {  	v1 =	vmul.f32 v0, v1;
	_ =	sdelay $0x1  }
0xd6: {  	[tilespmem:s17+$0x10] =	vst v1  }
0xd7: {  	v1 =	vld [tilespmem:s24+$0x20];
	_ =	sdelay $0x4  }
0xd8: {  	v1 =	vmul.f32 v0, v1;
	_ =	sdelay $0x1  }
0xd9: {  	[tilespmem:s17+$0x20] =	vst v1  }
0xda: {  	v1 =	vld [tilespmem:s24+$0x30];
	_ =	sdelay $0x4  }
0xdb: {  	v1 =	vmul.f32 v1, v0;
	_ =	sdelay $0x1  }
0xdc: {  	[tilespmem:s17+$0x30] =	vst v1  }
0xdd: {  	v1 =	vld [tilespmem:s24+$0x40];
	_ =	sdelay $0x4  }
0xde: {  	v1 =	vmul.f32 v1, v0;
	_ =	sdelay $0x1  }
0xdf: {  	[tilespmem:s17+$0x40] =	vst v1  }
0xe0: {  	v1 =	vld [tilespmem:s24+$0x50];
	_ =	sdelay $0x4  }
0xe1: {  	v1 =	vmul.f32 v1, v0;
	_ =	sdelay $0x1  }
0xe2: {  	[tilespmem:s17+$0x50] =	vst v1  }
0xe3: {  	v1 =	vld [tilespmem:s24+$0x60];
	_ =	sdelay $0x3  }
.Ltmp0:
0xe4: {  	(pc) =	sbr.rel @p0 .LBB2_3-.Ltmp0, $3  }
0xe5: {  	v1 =	vmul.f32 v1, v0;
	_ =	sdelay $0x1  }
0xe6: {  	[tilespmem:s17+$0x60] =	vst v1  }
0xe7: {  	v1 =	vld [tilespmem:s24+$0x70]  }
0xe8: {  	_ =	sdelay $0x3  }
0xe9: {  	v0 =	vmul.f32 v1, v0  }
0xea: {  	p0 =	seq.s32 s14, $0x4E  }
0xeb: {  	s3 =	sshll.u32 @!p0 s14, $0xC;
	[tilespmem:s18+$0x70] =	vst v0  }
0xec: {  	[spmem:s2] =	stream.indirect.scatter.add.f32 [tilespmem:s25], [sflag:$0x7], $0x90, s20, s22, $0xb8;
	[tilespmem:$0x1E080] =	vst v63  }
0xed: {  	s3 =	sadd.s32 @!p0 s16, s3;
	_ =	swait.ge [sflag:s19], $0x2400  }
0xee: {  	s11 =	sshrl.u32 @!p0 s3, $0x3;
	[sflag:s19] =	ssyncset.done $0x0  }
0xef: {  	s17 =	sadd.s32 @!p0 s5, s11;
	s18 =	simm.s32 @!p0 $0x0;
	[sflag:s19] =	ssyncadd.s32 $0xFFFFDC00  }
0xf0: {  	[tilespmem:s18], [sflag:$0x7] =	stream.linear.gather @!p0 [hbm4b:s17+s18], $0x40, $0x38;
	[tilespmem:$0x1E080] =	vst v63  }
0xf1: {  	s17 =	simm.s32 @!p0 $0x7  }
0xf2: {  	_ =	swait.ge @!p0 [sflag:s17], $0x40  }
0xf3: {  	[sflag:s17] =	ssyncset.done @!p0 $0x0  }
0xf4: {  	s24 =	simm.s32 @!p0 $0x80;
	s11 =	sadd.s32 @!p0 s6, s11;
	[sflag:s17] =	ssyncadd.s32 @!p0 $0xFFFFFFC0  }
0xf5: {  	[tilespmem:s24], [sflag:$0x7] =	stream.linear.gather @!p0 [hbm4b:s11+s18], $0x40, $0x38;
	[tilespmem:$0x1E080] =	vst v63  }
0xf6: {  	s3 =	sshll.u32 @!p0 s3, $0x1;
	_ =	swait.ge @!p0 [sflag:s17], $0x40  }
0xf7: {  	s3 =	sand.u32 @!p0 $0x1FFFFF80, s3;
	[sflag:s17] =	ssyncset.done @!p0 $0x0  }
0xf8: {  	s3 =	sadd.s32 @!p0 s7, s3;
	s11 =	simm.s32 @!p0 $0x1100;
	[sflag:s17] =	ssyncadd.s32 @!p0 $0xFFFFFFC0  }
0xf9: {  	[tilespmem:s11], [sflag:$0x7] =	stream.linear.gather @!p0 [hbm4b:s3+s18], $0x400, $0x38;
	[tilespmem:$0x1E080] =	vst v63  }
0xfa: {  	_ =	swait.ge @!p0 [sflag:s17], $0x400  }
0xfb: {  	[sflag:s17] =	ssyncset.done @!p0 $0x0  }
0xfc: {  	s3 =	simm.s32 @!p0 $0x40;
	s11 =	simm.s32 @!p0 $0x100;
	[sflag:s17] =	ssyncadd.s32 @!p0 $0xFFFFFC00  }
0xfd: {  	[tilespmem:s11], [sflag:$0x1] =	stream.indirect.gather @!p0 [hbm4b:s1+s3], $0x10, s18, s3, $0xb8;
	[tilespmem:$0x1E080] =	vst v63  }
0xfe: {  	s11 =	simm.s32 @!p0 $0x900  }
0xff: {  	[tilespmem:s11], [sflag:$0x3] =	stream.indirect.gather @!p0 [hbm4b:s8+s3], $0x10, s24, s3, $0xb8;
	[tilespmem:$0x1E080] =	vst v63  }
0x100: {  	s11 =	simm.s32 @!p0 $0x1900  }
0x101: {  	[tilespmem:s11], [sflag:$0x5] =	stream.indirect.gather @!p0 [hbm4b:s9+s3], $0x80, s18, s3, $0xb8;
	[tilespmem:$0x1E080] =	vst v63  }
0x102: {  	_ =	swait.ge [sflag:s26], $0x400  }
0x103: {  	[sflag:s26] =	ssyncset.done $0x0  }
0x104: {  	[sflag:s26] =	ssyncadd.s32 $0xFFFFFC00  }
0x105: {  	_ =	swait.ge [sflag:s10], $0x400  }
0x106: {  	[sflag:s10] =	ssyncset.done $0x0  }
0x107: {  	[sflag:s10] =	ssyncadd.s32 $0xFFFFFC00  }
0x108: {  	_ =	swait.ge [sflag:s12], $0x2000  }
0x109: {  	[sflag:s12] =	ssyncset.done $0x0  }
0x10a: {  	s18 =	simm.s32 $0x0;
	[sflag:s12] =	ssyncadd.s32 $0xFFFFE000  }
0x10b: {  	v0 =	vld [tilespmem:s18+$0x500]  }
0x10c: {  	v1 =	vld [tilespmem:s18+$0xD00];
	_ =	sdelay $0x1  }
0x10d: {  	v2 =	vld [tilespmem:s18+$0x1500];
	_ =	sdelay $0x2  }
0x10e: {  	v0 =	vadd.f32 v1, v0;
	_ =	sdelay $0x1  }
0x10f: {  	v0 =	vadd.f32 v2, v0;
	_ =	sdelay $0x1  }
0x110: {  	v1 =	vmul.f32 $2.000000030e-01, v0  }
0x111: {  	vm1 =	vge.f32 v0, $0.0e+00  }
0x112: {  	v0 =	vsel vm1, v0, v1  }
0x113: {  	v0 =	vmul.f32 $1.442695020e+00, v0;
	_ =	sdelay $0x1  }
0x114: {  	(erf) = vpow2.f32 v0;
	_ =	sdelay $0x8  }
0x115: {  	v0 =	vpop (erf)  }
0x116: {  	s17 =	simm.s32 $0x5990;
	v1 =	vsel vm0, $0x0, v0  }
0x117: {  	s24 =	simm.s32 $0x3980;
	[tilespmem:s17+$0xFFFFFFF0] =	vst v1  }
0x118: {  	v1 =	vld [tilespmem:s24+$0xFFFFFF80];
	_ =	sdelay $0x2  }
0x119: {  	v0 =	vbroadcast v0, $0x8;
	_ =	sdelay $0x1  }
0x11a: {  	v1 =	vmul.f32 v0, v1;
	_ =	sdelay $0x1  }
0x11b: {  	[tilespmem:s17+$0xFFFFFF70] =	vst v1  }
0x11c: {  	v1 =	vld [tilespmem:s24+$0xFFFFFF90];
	_ =	sdelay $0x4  }
0x11d: {  	v1 =	vmul.f32 v0, v1;
	_ =	sdelay $0x1  }
0x11e: {  	[tilespmem:s17+$0xFFFFFF80] =	vst v1  }
0x11f: {  	v1 =	vld [tilespmem:s24+$0xFFFFFFA0];
	_ =	sdelay $0x4  }
0x120: {  	v1 =	vmul.f32 v0, v1;
	_ =	sdelay $0x1  }
0x121: {  	[tilespmem:s17+$0xFFFFFF90] =	vst v1  }
0x122: {  	v1 =	vld [tilespmem:s24+$0xFFFFFFB0];
	_ =	sdelay $0x4  }
0x123: {  	v1 =	vmul.f32 v1, v0;
	_ =	sdelay $0x1  }
0x124: {  	[tilespmem:s17+$0xFFFFFFA0] =	vst v1  }
0x125: {  	v1 =	vld [tilespmem:s24+$0xFFFFFFC0];
	_ =	sdelay $0x4  }
0x126: {  	v1 =	vmul.f32 v1, v0;
	_ =	sdelay $0x1  }
0x127: {  	[tilespmem:s17+$0xFFFFFFB0] =	vst v1  }
0x128: {  	v1 =	vld [tilespmem:s24+$0xFFFFFFD0];
	_ =	sdelay $0x4  }
0x129: {  	v1 =	vmul.f32 v1, v0;
	_ =	sdelay $0x1  }
0x12a: {  	[tilespmem:s17+$0xFFFFFFC0] =	vst v1  }
0x12b: {  	v1 =	vld [tilespmem:s24+$0xFFFFFFE0];
	_ =	sdelay $0x4  }
0x12c: {  	v1 =	vmul.f32 v1, v0;
	_ =	sdelay $0x1  }
0x12d: {  	[tilespmem:s17+$0xFFFFFFD0] =	vst v1  }
0x12e: {  	v1 =	vld [tilespmem:s24+$0xFFFFFFF0];
	_ =	sdelay $0x4  }
0x12f: {  	v0 =	vmul.f32 v1, v0;
	_ =	sdelay $0x1  }
0x130: {  	[tilespmem:s17+$0xFFFFFFE0] =	vst v0  }
0x131: {  	v0 =	vld [tilespmem:s18+$0x510]  }
0x132: {  	v1 =	vld [tilespmem:s18+$0xD10];
	_ =	sdelay $0x1  }
0x133: {  	v2 =	vld [tilespmem:s18+$0x1510];
	_ =	sdelay $0x2  }
0x134: {  	v0 =	vadd.f32 v1, v0;
	_ =	sdelay $0x1  }
0x135: {  	v0 =	vadd.f32 v2, v0;
	_ =	sdelay $0x1  }
0x136: {  	v1 =	vmul.f32 $2.000000030e-01, v0  }
0x137: {  	vm1 =	vge.f32 v0, $0.0e+00  }
0x138: {  	v0 =	vsel vm1, v0, v1  }
0x139: {  	v0 =	vmul.f32 $1.442695020e+00, v0;
	_ =	sdelay $0x1  }
0x13a: {  	(erf) = vpow2.f32 v0;
	_ =	sdelay $0x8  }
0x13b: {  	v0 =	vpop (erf)  }
0x13c: {  	v1 =	vsel vm0, $0x0, v0  }
0x13d: {  	[tilespmem:s17+$0x80] =	vst v1  }
0x13e: {  	v1 =	vld [tilespmem:s24+$0x0];
	_ =	sdelay $0x2  }
0x13f: {  	v0 =	vbroadcast v0, $0x8;
	_ =	sdelay $0x1  }
0x140: {  	v1 =	vmul.f32 v0, v1;
	_ =	sdelay $0x1  }
0x141: {  	[tilespmem:s17+$0x0] =	vst v1  }
0x142: {  	v1 =	vld [tilespmem:s24+$0x10];
	_ =	sdelay $0x4  }
0x143: {  	v1 =	vmul.f32 v0, v1;
	_ =	sdelay $0x1  }
0x144: {  	[tilespmem:s17+$0x10] =	vst v1  }
0x145: {  	v1 =	vld [tilespmem:s24+$0x20];
	_ =	sdelay $0x4  }
0x146: {  	v1 =	vmul.f32 v0, v1;
	_ =	sdelay $0x1  }
0x147: {  	[tilespmem:s17+$0x20] =	vst v1  }
0x148: {  	v1 =	vld [tilespmem:s24+$0x30];
	_ =	sdelay $0x4  }
0x149: {  	v1 =	vmul.f32 v1, v0;
	_ =	sdelay $0x1  }
0x14a: {  	[tilespmem:s17+$0x30] =	vst v1  }
0x14b: {  	v1 =	vld [tilespmem:s24+$0x40];
	_ =	sdelay $0x4  }
0x14c: {  	v1 =	vmul.f32 v1, v0;
	_ =	sdelay $0x1  }
0x14d: {  	[tilespmem:s17+$0x40] =	vst v1  }
0x14e: {  	v1 =	vld [tilespmem:s24+$0x50];
	_ =	sdelay $0x4  }
0x14f: {  	v1 =	vmul.f32 v1, v0;
	_ =	sdelay $0x1  }
0x150: {  	[tilespmem:s17+$0x50] =	vst v1  }
0x151: {  	v1 =	vld [tilespmem:s24+$0x60];
	_ =	sdelay $0x4  }
0x152: {  	v1 =	vmul.f32 v1, v0;
	_ =	sdelay $0x1  }
0x153: {  	[tilespmem:s17+$0x60] =	vst v1  }
0x154: {  	s11 =	simm.s32 $0x80;
	s18 =	simm.s32 $0x5990;
	v1 =	vld [tilespmem:s24+$0x70]  }
.LBB2_5:
0x155: {  	_ =	sdelay $0x2  }
0x156: {  	p0 =	sne.s32 s11, $0xF80;
	s17 =	sadd.s32 $0x120, s17;
	s24 =	sadd.s32 $0x100, s24  }
0x157: {  	s3 =	smov.u32 s11;
	s11 =	sadd.s32 $0x80, s11;
	v0 =	vmul.f32 v1, v0  }
0x158: {  	s3 =	sshra.s32 s3, $0x2  }
0x159: {  	[tilespmem:s18+$0x70] =	vst v0;
	s18 =	smov.u32 s17  }
0x15a: {  	v0 =	vld [tilespmem:s3+$0x500]  }
0x15b: {  	v1 =	vld [tilespmem:s3+$0xD00];
	_ =	sdelay $0x1  }
0x15c: {  	v2 =	vld [tilespmem:s3+$0x1500];
	_ =	sdelay $0x2  }
0x15d: {  	v0 =	vadd.f32 v1, v0;
	_ =	sdelay $0x1  }
0x15e: {  	v0 =	vadd.f32 v2, v0;
	_ =	sdelay $0x1  }
0x15f: {  	v1 =	vmul.f32 $2.000000030e-01, v0  }
0x160: {  	vm1 =	vge.f32 v0, $0.0e+00  }
0x161: {  	v0 =	vsel vm1, v0, v1  }
0x162: {  	v0 =	vmul.f32 $1.442695020e+00, v0;
	_ =	sdelay $0x1  }
0x163: {  	(erf) = vpow2.f32 v0;
	_ =	sdelay $0x8  }
0x164: {  	v0 =	vpop (erf)  }
0x165: {  	v1 =	vsel vm0, $0x0, v0  }
0x166: {  	[tilespmem:s17+$0xFFFFFFF0] =	vst v1  }
0x167: {  	v1 =	vld [tilespmem:s24+$0xFFFFFF80];
	_ =	sdelay $0x2  }
0x168: {  	v0 =	vbroadcast v0, $0x8;
	_ =	sdelay $0x1  }
0x169: {  	v1 =	vmul.f32 v0, v1;
	_ =	sdelay $0x1  }
0x16a: {  	[tilespmem:s17+$0xFFFFFF70] =	vst v1  }
0x16b: {  	v1 =	vld [tilespmem:s24+$0xFFFFFF90];
	_ =	sdelay $0x4  }
0x16c: {  	v1 =	vmul.f32 v0, v1;
	_ =	sdelay $0x1  }
0x16d: {  	[tilespmem:s17+$0xFFFFFF80] =	vst v1  }
0x16e: {  	v1 =	vld [tilespmem:s24+$0xFFFFFFA0];
	_ =	sdelay $0x4  }
0x16f: {  	v1 =	vmul.f32 v0, v1;
	_ =	sdelay $0x1  }
0x170: {  	[tilespmem:s17+$0xFFFFFF90] =	vst v1  }
0x171: {  	v1 =	vld [tilespmem:s24+$0xFFFFFFB0];
	_ =	sdelay $0x4  }
0x172: {  	v1 =	vmul.f32 v1, v0;
	_ =	sdelay $0x1  }
0x173: {  	[tilespmem:s17+$0xFFFFFFA0] =	vst v1  }
0x174: {  	v1 =	vld [tilespmem:s24+$0xFFFFFFC0];
	_ =	sdelay $0x4  }
0x175: {  	v1 =	vmul.f32 v1, v0;
	_ =	sdelay $0x1  }
0x176: {  	[tilespmem:s17+$0xFFFFFFB0] =	vst v1  }
0x177: {  	v1 =	vld [tilespmem:s24+$0xFFFFFFD0];
	_ =	sdelay $0x4  }
0x178: {  	v1 =	vmul.f32 v1, v0;
	_ =	sdelay $0x1  }
0x179: {  	[tilespmem:s17+$0xFFFFFFC0] =	vst v1  }
0x17a: {  	v1 =	vld [tilespmem:s24+$0xFFFFFFE0];
	_ =	sdelay $0x4  }
0x17b: {  	v1 =	vmul.f32 v1, v0;
	_ =	sdelay $0x1  }
0x17c: {  	[tilespmem:s17+$0xFFFFFFD0] =	vst v1  }
0x17d: {  	v1 =	vld [tilespmem:s24+$0xFFFFFFF0];
	_ =	sdelay $0x4  }
0x17e: {  	v0 =	vmul.f32 v1, v0;
	_ =	sdelay $0x1  }
0x17f: {  	[tilespmem:s17+$0xFFFFFFE0] =	vst v0  }
0x180: {  	v0 =	vld [tilespmem:s3+$0x510]  }
0x181: {  	v1 =	vld [tilespmem:s3+$0xD10];
	_ =	sdelay $0x1  }
0x182: {  	v2 =	vld [tilespmem:s3+$0x1510];
	_ =	sdelay $0x2  }
0x183: {  	v0 =	vadd.f32 v1, v0;
	_ =	sdelay $0x1  }
0x184: {  	v0 =	vadd.f32 v2, v0;
	_ =	sdelay $0x1  }
0x185: {  	vm1 =	vge.f32 v0, $0.0e+00;
	v1 =	vmul.f32 $2.000000030e-01, v0;
	_ =	sdelay $0x1  }
0x186: {  	v0 =	vsel vm1, v0, v1  }
0x187: {  	v0 =	vmul.f32 $1.442695020e+00, v0;
	_ =	sdelay $0x1  }
0x188: {  	(erf) = vpow2.f32 v0;
	_ =	sdelay $0x8  }
0x189: {  	v0 =	vpop (erf)  }
0x18a: {  	v1 =	vsel vm0, $0x0, v0  }
0x18b: {  	[tilespmem:s17+$0x80] =	vst v1  }
0x18c: {  	v1 =	vld [tilespmem:s24+$0x0];
	_ =	sdelay $0x1  }
0x18d: {  	v0 =	vbroadcast v0, $0x8;
	_ =	sdelay $0x2  }
0x18e: {  	v1 =	vmul.f32 v0, v1;
	_ =	sdelay $0x1  }
0x18f: {  	[tilespmem:s17+$0x0] =	vst v1  }
0x190: {  	v1 =	vld [tilespmem:s24+$0x10];
	_ =	sdelay $0x4  }
0x191: {  	v1 =	vmul.f32 v0, v1;
	_ =	sdelay $0x1  }
0x192: {  	[tilespmem:s17+$0x10] =	vst v1  }
0x193: {  	v1 =	vld [tilespmem:s24+$0x20];
	_ =	sdelay $0x4  }
0x194: {  	v1 =	vmul.f32 v0, v1;
	_ =	sdelay $0x1  }
0x195: {  	[tilespmem:s17+$0x20] =	vst v1  }
0x196: {  	v1 =	vld [tilespmem:s24+$0x30];
	_ =	sdelay $0x4  }
0x197: {  	v1 =	vmul.f32 v1, v0;
	_ =	sdelay $0x1  }
0x198: {  	[tilespmem:s17+$0x30] =	vst v1  }
0x199: {  	v1 =	vld [tilespmem:s24+$0x40];
	_ =	sdelay $0x4  }
0x19a: {  	v1 =	vmul.f32 v1, v0;
	_ =	sdelay $0x1  }
0x19b: {  	[tilespmem:s17+$0x40] =	vst v1  }
0x19c: {  	v1 =	vld [tilespmem:s24+$0x50];
	_ =	sdelay $0x4  }
0x19d: {  	v1 =	vmul.f32 v1, v0;
	_ =	sdelay $0x1  }
0x19e: {  	[tilespmem:s17+$0x50] =	vst v1  }
0x19f: {  	v1 =	vld [tilespmem:s24+$0x60];
	_ =	sdelay $0x3  }
.Ltmp1:
0x1a0: {  	(pc) =	sbr.rel @p0 .LBB2_5-.Ltmp1, $3  }
0x1a1: {  	v1 =	vmul.f32 v1, v0;
	_ =	sdelay $0x1  }
0x1a2: {  	[tilespmem:s17+$0x60] =	vst v1  }
0x1a3: {  	v1 =	vld [tilespmem:s24+$0x70]  }
0x1a4: {  	_ =	sdelay $0x3  }
0x1a5: {  	s14 =	sadd.s32 $0x1, s14;
	v0 =	vmul.f32 v1, v0  }
0x1a6: {  	p0 =	sne.s32 s14, $0x4F  }
.Ltmp2:
0x1a7: {  	[tilespmem:s18+$0x70] =	vst v0;
	(pc) =	sbr.rel @p0 .LBB2_2-.Ltmp2, $4  }
0x1a8: {  	[spmem:s2] =	stream.indirect.scatter.add.f32 [tilespmem:s25], [sflag:$0x7], $0x90, s28, s22, $0xb8;
	[tilespmem:$0x1E080] =	vst v63  }
0x1a9: {  	_ =	swait.ge [sflag:s19], $0x2400  }
0x1aa: {  	[sflag:s19] =	ssyncset.done $0x0  }
0x1ab: {  	[sflag:s19] =	ssyncadd.s32 $0xFFFFDC00  }
0x1ac: {  	[bflag:$0x0] =	sbarrier.arrive $0xFFFF  }
0x1ad: {  	s17 =	rddreg [dreg:$0x5]  }
0x1ae: {  	s11 =	rddreg [dreg:$0xa]  }
0x1af: {  	s3 =	rddreg [dreg:$0xb]  }
0x1b0: {  	[hbm:s3], [sflag:s17] =	dma.local [spmem:s11], $0x2C70  }
0x1b1: {  	_ =	swait.ge [sflag:s19], $0x2C70  }
0x1b2: {  	s13 =	sadd.s32 $0x1, s13;
	s24 =	rddreg [dreg:$0x9]  }
0x1b3: {  	p0 =	sne.s32 s13, s24  }
.Ltmp3:
0x1b4: {  	_ = 	snop;
	(pc) =	sbr.rel @p0 .LBB2_1-.Ltmp3, $3  }
0x1b5: {  	_ =	sdelay $0x1  }
0x1b6: {  	[sflag:s19] =	ssyncset.done $0x0  }
0x1b7: {  	[sflag:s19] =	ssyncadd.s32 $0xFFFFD390  }
0x1b8: {  	_ =	sfence.sel $0x180000  }
0x1b9: {  	[bflag:$0x0] =	sbarrier.arrive $0xFFFF  }
0x1ba: {  	_ =	strace $0x9000004A  }
0x1bb: {  	s0 =	stileid.u32;
	[bflag:$0x2] =	sbarrier.arrive $0xFFFF  }
0x1bc: {  	p0 =	sne.s32 s0, $0x0;
	s0 =	rddreg [dreg:$0x3]  }
0x1bd: {  	s0 =	sadd.s32 @!p0 $0x100000, s0  }
0x1be: {  	[sflag:s0] =	ssyncadd.tile.s32 @!p0 $0x1;
	_ =	shalt  }
.Lfunc_end2:
_tile_overlayer_lowered:
.L_overlay_start_2:
0x1bf: {  	(tag) =	ssettag $0x2  }
0x1c0: {  	s0 =	rddreg [dreg:$0x0];
	s2 =	stileid.u32  }
0x1c1: {  	s1 =	rddreg [dreg:$0x1];
	p0 =	sne.s32 s2, $0x0  }
0x1c2: {  	s3 =	rddreg [dreg:$0x2];
	[bflag:$0x3] =	sbarrier.arrive $0xFFFF;
	s2 =	simm.s32 @!p0 $0x1C07  }
0x1c3: {  	[timem:s3], [sflag:s2] =	dma.local @!p0 [hbm:s0], s1  }
0x1c4: {  	s0 =	simm.s32 @!p0 $0x7  }
0x1c5: {  	_ =	swait.ge @!p0 [sflag:s0], s1  }
0x1c6: {  	s1 =	ssub.s32 @!p0 $0x0, s1;
	[sflag:s0] =	ssyncset.done @!p0 $0x0  }
0x1c7: {  	[sflag:s0] =	ssyncadd.s32 @!p0 s1  }
0x1c8: {  	[bflag:$0x3] =	sbarrier.arrive $0xFFFF  }
0x1c9: {  	_ =	shalt  }

// kernel: kernel.8.cloned.1.call-start
scs
__scs_entry_jumppad:
0x0: {  	(pc) =	sbr.rel $0x88, $3  }
0x1: {  	(tag) =	ssettag $0x0;
	lr =	simm.s32 $0x1  }
0x2: {  	[smem:$0x3F92] =	sst lr;
	_ =	strace $0xD0000000  }
0x3: {  	_ = 	snop  }
0x4: {  	_ = 	snop  }
0x5: {  	_ = 	snop  }
0x6: {  	_ = 	snop  }
0x7: {  	_ = 	snop  }
__scs_overlays_trampoline_lowered:
0x8: {  	[smem:$0x3FA1] =	sst s0  }
0x9: {  	[smem:$0x3FA2] =	sst s1  }
0xa: {  	[smem:$0x3FA3] =	sst s2  }
0xb: {  	[smem:$0x3FA4] =	sst s3  }
0xc: {  	[smem:$0x3FA5] =	sst s4  }
0xd: {  	[smem:$0x3FA6] =	sst s5  }
0xe: {  	[smem:$0x3FA7] =	sst s6  }
0xf: {  	[smem:$0x3FA8] =	sst s7  }
0x10: {  	[smem:$0x3FA9] =	sst s8  }
0x11: {  	[smem:$0x3FAA] =	sst s9;
	s0 =	simm.s32 @!p0 $0x0  }
0x12: {  	s1 =	sld [smem:$0x3F90];
	s0 =	simm.s32 @p0 $0x1  }
0x13: {  	[smem:$0x3FAB] =	sst s0;
	s0 =	simm.s32 @!p1 $0x0  }
0x14: {  	s2 =	sld [smem:$0x3F8F];
	s0 =	simm.s32 @p1 $0x1  }
0x15: {  	[smem:$0x3FAC] =	sst s0;
	s0 =	simm.s32 @!p2 $0x0  }
0x16: {  	s3 =	sld [smem:$0x3FDB];
	s0 =	simm.s32 @p2 $0x1  }
0x17: {  	s4 =	simm.s32 $0x1BF5;
	[smem:$0x3FAE] =	sst s0  }
0x18: {  	s0 =	sld [smem:$0x3F91];
	_ =	swait.ge [sflag:s4], $0x0  }
0x19: {  	s7 =	sld [smem:$0x3F92]  }
0x1a: {  	s8 =	sadd.s32 $0xFFFFE003, lr  }
0x1b: {  	s9 =	sadd.s32 $0xFFFFFEF7, lr;
	s5 =	simm.s32 $0xFFFFFFFF;
	p2 =	slt.u32 s8, $0xFFFFF086  }
0x1c: {  	p1 =	slt.u32 s9, $0xF7A;
	s5 =	simm.s32 @!p2 $0x0  }
0x1d: {  	s5 =	simm.s32 @p1 $0x1;
	p0 =	seq.s32 s7, s2  }
0x1e: {  	s7 =	smul.u32 @!p0 $0xF7A, s2;
	p2 =	seq.s32 @!p0 s5, $0x0  }
0x1f: {  	s9 =	smul.u32 $0xF7A, s1;
	s8 =	simm.s32 @!p0 $0x1BF5;
	p2 =	por !p2, p0  }
0x20: {  	[sflag:s8] =	ssyncset.s32 @!p0 $0xFFFFF086;
	s6 =	sadd.s32 @!p0 s3, s7;
	s7 =	simm.s32 @!p0 $0x108  }
0x21: {  	s3 =	sadd.s32 s3, s9;
	s6 =	sadd.s32 @!p0 $0x88, s6;
	s7 =	simm.s32 @p2 $0x1082  }
0x22: {  	[simem:s7], [sflag:s8] =	dma.local @!p0 [hbm:s6], $0xF7A  }
0x23: {  	s9 =	sor.u32 $0xD0000000, s2;
	s6 =	simm.s32 $0x108;
	_ =	swait.ge @!p0 [sflag:s8], $0x0  }
0x24: {  	s3 =	sadd.s32 $0x88, s3;
	s6 =	simm.s32 @!p1 $0x1082;
	[sflag:s4] =	ssyncset.s32 $0xFFFFF086  }
0x25: {  	[simem:s6], [sflag:s4] =	dma.local [hbm:s3], $0xF7A  }
0x26: {  	[smem:$0x3F92] =	sst s1;
	(tag) =	ssettag s2;
	_ =	strace s9  }
0x27: {  	s1 =	sld [smem:$0x3FA2]  }
0x28: {  	s2 =	sld [smem:$0x3FA3]  }
0x29: {  	s4 =	sld [smem:$0x3FA5]  }
0x2a: {  	p0 =	seq.s32 s5, $0x0;
	s5 =	sld [smem:$0x3FA6]  }
0x2b: {  	s6 =	sld [smem:$0x3FA7]  }
0x2c: {  	s7 =	sld [smem:$0x3FA8]  }
0x2d: {  	s3 =	simm.s32 $0x108;
	s8 =	sld [smem:$0x3FA9]  }
0x2e: {  	s3 =	simm.s32 @!p0 $0x1082;
	s9 =	sld [smem:$0x3FAA]  }
0x2f: {  	lr =	sadd.s32 s0, s3;
	s0 =	sld [smem:$0x3FA1]  }
0x30: {  	s3 =	sld [smem:$0x3FA4]  }
0x31: {  	[smem:$0x3FAD] =	sst s10  }
0x32: {  	s10 =	sld [smem:$0x3FAB];
	_ =	sdelay $0x3  }
0x33: {  	p0 =	seq.s32 s10, $0x1;
	s10 =	sld [smem:$0x3FAD];
	_ =	sdelay $0x3  }
0x34: {  	[smem:$0x3FAD] =	sst s10  }
0x35: {  	s10 =	sld [smem:$0x3FAC];
	_ =	sdelay $0x3  }
0x36: {  	p1 =	seq.s32 s10, $0x1;
	s10 =	sld [smem:$0x3FAD];
	_ =	sdelay $0x3  }
0x37: {  	[smem:$0x3FAD] =	sst s10  }
0x38: {  	s10 =	sld [smem:$0x3FAE]  }
0x39: {  	_ = 	snop;
	(pc) =	sbr.ind lr, $3  }
0x3a: {  	_ = 	snop  }
0x3b: {  	_ = 	snop  }
0x3c: {  	p2 =	seq.s32 s10, $0x1;
	s10 =	sld [smem:$0x3FAD]  }
0x3d: {  	_ =	shalt  }
0x3e: {  	_ =	shalt  }
0x3f: {  	_ =	shalt  }
0x40: {  	_ =	shalt  }
0x41: {  	_ =	shalt  }
0x42: {  	_ =	shalt  }
0x43: {  	_ =	shalt  }
0x44: {  	_ =	shalt  }
0x45: {  	_ =	shalt  }
0x46: {  	_ =	shalt  }
0x47: {  	_ =	shalt  }
0x48: {  	_ =	shalt  }
0x49: {  	_ =	shalt  }
0x4a: {  	_ =	shalt  }
0x4b: {  	_ =	shalt  }
0x4c: {  	_ =	shalt  }
0x4d: {  	_ =	shalt  }
0x4e: {  	_ =	shalt  }
0x4f: {  	_ =	shalt  }
0x50: {  	_ =	shalt  }
0x51: {  	_ =	shalt  }
0x52: {  	_ =	shalt  }
0x53: {  	_ =	shalt  }
0x54: {  	_ =	shalt  }
0x55: {  	_ =	shalt  }
0x56: {  	_ =	shalt  }
0x57: {  	_ =	shalt  }
0x58: {  	_ =	shalt  }
0x59: {  	_ =	shalt  }
0x5a: {  	_ =	shalt  }
0x5b: {  	_ =	shalt  }
0x5c: {  	_ =	shalt  }
0x5d: {  	_ =	shalt  }
0x5e: {  	_ =	shalt  }
0x5f: {  	_ =	shalt  }
0x60: {  	_ =	shalt  }
0x61: {  	_ =	shalt  }
0x62: {  	_ =	shalt  }
0x63: {  	_ =	shalt  }
0x64: {  	_ =	shalt  }
0x65: {  	_ =	shalt  }
0x66: {  	_ =	shalt  }
0x67: {  	_ =	shalt  }
0x68: {  	_ =	shalt  }
0x69: {  	_ =	shalt  }
0x6a: {  	_ =	shalt  }
0x6b: {  	_ =	shalt  }
0x6c: {  	_ =	shalt  }
0x6d: {  	_ =	shalt  }
0x6e: {  	_ =	shalt  }
0x6f: {  	_ =	shalt  }
0x70: {  	_ =	shalt  }
0x71: {  	_ =	shalt  }
0x72: {  	_ =	shalt  }
0x73: {  	_ =	shalt  }
0x74: {  	_ =	shalt  }
0x75: {  	_ =	shalt  }
0x76: {  	_ =	shalt  }
0x77: {  	_ =	shalt  }
0x78: {  	_ =	shalt  }
0x79: {  	_ =	shalt  }
0x7a: {  	_ =	shalt  }
0x7b: {  	_ =	shalt  }
0x7c: {  	_ =	shalt  }
0x7d: {  	_ =	shalt  }
0x7e: {  	_ =	shalt  }
0x7f: {  	_ =	shalt  }
0x80: {  	_ =	shalt  }
0x81: {  	_ =	shalt  }
0x82: {  	_ =	shalt  }
0x83: {  	_ =	shalt  }
0x84: {  	_ =	shalt  }
0x85: {  	_ =	shalt  }
0x86: {  	_ =	shalt  }
0x87: {  	_ =	shalt  }
.Lfunc_end0:
.L_simem_size_0:
called_computation_lowered:
.L_overlay_start_0:
0x88: {  	s2 =	sld [smem:$0x3FD9]  }
0x89: {  	s3 =	sld [smem:$0x3FFE];
	_ =	sdelay $0x1  }
0x8a: {  	s1 =	srdreg.scid  }
0x8b: {  	s0 =	sand.u32 $0x1, s1  }
0x8c: {  	s16 =	sshll.u32 s0, $0xA;
	s2 =	sadd.s32 s3, s2  }
0x8d: {  	s2 =	sadd.s32 s2, s16  }
0x8e: {  	[smem:$0x3FB9] =	sst s2  }
0x8f: {  	_ = 	snop  }
0x90: {  	(tm) =	ssettm $0x1  }
0x91: {  	s17 =	sld [smem:$0x3FFB];
	_ =	sdelay $0x3  }
0x92: {  	_ =	strace s17  }
0x93: {  	s2 =	sld [smem:$0x3FFC];
	_ =	sdelay $0x3  }
0x94: {  	_ =	strace s2  }
0x95: {  	s2 =	sld [smem:$0x3FFD];
	_ =	sdelay $0x3  }
0x96: {  	_ =	strace s2  }
0x97: {  	_ =	strace $0x8FFFFFFF  }
0x98: {  	s18 =	sld [smem:$0x3FDB];
	_ =	sdelay $0x1  }
0x99: {  	s19 =	simm.s32 $_scs_section_size  }
0x9a: {  	s4 =	simm.s32 $_size__tile_overlayer_lowered;
	s5 =	simm.s32 $_tile_overlayer_lowered  }
0x9b: {  	s22 =	simm.s32 $0x1BFF;
	s21 =	sshll.u32 s5, $0x1;
	s2 =	sadd.s32 s19, s18  }
0x9c: {  	s6 =	simm.s32 $0x0;
	s20 =	sshll.u32 s4, $0x1;
	s4 =	sadd.s32 s21, s2  }
0x9d: {  	[timem:s6], [sflag:s22] =	dma.local [hbm:s4], s20  }
0x9e: {  	_ =	swait.ge [sflag:s22], s20  }
0x9f: {  	s3 =	ssub.s32 $0x0, s20;
	[sflag:s22] =	ssyncset.done $0x0  }
0xa0: {  	[sflag:s22] =	ssyncadd.s32 s3;
	_ =	sdelay $0x1  }
0xa1: {  	s23 =	simm.s32 $0x1B8B  }
0xa2: {  	_ =	swait.ge [sflag:s23], $0x1  }
0xa3: {  	[sflag:s23] =	ssyncset.done $0x0  }
0xa4: {  	s25 =	simm.s32 $0x1B8E;
	s24 =	sld [smem:$0x3FFE];
	[sflag:s23] =	ssyncadd.s32 $0xFFFFFFFF  }
0xa5: {  	s26 =	simm.s32 $execute0_lowered;
	[smem:$0x3FD2] =	sst s25  }
0xa6: {  	s4 =	sshll.u32 s26, $0x1;
	_ =	strace $0x80000046;
	[dreg:$0x1] =	wrdreg $0xFFFFFFFF  }
0xa7: {  	s28 =	simm.s32 $_size_execute0_lowered;
	s2 =	sadd.s32 s2, s4;
	[dreg:$0x0] =	wrdreg $0x0  }
0xa8: {  	s4 =	sshll.u32 s28, $0x1;
	[dreg:$0x2] =	wrdreg s2  }
0xa9: {  	[dreg:$0x3] =	wrdreg s4  }
0xaa: {  	[dreg:$0x4] =	wrdreg $0xC0  }
0xab: {  	_ =	task [dreg:s6], $0x5FFFF  }
0xac: {  	[dreg:$0x1] =	wrdreg $0xFFFFFFFF  }
0xad: {  	[dreg:$0x0] =	wrdreg $0x60  }
0xae: {  	[dreg:$0x2] =	wrdreg s24  }
0xaf: {  	[dreg:$0x3] =	wrdreg $0x7D000  }
0xb0: {  	[dreg:$0x4] =	wrdreg $0x9  }
0xb1: {  	_ =	task.clear_ibuf [dreg:s6], $0x5FFFF;
	_ =	strace $0x90000046  }
0xb2: {  	s29 =	simm.s32 $0x9;
	_ =	strace $0x80000048  }
0xb3: {  	_ =	swait.ge [sflag:s29], $0x1  }
0xb4: {  	[sflag:s29] =	ssyncadd.s32 $0xFFFFFFFF  }
0xb5: {  	_ =	strace $0x90000048  }
0xb6: {  	_ =	sfence  }
0xb7: {  	s30 =	sld [smem:$0x0];
	_ =	sdelay $0x2  }
0xb8: {  	s31 =	sshll.u32 s1, $0xD;
	s1 =	sshrl.u32 s1, $0x2  }
0xb9: {  	s3 =	sand.u32 $0x4000, s31;
	s1 =	sadd.s32 s1, s30  }
0xba: {  	s0 =	sor.u32 s3, s0;
	s1 =	sshll.u32 s1, $0x11  }
0xbb: {  	s0 =	sor.u32 s1, s0  }
0xbc: {  	s0 =	sadd.s32 $0x8F2B, s0  }
0xbd: {  	[sflag:s0] =	ssyncadd.remote.s32 $0x1  }
0xbe: {  	_ =	sfence.sel $0xFFFF  }
0xbf: {  	[dreg:$0x0] =	wrdreg $0xFFFFFFFF;
	(pc) =	sbr.abs _section_cstart, $3  }
0xc0: {  	[dreg:$0x1] =	wrdreg $0xFFFFFFFF  }
0xc1: {  	_ =	task.clear_ibuf [dreg:s6], $0x2FFFF;
	_ =	strace $0x9FFFFFFF  }
0xc2: {  	(tm) =	ssettm $0x7FFFFFFF  }
0xc3: {  	_ =	shalt  }
tec
execute0_lowered:
.L_overlay_start_1:
0x0: {  	(tag) =	ssettag $0x1  }
0x1: {  	s0 =	rddreg [dreg:$0x0]  }
0x2: {  	s1 =	rddreg [dreg:$0x1];
	s2 =	simm.s32 $0x0;
	s16 =	stileid.u32  }
0x3: {  	s3 =	srdreg.scid;
	s28 =	simm.s32 $0xC0;
	s29 =	simm.s32 $0x1500  }
0x4: {  	s30 =	simm.s32 $0x500;
	s31 =	simm.s32 $0xD00;
	[smem:$0x7FF] =	sst s2  }
0x5: {  	s4 =	sadd.s32 $0x10C400, s0;
	s5 =	sadd.s32 $0x2400, s0;
	s7 =	sadd.s32 $0x102400, s0  }
0x6: {  	s6 =	sadd.s32 $0x16000, s0;
	s18 =	smul.u32 $0x16380, s16;
	s8 =	sadd.s32 $0x107400, s0  }
0x7: {  	s9 =	sadd.s32 $0x116200, s0;
	s3 =	sand.u32 $0x1, s3;
	s15 =	sshll.u32 s16, $0x1  }
0x8: {  	s20 =	sshll.u32 s16, $0x6;
	_ =	strace $0x80000047;
	s11 =	smul.u32 $0x2C700, s3  }
0x9: {  	s12 =	ssub.s32 $0x2, s3;
	s3 =	sor.u32 s3, s15;
	s17 =	sor.u32 $0x1C07, s20  }
0xa: {  	s20 =	simm.s32 $0x80;
	s10 =	sshrl.u32 s18, $0x3;
	s14 =	sshrl.u32 s12, $0x1  }
0xb: {  	s2 =	sadd.s32 s18, s1;
	s21 =	sshll.u32 s3, $0x3;
	s24 =	sshll.u32 s3, $0x7  }
0xc: {  	s25 =	sshll.u32 s3, $0x6;
	s15 =	sor.u32 $0x20, s3;
	s3 =	simm.s32 $0x1  }
0xd: {  	[dreg:$0x4] =	wrdreg s17;
	s13 =	sadd.s32 s10, s0;
	s0 =	sadd.s32 s11, s0  }
0xe: {  	s19 =	ssub.s32 s12, s14;
	s22 =	sadd.s32 s4, s21;
	s23 =	sadd.s32 s5, s21  }
0xf: {  	s12 =	sadd.s32 s6, s24;
	s16 =	sor.u32 $0x1000, s25;
	[dreg:$0x5] =	wrdreg s22  }
0x10: {  	s11 =	sshrl.u32 s2, $0x3;
	s21 =	simm.s32 $0x3;
	[dreg:$0x6] =	wrdreg s23  }
0x11: {  	s25 =	simm.s32 $0x5900;
	s13 =	sadd.s32 $0x13DA00, s13;
	[dreg:$0x7] =	wrdreg s12  }
0x12: {  	s0 =	sadd.s32 $0x16A200, s0;
	s26 =	smax.u32 s19, $0x1;
	[dreg:$0x9] =	wrdreg s11  }
0x13: {  	s19 =	simm.s32 $0x7;
	s22 =	simm.s32 $0x40;
	[dreg:$0x3] =	wrdreg s13  }
0x14: {  	s23 =	simm.s32 $0x5;
	s12 =	simm.s32 $0x6;
	[dreg:$0x8] =	wrdreg s26  }
0x15: {  	s0 =	sadd.s32 s10, s0;
	s26 =	simm.s32 $0x2;
	s10 =	simm.s32 $0x4  }
0x16: {  	vm0 =	vmmov $0xf;
	s13 =	simm.s32 $0x0;
	[dreg:$0xa] =	wrdreg s0;
	s0 =	simm.s32 $0x3900  }
.LBB2_1:
0x17: {  	s2 =	rddreg [dreg:$0x3]  }
0x18: {  	[spmem:s11], [sflag:s17] =	dma.local [hbm:s2], $0x2C70  }
0x19: {  	_ =	swait.ge [sflag:s19], $0x2C70  }
0x1a: {  	[sflag:s19] =	ssyncset.done $0x0  }
0x1b: {  	[sflag:s19] =	ssyncadd.s32 $0xFFFFD390  }
0x1c: {  	[bflag:$0x0] =	sbarrier.arrive $0xFFFF  }
0x1d: {  	s2 =	simm.s32 $0x0;
	s17 =	rddreg [dreg:$0x5]  }
0x1e: {  	[tilespmem:s2], [sflag:$0x7] =	stream.linear.gather [hbm4b:s17+s2], $0x40, $0x38;
	[tilespmem:$0x1E080] =	vst v63  }
0x1f: {  	_ =	swait.ge [sflag:s19], $0x40  }
0x20: {  	[sflag:s19] =	ssyncset.done $0x0  }
0x21: {  	s18 =	rddreg [dreg:$0x6];
	[sflag:s19] =	ssyncadd.s32 $0xFFFFFFC0  }
0x22: {  	[tilespmem:s20], [sflag:$0x7] =	stream.linear.gather [hbm4b:s18+s2], $0x40, $0x38;
	[tilespmem:$0x1E080] =	vst v63  }
0x23: {  	_ =	swait.ge [sflag:s19], $0x40  }
0x24: {  	[sflag:s19] =	ssyncset.done $0x0  }
0x25: {  	s14 =	simm.s32 $0x1100;
	s24 =	rddreg [dreg:$0x7];
	[sflag:s19] =	ssyncadd.s32 $0xFFFFFFC0  }
0x26: {  	[tilespmem:s14], [sflag:$0x7] =	stream.linear.gather [hbm4b:s24+s2], $0x400, $0x38;
	[tilespmem:$0x1E080] =	vst v63  }
0x27: {  	_ =	swait.ge [sflag:s19], $0x400  }
0x28: {  	[sflag:s19] =	ssyncset.done $0x0  }
0x29: {  	s17 =	simm.s32 $0x100;
	[sflag:s19] =	ssyncadd.s32 $0xFFFFFC00  }
0x2a: {  	[tilespmem:s17], [sflag:$0x1] =	stream.indirect.gather [hbm4b:s7+s22], $0x10, s2, s22, $0xb8;
	[tilespmem:$0x1E080] =	vst v63  }
0x2b: {  	s18 =	simm.s32 $0x900  }
0x2c: {  	[tilespmem:s18], [sflag:$0x3] =	stream.indirect.gather [hbm4b:s8+s22], $0x10, s20, s22, $0xb8;
	[tilespmem:$0x1E080] =	vst v63  }
0x2d: {  	s24 =	simm.s32 $0x1900;
	s14 =	simm.s32 $0x0  }
0x2e: {  	[tilespmem:s24], [sflag:$0x5] =	stream.indirect.gather [hbm4b:s9+s22], $0x80, s2, s22, $0xb8;
	[tilespmem:$0x1E080] =	vst v63  }
.LBB2_2:
0x2f: {  	s2 =	sshll.u32 s14, $0x6  }
0x30: {  	s2 =	sor.u32 s15, s2  }
0x31: {  	s11 =	sshll.u32 s2, $0x3  }
0x32: {  	s11 =	sand.u32 $0x1FFFFFF8, s11  }
0x33: {  	s18 =	simm.s32 $0x0;
	s17 =	sadd.s32 s4, s11  }
0x34: {  	[tilespmem:s22], [sflag:$0x7] =	stream.linear.gather [hbm4b:s17+s18], $0x40, $0x38;
	[tilespmem:$0x1E080] =	vst v63  }
0x35: {  	_ =	swait.ge [sflag:s19], $0x40  }
0x36: {  	[sflag:s19] =	ssyncset.done $0x0  }
0x37: {  	s11 =	sadd.s32 s5, s11;
	[sflag:s19] =	ssyncadd.s32 $0xFFFFFFC0  }
0x38: {  	[tilespmem:s28], [sflag:$0x7] =	stream.linear.gather [hbm4b:s11+s18], $0x40, $0x38;
	[tilespmem:$0x1E080] =	vst v63  }
0x39: {  	s2 =	sshll.u32 s2, $0x7;
	_ =	swait.ge [sflag:s19], $0x40  }
0x3a: {  	s2 =	sand.u32 $0x1FFFFF80, s2;
	[sflag:s19] =	ssyncset.done $0x0  }
0x3b: {  	s2 =	sadd.s32 s6, s2;
	[sflag:s19] =	ssyncadd.s32 $0xFFFFFFC0  }
0x3c: {  	[tilespmem:s29], [sflag:$0x7] =	stream.linear.gather [hbm4b:s2+s18], $0x400, $0x38;
	[tilespmem:$0x1E080] =	vst v63  }
0x3d: {  	_ =	swait.ge [sflag:s19], $0x400  }
0x3e: {  	[sflag:s19] =	ssyncset.done $0x0  }
0x3f: {  	[sflag:s19] =	ssyncadd.s32 $0xFFFFFC00  }
0x40: {  	[tilespmem:s30], [sflag:$0x2] =	stream.indirect.gather [hbm4b:s7+s22], $0x10, s22, s22, $0xb8;
	[tilespmem:$0x1E080] =	vst v63  }
0x41: {  	_ = 	snop  }
0x42: {  	[tilespmem:s31], [sflag:$0x4] =	stream.indirect.gather [hbm4b:s8+s22], $0x10, s28, s22, $0xb8;
	[tilespmem:$0x1E080] =	vst v63  }
0x43: {  	_ = 	snop  }
0x44: {  	[tilespmem:s0], [sflag:$0x6] =	stream.indirect.gather [hbm4b:s9+s22], $0x80, s22, s22, $0xb8;
	[tilespmem:$0x1E080] =	vst v63  }
0x45: {  	_ =	swait.ge [sflag:s3], $0x400  }
0x46: {  	[sflag:s3] =	ssyncset.done $0x0  }
0x47: {  	[sflag:s3] =	ssyncadd.s32 $0xFFFFFC00  }
0x48: {  	_ =	swait.ge [sflag:s21], $0x400  }
0x49: {  	[sflag:s21] =	ssyncset.done $0x0  }
0x4a: {  	[sflag:s21] =	ssyncadd.s32 $0xFFFFFC00  }
0x4b: {  	_ =	swait.ge [sflag:s23], $0x2000  }
0x4c: {  	[sflag:s23] =	ssyncset.done $0x0  }
0x4d: {  	s18 =	simm.s32 $0x0;
	[sflag:s23] =	ssyncadd.s32 $0xFFFFE000  }
0x4e: {  	v0 =	vld [tilespmem:s18+$0x100]  }
0x4f: {  	v1 =	vld [tilespmem:s18+$0x900];
	_ =	sdelay $0x1  }
0x50: {  	v2 =	vld [tilespmem:s18+$0x1100];
	_ =	sdelay $0x2  }
0x51: {  	v0 =	vadd.f32 v1, v0;
	_ =	sdelay $0x1  }
0x52: {  	v0 =	vadd.f32 v2, v0;
	_ =	sdelay $0x1  }
0x53: {  	v1 =	vmul.f32 $2.000000030e-01, v0  }
0x54: {  	vm1 =	vge.f32 v0, $0.0e+00  }
0x55: {  	v0 =	vsel vm1, v0, v1  }
0x56: {  	v0 =	vmul.f32 $1.442695020e+00, v0;
	_ =	sdelay $0x1  }
0x57: {  	(erf) = vpow2.f32 v0;
	_ =	sdelay $0x8  }
0x58: {  	v0 =	vpop (erf)  }
0x59: {  	s17 =	simm.s32 $0x5990;
	v1 =	vsel vm0, v0, v2  }
0x5a: {  	s24 =	simm.s32 $0x1980;
	[tilespmem:s17+$0xFFFFFFF0] =	vst v1  }
0x5b: {  	v1 =	vld [tilespmem:s24+$0xFFFFFF80];
	_ =	sdelay $0x2  }
0x5c: {  	v2 =	vbroadcast v0, $0x0;
	_ =	sdelay $0x1  }
0x5d: {  	v1 =	vmul.f32 v2, v1;
	_ =	sdelay $0x1  }
0x5e: {  	[tilespmem:s17+$0xFFFFFF70] =	vst v1  }
0x5f: {  	v1 =	vld [tilespmem:s24+$0xFFFFFF90];
	_ =	sdelay $0x4  }
0x60: {  	v1 =	vmul.f32 v2, v1;
	_ =	sdelay $0x1  }
0x61: {  	[tilespmem:s17+$0xFFFFFF80] =	vst v1  }
0x62: {  	v1 =	vld [tilespmem:s24+$0xFFFFFFA0];
	_ =	sdelay $0x2  }
0x63: {  	v2 =	vbroadcast v0, $0x1;
	_ =	sdelay $0x1  }
0x64: {  	v1 =	vmul.f32 v2, v1;
	_ =	sdelay $0x1  }
0x65: {  	[tilespmem:s17+$0xFFFFFF90] =	vst v1  }
0x66: {  	v1 =	vld [tilespmem:s24+$0xFFFFFFB0];
	_ =	sdelay $0x4  }
0x67: {  	v1 =	vmul.f32 v1, v2;
	_ =	sdelay $0x1  }
0x68: {  	[tilespmem:s17+$0xFFFFFFA0] =	vst v1  }
0x69: {  	v1 =	vld [tilespmem:s24+$0xFFFFFFC0];
	_ =	sdelay $0x2  }
0x6a: {  	v2 =	vbroadcast v0, $0x2;
	_ =	sdelay $0x1  }
0x6b: {  	v1 =	vmul.f32 v1, v2;
	_ =	sdelay $0x1  }
0x6c: {  	[tilespmem:s17+$0xFFFFFFB0] =	vst v1  }
0x6d: {  	v1 =	vld [tilespmem:s24+$0xFFFFFFD0];
	_ =	sdelay $0x4  }
0x6e: {  	v1 =	vmul.f32 v1, v2;
	_ =	sdelay $0x1  }
0x6f: {  	[tilespmem:s17+$0xFFFFFFC0] =	vst v1  }
0x70: {  	v1 =	vld [tilespmem:s24+$0xFFFFFFE0];
	_ =	sdelay $0x2  }
0x71: {  	v0 =	vbroadcast v0, $0x3;
	_ =	sdelay $0x1  }
0x72: {  	v1 =	vmul.f32 v1, v0;
	_ =	sdelay $0x1  }
0x73: {  	[tilespmem:s17+$0xFFFFFFD0] =	vst v1  }
0x74: {  	v1 =	vld [tilespmem:s24+$0xFFFFFFF0];
	_ =	sdelay $0x4  }
0x75: {  	v0 =	vmul.f32 v1, v0;
	_ =	sdelay $0x1  }
0x76: {  	[tilespmem:s17+$0xFFFFFFE0] =	vst v0  }
0x77: {  	v0 =	vld [tilespmem:s18+$0x110]  }
0x78: {  	v1 =	vld [tilespmem:s18+$0x910];
	_ =	sdelay $0x1  }
0x79: {  	v2 =	vld [tilespmem:s18+$0x1110];
	_ =	sdelay $0x2  }
0x7a: {  	v0 =	vadd.f32 v1, v0;
	_ =	sdelay $0x1  }
0x7b: {  	v0 =	vadd.f32 v2, v0;
	_ =	sdelay $0x1  }
0x7c: {  	v1 =	vmul.f32 $2.000000030e-01, v0  }
0x7d: {  	vm1 =	vge.f32 v0, $0.0e+00  }
0x7e: {  	v0 =	vsel vm1, v0, v1  }
0x7f: {  	v0 =	vmul.f32 $1.442695020e+00, v0;
	_ =	sdelay $0x1  }
0x80: {  	(erf) = vpow2.f32 v0;
	_ =	sdelay $0x8  }
0x81: {  	v0 =	vpop (erf)  }
0x82: {  	v1 =	vsel vm0, v0, v2  }
0x83: {  	[tilespmem:s17+$0x80] =	vst v1  }
0x84: {  	v1 =	vld [tilespmem:s24+$0x0];
	_ =	sdelay $0x2  }
0x85: {  	v2 =	vbroadcast v0, $0x0;
	_ =	sdelay $0x1  }
0x86: {  	v1 =	vmul.f32 v2, v1;
	_ =	sdelay $0x1  }
0x87: {  	[tilespmem:s17+$0x0] =	vst v1  }
0x88: {  	v1 =	vld [tilespmem:s24+$0x10];
	_ =	sdelay $0x4  }
0x89: {  	v1 =	vmul.f32 v2, v1;
	_ =	sdelay $0x1  }
0x8a: {  	[tilespmem:s17+$0x10] =	vst v1  }
0x8b: {  	v1 =	vld [tilespmem:s24+$0x20];
	_ =	sdelay $0x2  }
0x8c: {  	v2 =	vbroadcast v0, $0x1;
	_ =	sdelay $0x1  }
0x8d: {  	v1 =	vmul.f32 v2, v1;
	_ =	sdelay $0x1  }
0x8e: {  	[tilespmem:s17+$0x20] =	vst v1  }
0x8f: {  	v1 =	vld [tilespmem:s24+$0x30];
	_ =	sdelay $0x4  }
0x90: {  	v1 =	vmul.f32 v1, v2;
	_ =	sdelay $0x1  }
0x91: {  	[tilespmem:s17+$0x30] =	vst v1  }
0x92: {  	v1 =	vld [tilespmem:s24+$0x40];
	_ =	sdelay $0x2  }
0x93: {  	v2 =	vbroadcast v0, $0x2;
	_ =	sdelay $0x1  }
0x94: {  	v1 =	vmul.f32 v1, v2;
	_ =	sdelay $0x1  }
0x95: {  	[tilespmem:s17+$0x40] =	vst v1  }
0x96: {  	v1 =	vld [tilespmem:s24+$0x50];
	_ =	sdelay $0x4  }
0x97: {  	v1 =	vmul.f32 v1, v2;
	_ =	sdelay $0x1  }
0x98: {  	[tilespmem:s17+$0x50] =	vst v1  }
0x99: {  	v1 =	vld [tilespmem:s24+$0x60];
	_ =	sdelay $0x2  }
0x9a: {  	v0 =	vbroadcast v0, $0x3;
	_ =	sdelay $0x1  }
0x9b: {  	v1 =	vmul.f32 v1, v0;
	_ =	sdelay $0x1  }
0x9c: {  	[tilespmem:s17+$0x60] =	vst v1  }
0x9d: {  	s11 =	simm.s32 $0x80;
	s18 =	simm.s32 $0x5990;
	v1 =	vld [tilespmem:s24+$0x70]  }
.LBB2_3:
0x9e: {  	_ =	sdelay $0x2  }
0x9f: {  	p0 =	sne.s32 s11, $0xF80;
	s17 =	sadd.s32 $0x120, s17;
	s24 =	sadd.s32 $0x100, s24  }
0xa0: {  	s2 =	smov.u32 s11;
	s11 =	sadd.s32 $0x80, s11;
	v0 =	vmul.f32 v1, v0  }
0xa1: {  	s2 =	sshra.s32 s2, $0x2  }
0xa2: {  	[tilespmem:s18+$0x70] =	vst v0;
	s18 =	smov.u32 s17  }
0xa3: {  	v0 =	vld [tilespmem:s2+$0x100]  }
0xa4: {  	v1 =	vld [tilespmem:s2+$0x900];
	_ =	sdelay $0x1  }
0xa5: {  	v2 =	vld [tilespmem:s2+$0x1100];
	_ =	sdelay $0x2  }
0xa6: {  	v0 =	vadd.f32 v1, v0;
	_ =	sdelay $0x1  }
0xa7: {  	v0 =	vadd.f32 v2, v0;
	_ =	sdelay $0x1  }
0xa8: {  	v1 =	vmul.f32 $2.000000030e-01, v0  }
0xa9: {  	vm1 =	vge.f32 v0, $0.0e+00  }
0xaa: {  	v0 =	vsel vm1, v0, v1  }
0xab: {  	v0 =	vmul.f32 $1.442695020e+00, v0;
	_ =	sdelay $0x1  }
0xac: {  	(erf) = vpow2.f32 v0;
	_ =	sdelay $0x8  }
0xad: {  	v0 =	vpop (erf)  }
0xae: {  	v1 =	vsel vm0, v0, v2  }
0xaf: {  	[tilespmem:s17+$0xFFFFFFF0] =	vst v1  }
0xb0: {  	v1 =	vld [tilespmem:s24+$0xFFFFFF80];
	_ =	sdelay $0x2  }
0xb1: {  	v2 =	vbroadcast v0, $0x0;
	_ =	sdelay $0x1  }
0xb2: {  	v1 =	vmul.f32 v2, v1;
	_ =	sdelay $0x1  }
0xb3: {  	[tilespmem:s17+$0xFFFFFF70] =	vst v1  }
0xb4: {  	v1 =	vld [tilespmem:s24+$0xFFFFFF90];
	_ =	sdelay $0x4  }
0xb5: {  	v1 =	vmul.f32 v2, v1;
	_ =	sdelay $0x1  }
0xb6: {  	[tilespmem:s17+$0xFFFFFF80] =	vst v1  }
0xb7: {  	v1 =	vld [tilespmem:s24+$0xFFFFFFA0];
	_ =	sdelay $0x2  }
0xb8: {  	v2 =	vbroadcast v0, $0x1;
	_ =	sdelay $0x1  }
0xb9: {  	v1 =	vmul.f32 v2, v1;
	_ =	sdelay $0x1  }
0xba: {  	[tilespmem:s17+$0xFFFFFF90] =	vst v1  }
0xbb: {  	v1 =	vld [tilespmem:s24+$0xFFFFFFB0];
	_ =	sdelay $0x4  }
0xbc: {  	v1 =	vmul.f32 v1, v2;
	_ =	sdelay $0x1  }
0xbd: {  	[tilespmem:s17+$0xFFFFFFA0] =	vst v1  }
0xbe: {  	v1 =	vld [tilespmem:s24+$0xFFFFFFC0];
	_ =	sdelay $0x2  }
0xbf: {  	v2 =	vbroadcast v0, $0x2;
	_ =	sdelay $0x1  }
0xc0: {  	v1 =	vmul.f32 v1, v2;
	_ =	sdelay $0x1  }
0xc1: {  	[tilespmem:s17+$0xFFFFFFB0] =	vst v1  }
0xc2: {  	v1 =	vld [tilespmem:s24+$0xFFFFFFD0];
	_ =	sdelay $0x4  }
0xc3: {  	v1 =	vmul.f32 v1, v2;
	_ =	sdelay $0x1  }
0xc4: {  	[tilespmem:s17+$0xFFFFFFC0] =	vst v1  }
0xc5: {  	v1 =	vld [tilespmem:s24+$0xFFFFFFE0];
	_ =	sdelay $0x2  }
0xc6: {  	v0 =	vbroadcast v0, $0x3;
	_ =	sdelay $0x1  }
0xc7: {  	v1 =	vmul.f32 v1, v0;
	_ =	sdelay $0x1  }
0xc8: {  	[tilespmem:s17+$0xFFFFFFD0] =	vst v1  }
0xc9: {  	v1 =	vld [tilespmem:s24+$0xFFFFFFF0];
	_ =	sdelay $0x4  }
0xca: {  	v0 =	vmul.f32 v1, v0;
	_ =	sdelay $0x1  }
0xcb: {  	[tilespmem:s17+$0xFFFFFFE0] =	vst v0  }
0xcc: {  	v0 =	vld [tilespmem:s2+$0x110]  }
0xcd: {  	v1 =	vld [tilespmem:s2+$0x910];
	_ =	sdelay $0x1  }
0xce: {  	v2 =	vld [tilespmem:s2+$0x1110];
	_ =	sdelay $0x2  }
0xcf: {  	v0 =	vadd.f32 v1, v0;
	_ =	sdelay $0x1  }
0xd0: {  	v0 =	vadd.f32 v2, v0;
	_ =	sdelay $0x1  }
0xd1: {  	vm1 =	vge.f32 v0, $0.0e+00;
	v1 =	vmul.f32 $2.000000030e-01, v0;
	_ =	sdelay $0x1  }
0xd2: {  	v0 =	vsel vm1, v0, v1  }
0xd3: {  	v0 =	vmul.f32 $1.442695020e+00, v0;
	_ =	sdelay $0x1  }
0xd4: {  	(erf) = vpow2.f32 v0;
	_ =	sdelay $0x8  }
0xd5: {  	v0 =	vpop (erf)  }
0xd6: {  	v1 =	vsel vm0, v0, v2  }
0xd7: {  	[tilespmem:s17+$0x80] =	vst v1  }
0xd8: {  	v1 =	vld [tilespmem:s24+$0x0];
	_ =	sdelay $0x1  }
0xd9: {  	v2 =	vbroadcast v0, $0x0;
	_ =	sdelay $0x2  }
0xda: {  	v1 =	vmul.f32 v2, v1;
	_ =	sdelay $0x1  }
0xdb: {  	[tilespmem:s17+$0x0] =	vst v1  }
0xdc: {  	v1 =	vld [tilespmem:s24+$0x10];
	_ =	sdelay $0x4  }
0xdd: {  	v1 =	vmul.f32 v2, v1;
	_ =	sdelay $0x1  }
0xde: {  	[tilespmem:s17+$0x10] =	vst v1  }
0xdf: {  	v1 =	vld [tilespmem:s24+$0x20];
	_ =	sdelay $0x1  }
0xe0: {  	v2 =	vbroadcast v0, $0x1;
	_ =	sdelay $0x2  }
0xe1: {  	v1 =	vmul.f32 v2, v1;
	_ =	sdelay $0x1  }
0xe2: {  	[tilespmem:s17+$0x20] =	vst v1  }
0xe3: {  	v1 =	vld [tilespmem:s24+$0x30];
	_ =	sdelay $0x4  }
0xe4: {  	v1 =	vmul.f32 v1, v2;
	_ =	sdelay $0x1  }
0xe5: {  	[tilespmem:s17+$0x30] =	vst v1  }
0xe6: {  	v1 =	vld [tilespmem:s24+$0x40];
	_ =	sdelay $0x1  }
0xe7: {  	v2 =	vbroadcast v0, $0x2;
	_ =	sdelay $0x2  }
0xe8: {  	v1 =	vmul.f32 v1, v2;
	_ =	sdelay $0x1  }
0xe9: {  	[tilespmem:s17+$0x40] =	vst v1  }
0xea: {  	v1 =	vld [tilespmem:s24+$0x50];
	_ =	sdelay $0x4  }
0xeb: {  	v1 =	vmul.f32 v1, v2;
	_ =	sdelay $0x1  }
0xec: {  	[tilespmem:s17+$0x50] =	vst v1  }
0xed: {  	v1 =	vld [tilespmem:s24+$0x60];
	_ =	sdelay $0x1  }
0xee: {  	v0 =	vbroadcast v0, $0x3;
	_ =	sdelay $0x1  }
.Ltmp0:
0xef: {  	(pc) =	sbr.rel @p0 .LBB2_3-.Ltmp0, $3  }
0xf0: {  	v1 =	vmul.f32 v1, v0;
	_ =	sdelay $0x1  }
0xf1: {  	[tilespmem:s17+$0x60] =	vst v1  }
0xf2: {  	v1 =	vld [tilespmem:s24+$0x70]  }
0xf3: {  	_ =	sdelay $0x3  }
0xf4: {  	v0 =	vmul.f32 v1, v0  }
0xf5: {  	p0 =	seq.s32 s14, $0x4E  }
0xf6: {  	s2 =	sshll.u32 @!p0 s14, $0xC;
	[tilespmem:s18+$0x70] =	vst v0  }
0xf7: {  	[spmem:s1] =	stream.indirect.scatter.add.f32 [tilespmem:s25], [sflag:$0x7], $0x90, s20, s22, $0xb8;
	[tilespmem:$0x1E080] =	vst v63  }
0xf8: {  	s2 =	sadd.s32 @!p0 s16, s2;
	_ =	swait.ge [sflag:s19], $0x2400  }
0xf9: {  	s11 =	sshrl.u32 @!p0 s2, $0x3;
	[sflag:s19] =	ssyncset.done $0x0  }
0xfa: {  	s17 =	sadd.s32 @!p0 s4, s11;
	s18 =	simm.s32 @!p0 $0x0;
	[sflag:s19] =	ssyncadd.s32 $0xFFFFDC00  }
0xfb: {  	[tilespmem:s18], [sflag:$0x7] =	stream.linear.gather @!p0 [hbm4b:s17+s18], $0x40, $0x38;
	[tilespmem:$0x1E080] =	vst v63  }
0xfc: {  	s17 =	simm.s32 @!p0 $0x7  }
0xfd: {  	_ =	swait.ge @!p0 [sflag:s17], $0x40  }
0xfe: {  	[sflag:s17] =	ssyncset.done @!p0 $0x0  }
0xff: {  	s24 =	simm.s32 @!p0 $0x80;
	s11 =	sadd.s32 @!p0 s5, s11;
	[sflag:s17] =	ssyncadd.s32 @!p0 $0xFFFFFFC0  }
0x100: {  	[tilespmem:s24], [sflag:$0x7] =	stream.linear.gather @!p0 [hbm4b:s11+s18], $0x40, $0x38;
	[tilespmem:$0x1E080] =	vst v63  }
0x101: {  	s2 =	sshll.u32 @!p0 s2, $0x1;
	_ =	swait.ge @!p0 [sflag:s17], $0x40  }
0x102: {  	s2 =	sand.u32 @!p0 $0x1FFFFF80, s2;
	[sflag:s17] =	ssyncset.done @!p0 $0x0  }
0x103: {  	s2 =	sadd.s32 @!p0 s6, s2;
	s11 =	simm.s32 @!p0 $0x1100;
	[sflag:s17] =	ssyncadd.s32 @!p0 $0xFFFFFFC0  }
0x104: {  	[tilespmem:s11], [sflag:$0x7] =	stream.linear.gather @!p0 [hbm4b:s2+s18], $0x400, $0x38;
	[tilespmem:$0x1E080] =	vst v63  }
0x105: {  	_ =	swait.ge @!p0 [sflag:s17], $0x400  }
0x106: {  	[sflag:s17] =	ssyncset.done @!p0 $0x0  }
0x107: {  	s2 =	simm.s32 @!p0 $0x40;
	s11 =	simm.s32 @!p0 $0x100;
	[sflag:s17] =	ssyncadd.s32 @!p0 $0xFFFFFC00  }
0x108: {  	[tilespmem:s11], [sflag:$0x1] =	stream.indirect.gather @!p0 [hbm4b:s7+s2], $0x10, s18, s2, $0xb8;
	[tilespmem:$0x1E080] =	vst v63  }
0x109: {  	s11 =	simm.s32 @!p0 $0x900  }
0x10a: {  	[tilespmem:s11], [sflag:$0x3] =	stream.indirect.gather @!p0 [hbm4b:s8+s2], $0x10, s24, s2, $0xb8;
	[tilespmem:$0x1E080] =	vst v63  }
0x10b: {  	s11 =	simm.s32 @!p0 $0x1900  }
0x10c: {  	[tilespmem:s11], [sflag:$0x5] =	stream.indirect.gather @!p0 [hbm4b:s9+s2], $0x80, s18, s2, $0xb8;
	[tilespmem:$0x1E080] =	vst v63  }
0x10d: {  	_ =	swait.ge [sflag:s26], $0x400  }
0x10e: {  	[sflag:s26] =	ssyncset.done $0x0  }
0x10f: {  	[sflag:s26] =	ssyncadd.s32 $0xFFFFFC00  }
0x110: {  	_ =	swait.ge [sflag:s10], $0x400  }
0x111: {  	[sflag:s10] =	ssyncset.done $0x0  }
0x112: {  	[sflag:s10] =	ssyncadd.s32 $0xFFFFFC00  }
0x113: {  	_ =	swait.ge [sflag:s12], $0x2000  }
0x114: {  	[sflag:s12] =	ssyncset.done $0x0  }
0x115: {  	s18 =	simm.s32 $0x0;
	[sflag:s12] =	ssyncadd.s32 $0xFFFFE000  }
0x116: {  	v0 =	vld [tilespmem:s18+$0x500]  }
0x117: {  	v1 =	vld [tilespmem:s18+$0xD00];
	_ =	sdelay $0x1  }
0x118: {  	v2 =	vld [tilespmem:s18+$0x1500];
	_ =	sdelay $0x2  }
0x119: {  	v0 =	vadd.f32 v1, v0;
	_ =	sdelay $0x1  }
0x11a: {  	v0 =	vadd.f32 v2, v0;
	_ =	sdelay $0x1  }
0x11b: {  	v1 =	vmul.f32 $2.000000030e-01, v0  }
0x11c: {  	vm1 =	vge.f32 v0, $0.0e+00  }
0x11d: {  	v0 =	vsel vm1, v0, v1  }
0x11e: {  	v0 =	vmul.f32 $1.442695020e+00, v0;
	_ =	sdelay $0x1  }
0x11f: {  	(erf) = vpow2.f32 v0;
	_ =	sdelay $0x8  }
0x120: {  	v0 =	vpop (erf)  }
0x121: {  	s17 =	simm.s32 $0x5990;
	v1 =	vsel vm0, v0, v2  }
0x122: {  	s24 =	simm.s32 $0x3980;
	[tilespmem:s17+$0xFFFFFFF0] =	vst v1  }
0x123: {  	v1 =	vld [tilespmem:s24+$0xFFFFFF80];
	_ =	sdelay $0x2  }
0x124: {  	v2 =	vbroadcast v0, $0x0;
	_ =	sdelay $0x1  }
0x125: {  	v1 =	vmul.f32 v2, v1;
	_ =	sdelay $0x1  }
0x126: {  	[tilespmem:s17+$0xFFFFFF70] =	vst v1  }
0x127: {  	v1 =	vld [tilespmem:s24+$0xFFFFFF90];
	_ =	sdelay $0x4  }
0x128: {  	v1 =	vmul.f32 v2, v1;
	_ =	sdelay $0x1  }
0x129: {  	[tilespmem:s17+$0xFFFFFF80] =	vst v1  }
0x12a: {  	v1 =	vld [tilespmem:s24+$0xFFFFFFA0];
	_ =	sdelay $0x2  }
0x12b: {  	v2 =	vbroadcast v0, $0x1;
	_ =	sdelay $0x1  }
0x12c: {  	v1 =	vmul.f32 v2, v1;
	_ =	sdelay $0x1  }
0x12d: {  	[tilespmem:s17+$0xFFFFFF90] =	vst v1  }
0x12e: {  	v1 =	vld [tilespmem:s24+$0xFFFFFFB0];
	_ =	sdelay $0x4  }
0x12f: {  	v1 =	vmul.f32 v1, v2;
	_ =	sdelay $0x1  }
0x130: {  	[tilespmem:s17+$0xFFFFFFA0] =	vst v1  }
0x131: {  	v1 =	vld [tilespmem:s24+$0xFFFFFFC0];
	_ =	sdelay $0x2  }
0x132: {  	v2 =	vbroadcast v0, $0x2;
	_ =	sdelay $0x1  }
0x133: {  	v1 =	vmul.f32 v1, v2;
	_ =	sdelay $0x1  }
0x134: {  	[tilespmem:s17+$0xFFFFFFB0] =	vst v1  }
0x135: {  	v1 =	vld [tilespmem:s24+$0xFFFFFFD0];
	_ =	sdelay $0x4  }
0x136: {  	v1 =	vmul.f32 v1, v2;
	_ =	sdelay $0x1  }
0x137: {  	[tilespmem:s17+$0xFFFFFFC0] =	vst v1  }
0x138: {  	v1 =	vld [tilespmem:s24+$0xFFFFFFE0];
	_ =	sdelay $0x2  }
0x139: {  	v0 =	vbroadcast v0, $0x3;
	_ =	sdelay $0x1  }
0x13a: {  	v1 =	vmul.f32 v1, v0;
	_ =	sdelay $0x1  }
0x13b: {  	[tilespmem:s17+$0xFFFFFFD0] =	vst v1  }
0x13c: {  	v1 =	vld [tilespmem:s24+$0xFFFFFFF0];
	_ =	sdelay $0x4  }
0x13d: {  	v0 =	vmul.f32 v1, v0;
	_ =	sdelay $0x1  }
0x13e: {  	[tilespmem:s17+$0xFFFFFFE0] =	vst v0  }
0x13f: {  	v0 =	vld [tilespmem:s18+$0x510]  }
0x140: {  	v1 =	vld [tilespmem:s18+$0xD10];
	_ =	sdelay $0x1  }
0x141: {  	v2 =	vld [tilespmem:s18+$0x1510];
	_ =	sdelay $0x2  }
0x142: {  	v0 =	vadd.f32 v1, v0;
	_ =	sdelay $0x1  }
0x143: {  	v0 =	vadd.f32 v2, v0;
	_ =	sdelay $0x1  }
0x144: {  	v1 =	vmul.f32 $2.000000030e-01, v0  }
0x145: {  	vm1 =	vge.f32 v0, $0.0e+00  }
0x146: {  	v0 =	vsel vm1, v0, v1  }
0x147: {  	v0 =	vmul.f32 $1.442695020e+00, v0;
	_ =	sdelay $0x1  }
0x148: {  	(erf) = vpow2.f32 v0;
	_ =	sdelay $0x8  }
0x149: {  	v0 =	vpop (erf)  }
0x14a: {  	v1 =	vsel vm0, v0, v2  }
0x14b: {  	[tilespmem:s17+$0x80] =	vst v1  }
0x14c: {  	v1 =	vld [tilespmem:s24+$0x0];
	_ =	sdelay $0x2  }
0x14d: {  	v2 =	vbroadcast v0, $0x0;
	_ =	sdelay $0x1  }
0x14e: {  	v1 =	vmul.f32 v2, v1;
	_ =	sdelay $0x1  }
0x14f: {  	[tilespmem:s17+$0x0] =	vst v1  }
0x150: {  	v1 =	vld [tilespmem:s24+$0x10];
	_ =	sdelay $0x4  }
0x151: {  	v1 =	vmul.f32 v2, v1;
	_ =	sdelay $0x1  }
0x152: {  	[tilespmem:s17+$0x10] =	vst v1  }
0x153: {  	v1 =	vld [tilespmem:s24+$0x20];
	_ =	sdelay $0x2  }
0x154: {  	v2 =	vbroadcast v0, $0x1;
	_ =	sdelay $0x1  }
0x155: {  	v1 =	vmul.f32 v2, v1;
	_ =	sdelay $0x1  }
0x156: {  	[tilespmem:s17+$0x20] =	vst v1  }
0x157: {  	v1 =	vld [tilespmem:s24+$0x30];
	_ =	sdelay $0x4  }
0x158: {  	v1 =	vmul.f32 v1, v2;
	_ =	sdelay $0x1  }
0x159: {  	[tilespmem:s17+$0x30] =	vst v1  }
0x15a: {  	v1 =	vld [tilespmem:s24+$0x40];
	_ =	sdelay $0x2  }
0x15b: {  	v2 =	vbroadcast v0, $0x2;
	_ =	sdelay $0x1  }
0x15c: {  	v1 =	vmul.f32 v1, v2;
	_ =	sdelay $0x1  }
0x15d: {  	[tilespmem:s17+$0x40] =	vst v1  }
0x15e: {  	v1 =	vld [tilespmem:s24+$0x50];
	_ =	sdelay $0x4  }
0x15f: {  	v1 =	vmul.f32 v1, v2;
	_ =	sdelay $0x1  }
0x160: {  	[tilespmem:s17+$0x50] =	vst v1  }
0x161: {  	v1 =	vld [tilespmem:s24+$0x60];
	_ =	sdelay $0x2  }
0x162: {  	v0 =	vbroadcast v0, $0x3;
	_ =	sdelay $0x1  }
0x163: {  	v1 =	vmul.f32 v1, v0;
	_ =	sdelay $0x1  }
0x164: {  	[tilespmem:s17+$0x60] =	vst v1  }
0x165: {  	s11 =	simm.s32 $0x80;
	s18 =	simm.s32 $0x5990;
	v1 =	vld [tilespmem:s24+$0x70]  }
.LBB2_5:
0x166: {  	_ =	sdelay $0x2  }
0x167: {  	p0 =	sne.s32 s11, $0xF80;
	s17 =	sadd.s32 $0x120, s17;
	s24 =	sadd.s32 $0x100, s24  }
0x168: {  	s2 =	smov.u32 s11;
	s11 =	sadd.s32 $0x80, s11;
	v0 =	vmul.f32 v1, v0  }
0x169: {  	s2 =	sshra.s32 s2, $0x2  }
0x16a: {  	[tilespmem:s18+$0x70] =	vst v0;
	s18 =	smov.u32 s17  }
0x16b: {  	v0 =	vld [tilespmem:s2+$0x500]  }
0x16c: {  	v1 =	vld [tilespmem:s2+$0xD00];
	_ =	sdelay $0x1  }
0x16d: {  	v2 =	vld [tilespmem:s2+$0x1500];
	_ =	sdelay $0x2  }
0x16e: {  	v0 =	vadd.f32 v1, v0;
	_ =	sdelay $0x1  }
0x16f: {  	v0 =	vadd.f32 v2, v0;
	_ =	sdelay $0x1  }
0x170: {  	v1 =	vmul.f32 $2.000000030e-01, v0  }
0x171: {  	vm1 =	vge.f32 v0, $0.0e+00  }
0x172: {  	v0 =	vsel vm1, v0, v1  }
0x173: {  	v0 =	vmul.f32 $1.442695020e+00, v0;
	_ =	sdelay $0x1  }
0x174: {  	(erf) = vpow2.f32 v0;
	_ =	sdelay $0x8  }
0x175: {  	v0 =	vpop (erf)  }
0x176: {  	v1 =	vsel vm0, v0, v2  }
0x177: {  	[tilespmem:s17+$0xFFFFFFF0] =	vst v1  }
0x178: {  	v1 =	vld [tilespmem:s24+$0xFFFFFF80];
	_ =	sdelay $0x2  }
0x179: {  	v2 =	vbroadcast v0, $0x0;
	_ =	sdelay $0x1  }
0x17a: {  	v1 =	vmul.f32 v2, v1;
	_ =	sdelay $0x1  }
0x17b: {  	[tilespmem:s17+$0xFFFFFF70] =	vst v1  }
0x17c: {  	v1 =	vld [tilespmem:s24+$0xFFFFFF90];
	_ =	sdelay $0x4  }
0x17d: {  	v1 =	vmul.f32 v2, v1;
	_ =	sdelay $0x1  }
0x17e: {  	[tilespmem:s17+$0xFFFFFF80] =	vst v1  }
0x17f: {  	v1 =	vld [tilespmem:s24+$0xFFFFFFA0];
	_ =	sdelay $0x2  }
0x180: {  	v2 =	vbroadcast v0, $0x1;
	_ =	sdelay $0x1  }
0x181: {  	v1 =	vmul.f32 v2, v1;
	_ =	sdelay $0x1  }
0x182: {  	[tilespmem:s17+$0xFFFFFF90] =	vst v1  }
0x183: {  	v1 =	vld [tilespmem:s24+$0xFFFFFFB0];
	_ =	sdelay $0x4  }
0x184: {  	v1 =	vmul.f32 v1, v2;
	_ =	sdelay $0x1  }
0x185: {  	[tilespmem:s17+$0xFFFFFFA0] =	vst v1  }
0x186: {  	v1 =	vld [tilespmem:s24+$0xFFFFFFC0];
	_ =	sdelay $0x2  }
0x187: {  	v2 =	vbroadcast v0, $0x2;
	_ =	sdelay $0x1  }
0x188: {  	v1 =	vmul.f32 v1, v2;
	_ =	sdelay $0x1  }
0x189: {  	[tilespmem:s17+$0xFFFFFFB0] =	vst v1  }
0x18a: {  	v1 =	vld [tilespmem:s24+$0xFFFFFFD0];
	_ =	sdelay $0x4  }
0x18b: {  	v1 =	vmul.f32 v1, v2;
	_ =	sdelay $0x1  }
0x18c: {  	[tilespmem:s17+$0xFFFFFFC0] =	vst v1  }
0x18d: {  	v1 =	vld [tilespmem:s24+$0xFFFFFFE0];
	_ =	sdelay $0x2  }
0x18e: {  	v0 =	vbroadcast v0, $0x3;
	_ =	sdelay $0x1  }
0x18f: {  	v1 =	vmul.f32 v1, v0;
	_ =	sdelay $0x1  }
0x190: {  	[tilespmem:s17+$0xFFFFFFD0] =	vst v1  }
0x191: {  	v1 =	vld [tilespmem:s24+$0xFFFFFFF0];
	_ =	sdelay $0x4  }
0x192: {  	v0 =	vmul.f32 v1, v0;
	_ =	sdelay $0x1  }
0x193: {  	[tilespmem:s17+$0xFFFFFFE0] =	vst v0  }
0x194: {  	v0 =	vld [tilespmem:s2+$0x510]  }
0x195: {  	v1 =	vld [tilespmem:s2+$0xD10];
	_ =	sdelay $0x1  }
0x196: {  	v2 =	vld [tilespmem:s2+$0x1510];
	_ =	sdelay $0x2  }
0x197: {  	v0 =	vadd.f32 v1, v0;
	_ =	sdelay $0x1  }
0x198: {  	v0 =	vadd.f32 v2, v0;
	_ =	sdelay $0x1  }
0x199: {  	vm1 =	vge.f32 v0, $0.0e+00;
	v1 =	vmul.f32 $2.000000030e-01, v0;
	_ =	sdelay $0x1  }
0x19a: {  	v0 =	vsel vm1, v0, v1  }
0x19b: {  	v0 =	vmul.f32 $1.442695020e+00, v0;
	_ =	sdelay $0x1  }
0x19c: {  	(erf) = vpow2.f32 v0;
	_ =	sdelay $0x8  }
0x19d: {  	v0 =	vpop (erf)  }
0x19e: {  	v1 =	vsel vm0, v0, v2  }
0x19f: {  	[tilespmem:s17+$0x80] =	vst v1  }
0x1a0: {  	v1 =	vld [tilespmem:s24+$0x0];
	_ =	sdelay $0x1  }
0x1a1: {  	v2 =	vbroadcast v0, $0x0;
	_ =	sdelay $0x2  }
0x1a2: {  	v1 =	vmul.f32 v2, v1;
	_ =	sdelay $0x1  }
0x1a3: {  	[tilespmem:s17+$0x0] =	vst v1  }
0x1a4: {  	v1 =	vld [tilespmem:s24+$0x10];
	_ =	sdelay $0x4  }
0x1a5: {  	v1 =	vmul.f32 v2, v1;
	_ =	sdelay $0x1  }
0x1a6: {  	[tilespmem:s17+$0x10] =	vst v1  }
0x1a7: {  	v1 =	vld [tilespmem:s24+$0x20];
	_ =	sdelay $0x1  }
0x1a8: {  	v2 =	vbroadcast v0, $0x1;
	_ =	sdelay $0x2  }
0x1a9: {  	v1 =	vmul.f32 v2, v1;
	_ =	sdelay $0x1  }
0x1aa: {  	[tilespmem:s17+$0x20] =	vst v1  }
0x1ab: {  	v1 =	vld [tilespmem:s24+$0x30];
	_ =	sdelay $0x4  }
0x1ac: {  	v1 =	vmul.f32 v1, v2;
	_ =	sdelay $0x1  }
0x1ad: {  	[tilespmem:s17+$0x30] =	vst v1  }
0x1ae: {  	v1 =	vld [tilespmem:s24+$0x40];
	_ =	sdelay $0x1  }
0x1af: {  	v2 =	vbroadcast v0, $0x2;
	_ =	sdelay $0x2  }
0x1b0: {  	v1 =	vmul.f32 v1, v2;
	_ =	sdelay $0x1  }
0x1b1: {  	[tilespmem:s17+$0x40] =	vst v1  }
0x1b2: {  	v1 =	vld [tilespmem:s24+$0x50];
	_ =	sdelay $0x4  }
0x1b3: {  	v1 =	vmul.f32 v1, v2;
	_ =	sdelay $0x1  }
0x1b4: {  	[tilespmem:s17+$0x50] =	vst v1  }
0x1b5: {  	v1 =	vld [tilespmem:s24+$0x60];
	_ =	sdelay $0x1  }
0x1b6: {  	v0 =	vbroadcast v0, $0x3;
	_ =	sdelay $0x1  }
.Ltmp1:
0x1b7: {  	(pc) =	sbr.rel @p0 .LBB2_5-.Ltmp1, $3  }
0x1b8: {  	v1 =	vmul.f32 v1, v0;
	_ =	sdelay $0x1  }
0x1b9: {  	[tilespmem:s17+$0x60] =	vst v1  }
0x1ba: {  	v1 =	vld [tilespmem:s24+$0x70]  }
0x1bb: {  	_ =	sdelay $0x3  }
0x1bc: {  	s14 =	sadd.s32 $0x1, s14;
	v0 =	vmul.f32 v1, v0  }
0x1bd: {  	p0 =	sne.s32 s14, $0x4F  }
.Ltmp2:
0x1be: {  	[tilespmem:s18+$0x70] =	vst v0;
	(pc) =	sbr.rel @p0 .LBB2_2-.Ltmp2, $4  }
0x1bf: {  	[spmem:s1] =	stream.indirect.scatter.add.f32 [tilespmem:s25], [sflag:$0x7], $0x90, s28, s22, $0xb8;
	[tilespmem:$0x1E080] =	vst v63  }
0x1c0: {  	_ =	swait.ge [sflag:s19], $0x2400  }
0x1c1: {  	[sflag:s19] =	ssyncset.done $0x0  }
0x1c2: {  	[sflag:s19] =	ssyncadd.s32 $0xFFFFDC00  }
0x1c3: {  	[bflag:$0x0] =	sbarrier.arrive $0xFFFF  }
0x1c4: {  	s17 =	rddreg [dreg:$0x4]  }
0x1c5: {  	s11 =	rddreg [dreg:$0x9]  }
0x1c6: {  	s2 =	rddreg [dreg:$0xa]  }
0x1c7: {  	[hbm:s2], [sflag:s17] =	dma.local [spmem:s11], $0x2C70  }
0x1c8: {  	_ =	swait.ge [sflag:s19], $0x2C70  }
0x1c9: {  	s13 =	sadd.s32 $0x1, s13;
	s24 =	rddreg [dreg:$0x8]  }
0x1ca: {  	p0 =	sne.s32 s13, s24  }
.Ltmp3:
0x1cb: {  	_ = 	snop;
	(pc) =	sbr.rel @p0 .LBB2_1-.Ltmp3, $3  }
0x1cc: {  	_ =	sdelay $0x1  }
0x1cd: {  	[sflag:s19] =	ssyncset.done $0x0  }
0x1ce: {  	[sflag:s19] =	ssyncadd.s32 $0xFFFFD390  }
0x1cf: {  	_ =	sfence.sel $0x180000  }
0x1d0: {  	[bflag:$0x0] =	sbarrier.arrive $0xFFFF  }
0x1d1: {  	_ =	strace $0x90000047  }
0x1d2: {  	s0 =	stileid.u32;
	[bflag:$0x2] =	sbarrier.arrive $0xFFFF  }
0x1d3: {  	p0 =	sne.s32 s0, $0x0;
	s0 =	rddreg [dreg:$0x2]  }
0x1d4: {  	s0 =	sadd.s32 @!p0 $0x100000, s0  }
0x1d5: {  	[sflag:s0] =	ssyncadd.tile.s32 @!p0 $0x1;
	_ =	shalt  }
.Lfunc_end2:
_tile_overlayer_lowered:
.L_overlay_start_2:
0x1d6: {  	(tag) =	ssettag $0x2  }
0x1d7: {  	s0 =	rddreg [dreg:$0x0];
	s2 =	stileid.u32  }
0x1d8: {  	s1 =	rddreg [dreg:$0x1];
	p0 =	sne.s32 s2, $0x0  }
0x1d9: {  	s3 =	rddreg [dreg:$0x2];
	[bflag:$0x3] =	sbarrier.arrive $0xFFFF;
	s2 =	simm.s32 @!p0 $0x1C07  }
0x1da: {  	[timem:s3], [sflag:s2] =	dma.local @!p0 [hbm:s0], s1  }
0x1db: {  	s0 =	simm.s32 @!p0 $0x7  }
0x1dc: {  	_ =	swait.ge @!p0 [sflag:s0], s1  }
0x1dd: {  	s1 =	ssub.s32 @!p0 $0x0, s1;
	[sflag:s0] =	ssyncset.done @!p0 $0x0  }
0x1de: {  	[sflag:s0] =	ssyncadd.s32 @!p0 s1  }
0x1df: {  	[bflag:$0x3] =	sbarrier.arrive $0xFFFF  }
0x1e0: {  	_ =	shalt  }

</sc_bundles>
